<compile_context>
chip_gen: v7x
topology: tpu7x:2x2x1
jax: 0.10.2.dev20260603
libtpu: 0.0.44.dev20260713+nightly
codegen_flags: <defaults>
</compile_context>

<pallas_src>
import jax
import jax.numpy as jnp
from jax import lax
from jax.experimental import pallas as pl
from jax.experimental.pallas import tpu as pltpu
from jax.experimental.pallas import tpu_sc as plsc

B = 1024
S = 200
D = 64
N = B * S
NW = 32
PER_W = N // NW
G = 2
C = G * 128
NCH = PER_W // C
NBUF = 3
NIN = 4
L = 16
NCOMB = 2 * 3 * S


def _body(seq, lbl, tok, comb, out,
          idx_v, lbl_v, cidx_v, comb_v, rowsA, rowsB,
          in_s, b_s, ga_s, out_s):
    wid = lax.axis_index("s") * 2 + lax.axis_index("c")
    rbase = wid * (PER_W // 128)
    iota = lax.iota(jnp.int32, L)

    @pl.when(lax.axis_index("s") == 0)
    def _():
        pltpu.sync_copy(comb, comb_v)
    plsc.subcore_barrier()

    def fire_in(k):
        t = lax.rem(k, NIN)
        r = rbase + k * G
        pltpu.async_copy(seq.at[pl.ds(r, G)], idx_v.at[t], in_s.at[t])
        pltpu.async_copy(lbl.at[pl.ds(r, G)], lbl_v.at[t], in_s.at[t])

    def wait_in(k):
        t = lax.rem(k, NIN)
        pltpu.make_async_copy(seq.at[pl.ds(0, G)], idx_v.at[t], in_s.at[t]).wait()
        pltpu.make_async_copy(lbl.at[pl.ds(0, G)], lbl_v.at[t], in_s.at[t]).wait()

    def fire_gather(k, b):
        t = lax.rem(k, NIN)
        for i in range(G):
            pltpu.async_copy(
                tok.at[idx_v.at[t, i]],
                rowsA.at[b, pl.ds(i * 128, 128)],
                ga_s.at[b],
            )
        rowg = (rbase + k * G) * 128
        for i in range(G):
            for gg in range(128 // L):
                ids = idx_v[t, i, pl.ds(gg * L, L)]
                lbs = lbl_v[t, i, pl.ds(gg * L, L)]
                pos = lax.rem(rowg + i * 128 + gg * L + iota, S)
                cidx_v[t, i, pl.ds(gg * L, L)] = (
                    lbs * S + pos + jnp.where(ids == 0, 3 * S, 0)
                )

    def wait_gather(b):
        for i in range(G):
            pltpu.make_async_copy(
                tok.at[idx_v.at[0, 0]],
                rowsA.at[b, pl.ds(i * 128, 128)],
                ga_s.at[b],
            ).wait()

    def fire_b(k):
        t = lax.rem(k, NIN)
        q = lax.rem(k, 2)
        for i in range(G):
            pltpu.async_copy(
                comb_v.at[cidx_v.at[t, i]],
                rowsB.at[q, pl.ds(i * 128, 128)],
                b_s.at[q],
            )

    def wait_b(k):
        q = lax.rem(k, 2)
        for i in range(G):
            pltpu.make_async_copy(
                comb_v.at[cidx_v.at[0, 0]],
                rowsB.at[q, pl.ds(i * 128, 128)],
                b_s.at[q],
            ).wait()

    def add_chunk(k, b):
        q = lax.rem(k, 2)

        @plsc.parallel_loop(0, C, 1, unroll=4)
        def _(r):
            for j in range(D // L):
                rowsA[b, r, pl.ds(j * L, L)] = (
                    rowsA[b, r, pl.ds(j * L, L)] + rowsB[q, r, pl.ds(j * L, L)]
                )

    def fire_out(k, b):
        pltpu.async_copy(
            rowsA.at[b],
            out.at[pl.ds((rbase + k * G) * 128, C)],
            out_s.at[b],
        )

    def wait_out(b):
        pltpu.make_async_copy(
            rowsA.at[b], out.at[pl.ds(0, C)], out_s.at[b]
        ).wait()

    fire_in(0)
    fire_in(1)
    wait_in(0)
    fire_gather(0, 0)
    fire_b(0)
    fire_in(2)

    def step(k, _):
        b = lax.rem(k, NBUF)
        p = lax.rem(k - 1, NBUF)
        wait_in(k)

        @pl.when(k >= NBUF)
        def _():
            wait_out(b)

        fire_gather(k, b)
        fire_b(k)

        @pl.when(k + 2 < NCH)
        def _():
            fire_in(k + 2)

        wait_gather(p)
        wait_b(k - 1)
        add_chunk(k - 1, p)
        fire_out(k - 1, p)
        return 0

    lax.fori_loop(1, NCH, step, 0)

    bl = (NCH - 1) % NBUF
    wait_gather(bl)
    wait_b(NCH - 1)
    add_chunk(NCH - 1, bl)
    fire_out(NCH - 1, bl)
    for bb in range(NBUF):
        wait_out(bb)


def kernel(sequence, segment_label, token_table, segment_table, pe):
    seq = sequence.reshape(N // 128, 128).astype(jnp.int32)
    lbl = segment_label.reshape(N // 128, 128).astype(jnp.int32)

    seg0 = segment_table.at[0].set(0.0)
    base_tab = (seg0[:, None, :] + pe[0][None, :, :]).reshape(3 * S, D)
    comb = jnp.concatenate([base_tab, base_tab - token_table[0][None, :]], axis=0)

    run = pl.kernel(
        _body,
        out_type=jax.ShapeDtypeStruct((N, D), jnp.float32),
        mesh=plsc.VectorSubcoreMesh(core_axis_name="c", subcore_axis_name="s"),
        compiler_params=pltpu.CompilerParams(use_tc_tiling_on_sc=False),
        scratch_types=[
            pltpu.VMEM((NIN, G, 128), jnp.int32),
            pltpu.VMEM((NIN, G, 128), jnp.int32),
            pltpu.VMEM((NIN, G, 128), jnp.int32),
            pltpu.VMEM_SHARED((NCOMB, D), jnp.float32),
            pltpu.VMEM((NBUF, C, D), jnp.float32),
            pltpu.VMEM((2, C, D), jnp.float32),
            pltpu.SemaphoreType.DMA((NIN,)),
            pltpu.SemaphoreType.DMA((2,)),
            pltpu.SemaphoreType.DMA((NBUF,)),
            pltpu.SemaphoreType.DMA((NBUF,)),
        ],
    )
    out = run(seq, lbl, token_table, comb)
    return out.reshape(B, S, D)

# --- scband reference (transcript-rebuilt; emitter-appended) ---
"""Pipeline reference for scband-bertembedding-9680856285502 (READ-ONLY COPY).

The authoritative reference and input builder live on the scoring server;
editing this copy changes nothing except your own understanding.
"""

import jax, jax.numpy as jnp
import numpy as np

VOCAB = 1000000
D = 64
SEQ_LEN = 200
BATCH = 1024


def _make_pe(max_len, d):
    pos = np.arange(max_len, dtype=np.float64)[:, None]
    ei = np.arange(0, d, 2)
    pe = np.zeros((max_len, d), dtype=np.float64)
    pe[:, ei] = np.sin(pos / 10000.0 ** (2.0 * ei / d))
    pe[:, ei + 1] = np.cos(pos / 10000.0 ** (2.0 * (ei + 1) / d))
    return jnp.asarray(pe[None], dtype=jnp.float32)  # [1, max_len, d]


def setup_inputs(seed: int = 0) -> dict:
    key = jax.random.key(seed)
    k1, k2, k3, k4 = jax.random.split(key, 4)
    sequence = jax.random.randint(k1, (BATCH, SEQ_LEN), 0, VOCAB, dtype=jnp.int64 if jax.config.read('jax_enable_x64') else jnp.int32)
    segment_label = jax.random.randint(k2, (BATCH, SEQ_LEN), 0, 3, dtype=jnp.int64 if jax.config.read('jax_enable_x64') else jnp.int32)
    token_table = jax.random.normal(k3, (VOCAB, D), dtype=jnp.float32) * 0.02
    segment_table = jax.random.normal(k4, (3, D), dtype=jnp.float32) * 0.02
    pe = _make_pe(SEQ_LEN, D)
    return {
        "sequence": sequence,
        "segment_label": segment_label,
        "token_table": token_table,
        "segment_table": segment_table,
        "pe": pe,
    }


def reference(sequence, segment_label, token_table, segment_table, pe):
    # padding_idx=0: row 0 of each embedding table is zero
    tok = token_table.at[0].set(0.0)
    seg = segment_table.at[0].set(0.0)
    # token embedding gather + positional (broadcast over batch) + segment gather
    x = jnp.take(tok, sequence, axis=0) + pe + jnp.take(seg, segment_label, axis=0)
    # dropout p=0.0 -> identity
    return x

if __name__ == "__main__":
    import jax
    _d = setup_inputs()
    print(jax.jit(kernel)(*tuple(_d.values())))

</pallas_src>

<mosaic_0001>
#map = affine_map<(d0, d1) -> (0, 0)>
module attributes {stable_mosaic.version = 14 : i64} {
  func.func @_body(%arg0: i32, %arg1: i32, %arg2: memref<1600x128xi32, #tpu.memory_space<hbm>>, %arg3: memref<1600x128xi32, #tpu.memory_space<hbm>>, %arg4: memref<1000000x64xf32, #tpu.memory_space<hbm>>, %arg5: memref<1200x64xf32, #tpu.memory_space<hbm>>, %arg6: memref<204800x64xf32, #tpu.memory_space<hbm>>, %arg7: memref<4x2x128xi32, #tpu.memory_space<vmem>>, %arg8: memref<4x2x128xi32, #tpu.memory_space<vmem>>, %arg9: memref<4x2x128xi32, #tpu.memory_space<vmem>>, %arg10: memref<1200x64xf32, #tpu.memory_space<vmem_shared>>, %arg11: memref<3x256x64xf32, #tpu.memory_space<vmem>>, %arg12: memref<2x256x64xf32, #tpu.memory_space<vmem>>, %arg13: memref<4x!tpu.dma_semaphore, #tpu.memory_space<semaphore_mem>>, %arg14: memref<2x!tpu.dma_semaphore, #tpu.memory_space<semaphore_mem>>, %arg15: memref<3x!tpu.dma_semaphore, #tpu.memory_space<semaphore_mem>>, %arg16: memref<3x!tpu.dma_semaphore, #tpu.memory_space<semaphore_mem>>) attributes {dimension_semantics = [#tpu.dimension_semantics<core_parallel>, #tpu.dimension_semantics<subcore_parallel>], iteration_bounds = array<i64: 2, 16>, scalar_prefetch = 0 : i64, scratch_operands = 10 : i64, tpu.core_type = #tpu.core_type<sc_vector_subcore>, window_params = [{transform_indices = #map}, {transform_indices = #map}, {transform_indices = #map}, {transform_indices = #map}, {transform_indices = #map}]} {
    %mul3A = arith.constant 2 : i32
    %mul3A_0 = arith.muli %arg1, %mul3A : i32
    %add3A = arith.addi %mul3A_0, %arg0 : i32
    %mul3A_1 = arith.constant 50 : i32
    %mul3A_2 = arith.muli %add3A, %mul3A_1 : i32
    %iota3A = tpu.iota {dimensions = array<i32: 0>} : vector<16xi32>
    %eq3A = arith.constant 0 : i32
    %eq3A_3 = arith.cmpi eq, %arg1, %eq3A : i32
    %convert_element_type3A = arith.extui %eq3A_3 : i1 to i32
    %cond3A = arith.constant 0 : i32
    %cond3A_4 = arith.cmpi ne, %convert_element_type3A, %cond3A : i32
    scf.if %cond3A_4 {
      "tpu.region"() ({
        %run_scoped3A = tpu.sem_alloc : memref<!tpu.dma_semaphore, #tpu.memory_space<semaphore_mem>>
        tpu.enqueue_dma source(%arg5 : memref<1200x64xf32, #tpu.memory_space<hbm>>) target(%arg10 : memref<1200x64xf32, #tpu.memory_space<vmem_shared>>) target_semaphore(%run_scoped3A : memref<!tpu.dma_semaphore, #tpu.memory_space<semaphore_mem>>)
        tpu.wait_dma2 semaphore(%run_scoped3A : memref<!tpu.dma_semaphore, #tpu.memory_space<semaphore_mem>>) src(%arg5 : memref<1200x64xf32, #tpu.memory_space<hbm>>) dst(%arg10 : memref<1200x64xf32, #tpu.memory_space<vmem_shared>>)
        tpu.yield
      }) : () -> ()
    } else {
    }
    %barrier3A = arith.constant 0 : index
    tpu.barrier barrier_id(%barrier3A)
    %rem3A = arith.constant 0 : i32
    %rem3A_5 = arith.constant 4 : i32
    %rem3A_6 = arith.remsi %rem3A, %rem3A_5 : i32
    %add3A_7 = arith.constant 0 : i32
    %add3A_8 = arith.addi %mul3A_2, %add3A_7 : i32
    %dma_start3A = arith.constant 0 : i32
    %dma_start3A_9 = arith.constant 0 : i32
    %dma_start3A_10 = tpu.memref_slice %arg7[%rem3A_6, %dma_start3A, %dma_start3A_9] : memref<4x2x128xi32, #tpu.memory_space<vmem>> -> memref<1x2x128xi32, #tpu.memory_space<vmem>>
    %dma_start3A_11 = tpu.memref_squeeze %dma_start3A_10 : memref<1x2x128xi32, #tpu.memory_space<vmem>> -> memref<2x128xi32, #tpu.memory_space<vmem>>
    %dma_start3A_12 = arith.constant 0 : i32
    %dma_start3A_13 = tpu.memref_slice %arg2[%add3A_8, %dma_start3A_12] : memref<1600x128xi32, #tpu.memory_space<hbm>> -> memref<2x128xi32, #tpu.memory_space<hbm>>
    %dma_start3A_14 = tpu.memref_slice %arg13[%rem3A_6] : memref<4x!tpu.dma_semaphore, #tpu.memory_space<semaphore_mem>> -> memref<1x!tpu.dma_semaphore, #tpu.memory_space<semaphore_mem>>
    %dma_start3A_15 = tpu.memref_squeeze %dma_start3A_14 : memref<1x!tpu.dma_semaphore, #tpu.memory_space<semaphore_mem>> -> memref<!tpu.dma_semaphore, #tpu.memory_space<semaphore_mem>>
    %dma_start3A_16 = arith.constant 0 : i32
    %dma_start3A_17 = arith.constant 0 : i32
    %dma_start3A_18 = tpu.memref_slice %arg7[%rem3A_6, %dma_start3A_16, %dma_start3A_17] : memref<4x2x128xi32, #tpu.memory_space<vmem>> -> memref<1x2x128xi32, #tpu.memory_space<vmem>>
    %dma_start3A_19 = tpu.memref_squeeze %dma_start3A_18 : memref<1x2x128xi32, #tpu.memory_space<vmem>> -> memref<2x128xi32, #tpu.memory_space<vmem>>
    %dma_start3A_20 = arith.constant 0 : i32
    %dma_start3A_21 = tpu.memref_slice %arg2[%add3A_8, %dma_start3A_20] : memref<1600x128xi32, #tpu.memory_space<hbm>> -> memref<2x128xi32, #tpu.memory_space<hbm>>
    tpu.enqueue_dma source(%dma_start3A_21 : memref<2x128xi32, #tpu.memory_space<hbm>>) target(%dma_start3A_19 : memref<2x128xi32, #tpu.memory_space<vmem>>) target_semaphore(%dma_start3A_15 : memref<!tpu.dma_semaphore, #tpu.memory_space<semaphore_mem>>)
    %dma_start3A_22 = arith.constant 0 : i32
    %dma_start3A_23 = arith.constant 0 : i32
    %dma_start3A_24 = tpu.memref_slice %arg8[%rem3A_6, %dma_start3A_22, %dma_start3A_23] : memref<4x2x128xi32, #tpu.memory_space<vmem>> -> memref<1x2x128xi32, #tpu.memory_space<vmem>>
    %dma_start3A_25 = tpu.memref_squeeze %dma_start3A_24 : memref<1x2x128xi32, #tpu.memory_space<vmem>> -> memref<2x128xi32, #tpu.memory_space<vmem>>
    %dma_start3A_26 = arith.constant 0 : i32
    %dma_start3A_27 = tpu.memref_slice %arg3[%add3A_8, %dma_start3A_26] : memref<1600x128xi32, #tpu.memory_space<hbm>> -> memref<2x128xi32, #tpu.memory_space<hbm>>
    %dma_start3A_28 = tpu.memref_slice %arg13[%rem3A_6] : memref<4x!tpu.dma_semaphore, #tpu.memory_space<semaphore_mem>> -> memref<1x!tpu.dma_semaphore, #tpu.memory_space<semaphore_mem>>
    %dma_start3A_29 = tpu.memref_squeeze %dma_start3A_28 : memref<1x!tpu.dma_semaphore, #tpu.memory_space<semaphore_mem>> -> memref<!tpu.dma_semaphore, #tpu.memory_space<semaphore_mem>>
    %dma_start3A_30 = arith.constant 0 : i32
    %dma_start3A_31 = arith.constant 0 : i32
    %dma_start3A_32 = tpu.memref_slice %arg8[%rem3A_6, %dma_start3A_30, %dma_start3A_31] : memref<4x2x128xi32, #tpu.memory_space<vmem>> -> memref<1x2x128xi32, #tpu.memory_space<vmem>>
    %dma_start3A_33 = tpu.memref_squeeze %dma_start3A_32 : memref<1x2x128xi32, #tpu.memory_space<vmem>> -> memref<2x128xi32, #tpu.memory_space<vmem>>
    %dma_start3A_34 = arith.constant 0 : i32
    %dma_start3A_35 = tpu.memref_slice %arg3[%add3A_8, %dma_start3A_34] : memref<1600x128xi32, #tpu.memory_space<hbm>> -> memref<2x128xi32, #tpu.memory_space<hbm>>
    tpu.enqueue_dma source(%dma_start3A_35 : memref<2x128xi32, #tpu.memory_space<hbm>>) target(%dma_start3A_33 : memref<2x128xi32, #tpu.memory_space<vmem>>) target_semaphore(%dma_start3A_29 : memref<!tpu.dma_semaphore, #tpu.memory_space<semaphore_mem>>)
    %rem3A_36 = arith.constant 1 : i32
    %rem3A_37 = arith.constant 4 : i32
    %rem3A_38 = arith.remsi %rem3A_36, %rem3A_37 : i32
    %add3A_39 = arith.constant 2 : i32
    %add3A_40 = arith.addi %mul3A_2, %add3A_39 : i32
    %dma_start3A_41 = arith.constant 0 : i32
    %dma_start3A_42 = arith.constant 0 : i32
    %dma_start3A_43 = tpu.memref_slice %arg7[%rem3A_38, %dma_start3A_41, %dma_start3A_42] : memref<4x2x128xi32, #tpu.memory_space<vmem>> -> memref<1x2x128xi32, #tpu.memory_space<vmem>>
    %dma_start3A_44 = tpu.memref_squeeze %dma_start3A_43 : memref<1x2x128xi32, #tpu.memory_space<vmem>> -> memref<2x128xi32, #tpu.memory_space<vmem>>
    %dma_start3A_45 = arith.constant 0 : i32
    %dma_start3A_46 = tpu.memref_slice %arg2[%add3A_40, %dma_start3A_45] : memref<1600x128xi32, #tpu.memory_space<hbm>> -> memref<2x128xi32, #tpu.memory_space<hbm>>
    %dma_start3A_47 = tpu.memref_slice %arg13[%rem3A_38] : memref<4x!tpu.dma_semaphore, #tpu.memory_space<semaphore_mem>> -> memref<1x!tpu.dma_semaphore, #tpu.memory_space<semaphore_mem>>
    %dma_start3A_48 = tpu.memref_squeeze %dma_start3A_47 : memref<1x!tpu.dma_semaphore, #tpu.memory_space<semaphore_mem>> -> memref<!tpu.dma_semaphore, #tpu.memory_space<semaphore_mem>>
    %dma_start3A_49 = arith.constant 0 : i32
    %dma_start3A_50 = arith.constant 0 : i32
    %dma_start3A_51 = tpu.memref_slice %arg7[%rem3A_38, %dma_start3A_49, %dma_start3A_50] : memref<4x2x128xi32, #tpu.memory_space<vmem>> -> memref<1x2x128xi32, #tpu.memory_space<vmem>>
    %dma_start3A_52 = tpu.memref_squeeze %dma_start3A_51 : memref<1x2x128xi32, #tpu.memory_space<vmem>> -> memref<2x128xi32, #tpu.memory_space<vmem>>
    %dma_start3A_53 = arith.constant 0 : i32
    %dma_start3A_54 = tpu.memref_slice %arg2[%add3A_40, %dma_start3A_53] : memref<1600x128xi32, #tpu.memory_space<hbm>> -> memref<2x128xi32, #tpu.memory_space<hbm>>
    tpu.enqueue_dma source(%dma_start3A_54 : memref<2x128xi32, #tpu.memory_space<hbm>>) target(%dma_start3A_52 : memref<2x128xi32, #tpu.memory_space<vmem>>) target_semaphore(%dma_start3A_48 : memref<!tpu.dma_semaphore, #tpu.memory_space<semaphore_mem>>)
    %dma_start3A_55 = arith.constant 0 : i32
    %dma_start3A_56 = arith.constant 0 : i32
    %dma_start3A_57 = tpu.memref_slice %arg8[%rem3A_38, %dma_start3A_55, %dma_start3A_56] : memref<4x2x128xi32, #tpu.memory_space<vmem>> -> memref<1x2x128xi32, #tpu.memory_space<vmem>>
    %dma_start3A_58 = tpu.memref_squeeze %dma_start3A_57 : memref<1x2x128xi32, #tpu.memory_space<vmem>> -> memref<2x128xi32, #tpu.memory_space<vmem>>
    %dma_start3A_59 = arith.constant 0 : i32
    %dma_start3A_60 = tpu.memref_slice %arg3[%add3A_40, %dma_start3A_59] : memref<1600x128xi32, #tpu.memory_space<hbm>> -> memref<2x128xi32, #tpu.memory_space<hbm>>
    %dma_start3A_61 = tpu.memref_slice %arg13[%rem3A_38] : memref<4x!tpu.dma_semaphore, #tpu.memory_space<semaphore_mem>> -> memref<1x!tpu.dma_semaphore, #tpu.memory_space<semaphore_mem>>
    %dma_start3A_62 = tpu.memref_squeeze %dma_start3A_61 : memref<1x!tpu.dma_semaphore, #tpu.memory_space<semaphore_mem>> -> memref<!tpu.dma_semaphore, #tpu.memory_space<semaphore_mem>>
    %dma_start3A_63 = arith.constant 0 : i32
    %dma_start3A_64 = arith.constant 0 : i32
    %dma_start3A_65 = tpu.memref_slice %arg8[%rem3A_38, %dma_start3A_63, %dma_start3A_64] : memref<4x2x128xi32, #tpu.memory_space<vmem>> -> memref<1x2x128xi32, #tpu.memory_space<vmem>>
    %dma_start3A_66 = tpu.memref_squeeze %dma_start3A_65 : memref<1x2x128xi32, #tpu.memory_space<vmem>> -> memref<2x128xi32, #tpu.memory_space<vmem>>
    %dma_start3A_67 = arith.constant 0 : i32
    %dma_start3A_68 = tpu.memref_slice %arg3[%add3A_40, %dma_start3A_67] : memref<1600x128xi32, #tpu.memory_space<hbm>> -> memref<2x128xi32, #tpu.memory_space<hbm>>
    tpu.enqueue_dma source(%dma_start3A_68 : memref<2x128xi32, #tpu.memory_space<hbm>>) target(%dma_start3A_66 : memref<2x128xi32, #tpu.memory_space<vmem>>) target_semaphore(%dma_start3A_62 : memref<!tpu.dma_semaphore, #tpu.memory_space<semaphore_mem>>)
    %rem3A_69 = arith.constant 0 : i32
    %rem3A_70 = arith.constant 4 : i32
    %rem3A_71 = arith.remsi %rem3A_69, %rem3A_70 : i32
    %dma_wait3A = arith.constant 0 : i32
    %dma_wait3A_72 = arith.constant 0 : i32
    %dma_wait3A_73 = tpu.memref_slice %arg7[%rem3A_71, %dma_wait3A, %dma_wait3A_72] : memref<4x2x128xi32, #tpu.memory_space<vmem>> -> memref<1x2x128xi32, #tpu.memory_space<vmem>>
    %dma_wait3A_74 = tpu.memref_squeeze %dma_wait3A_73 : memref<1x2x128xi32, #tpu.memory_space<vmem>> -> memref<2x128xi32, #tpu.memory_space<vmem>>
    %dma_wait3A_75 = arith.constant 0 : i32
    %dma_wait3A_76 = arith.constant 0 : i32
    %dma_wait3A_77 = tpu.memref_slice %arg2[%dma_wait3A_75, %dma_wait3A_76] : memref<1600x128xi32, #tpu.memory_space<hbm>> -> memref<2x128xi32, #tpu.memory_space<hbm>>
    %dma_wait3A_78 = tpu.memref_slice %arg13[%rem3A_71] : memref<4x!tpu.dma_semaphore, #tpu.memory_space<semaphore_mem>> -> memref<1x!tpu.dma_semaphore, #tpu.memory_space<semaphore_mem>>
    %dma_wait3A_79 = tpu.memref_squeeze %dma_wait3A_78 : memref<1x!tpu.dma_semaphore, #tpu.memory_space<semaphore_mem>> -> memref<!tpu.dma_semaphore, #tpu.memory_space<semaphore_mem>>
    %dma_wait3A_80 = arith.constant 0 : i32
    %dma_wait3A_81 = arith.constant 0 : i32
    %dma_wait3A_82 = tpu.memref_slice %arg7[%rem3A_71, %dma_wait3A_80, %dma_wait3A_81] : memref<4x2x128xi32, #tpu.memory_space<vmem>> -> memref<1x2x128xi32, #tpu.memory_space<vmem>>
    %dma_wait3A_83 = tpu.memref_squeeze %dma_wait3A_82 : memref<1x2x128xi32, #tpu.memory_space<vmem>> -> memref<2x128xi32, #tpu.memory_space<vmem>>
    %dma_wait3A_84 = arith.constant 0 : i32
    %dma_wait3A_85 = arith.constant 0 : i32
    %dma_wait3A_86 = tpu.memref_slice %arg2[%dma_wait3A_84, %dma_wait3A_85] : memref<1600x128xi32, #tpu.memory_space<hbm>> -> memref<2x128xi32, #tpu.memory_space<hbm>>
    tpu.wait_dma2 semaphore(%dma_wait3A_79 : memref<!tpu.dma_semaphore, #tpu.memory_space<semaphore_mem>>) src(%dma_wait3A_86 : memref<2x128xi32, #tpu.memory_space<hbm>>) dst(%dma_wait3A_83 : memref<2x128xi32, #tpu.memory_space<vmem>>)
    %dma_wait3A_87 = arith.constant 0 : i32
    %dma_wait3A_88 = arith.constant 0 : i32
    %dma_wait3A_89 = tpu.memref_slice %arg8[%rem3A_71, %dma_wait3A_87, %dma_wait3A_88] : memref<4x2x128xi32, #tpu.memory_space<vmem>> -> memref<1x2x128xi32, #tpu.memory_space<vmem>>
    %dma_wait3A_90 = tpu.memref_squeeze %dma_wait3A_89 : memref<1x2x128xi32, #tpu.memory_space<vmem>> -> memref<2x128xi32, #tpu.memory_space<vmem>>
    %dma_wait3A_91 = arith.constant 0 : i32
    %dma_wait3A_92 = arith.constant 0 : i32
    %dma_wait3A_93 = tpu.memref_slice %arg3[%dma_wait3A_91, %dma_wait3A_92] : memref<1600x128xi32, #tpu.memory_space<hbm>> -> memref<2x128xi32, #tpu.memory_space<hbm>>
    %dma_wait3A_94 = tpu.memref_slice %arg13[%rem3A_71] : memref<4x!tpu.dma_semaphore, #tpu.memory_space<semaphore_mem>> -> memref<1x!tpu.dma_semaphore, #tpu.memory_space<semaphore_mem>>
    %dma_wait3A_95 = tpu.memref_squeeze %dma_wait3A_94 : memref<1x!tpu.dma_semaphore, #tpu.memory_space<semaphore_mem>> -> memref<!tpu.dma_semaphore, #tpu.memory_space<semaphore_mem>>
    %dma_wait3A_96 = arith.constant 0 : i32
    %dma_wait3A_97 = arith.constant 0 : i32
    %dma_wait3A_98 = tpu.memref_slice %arg8[%rem3A_71, %dma_wait3A_96, %dma_wait3A_97] : memref<4x2x128xi32, #tpu.memory_space<vmem>> -> memref<1x2x128xi32, #tpu.memory_space<vmem>>
    %dma_wait3A_99 = tpu.memref_squeeze %dma_wait3A_98 : memref<1x2x128xi32, #tpu.memory_space<vmem>> -> memref<2x128xi32, #tpu.memory_space<vmem>>
    %dma_wait3A_100 = arith.constant 0 : i32
    %dma_wait3A_101 = arith.constant 0 : i32
    %dma_wait3A_102 = tpu.memref_slice %arg3[%dma_wait3A_100, %dma_wait3A_101] : memref<1600x128xi32, #tpu.memory_space<hbm>> -> memref<2x128xi32, #tpu.memory_space<hbm>>
    tpu.wait_dma2 semaphore(%dma_wait3A_95 : memref<!tpu.dma_semaphore, #tpu.memory_space<semaphore_mem>>) src(%dma_wait3A_102 : memref<2x128xi32, #tpu.memory_space<hbm>>) dst(%dma_wait3A_99 : memref<2x128xi32, #tpu.memory_space<vmem>>)
    %rem3A_103 = arith.constant 0 : i32
    %rem3A_104 = arith.constant 4 : i32
    %rem3A_105 = arith.remsi %rem3A_103, %rem3A_104 : i32
    %dma_start3A_106 = arith.constant 0 : i32
    %dma_start3A_107 = arith.constant 0 : i32
    %dma_start3A_108 = arith.constant 0 : i32
    %dma_start3A_109 = arith.constant 0 : i32
    %dma_start3A_110 = arith.constant 0 : i32
    %dma_start3A_111 = tpu.memref_slice %arg11[%dma_start3A_107, %dma_start3A_109, %dma_start3A_110] : memref<3x256x64xf32, #tpu.memory_space<vmem>> -> memref<1x128x64xf32, #tpu.memory_space<vmem>>
    %dma_start3A_112 = tpu.memref_squeeze %dma_start3A_111 : memref<1x128x64xf32, #tpu.memory_space<vmem>> -> memref<128x64xf32, #tpu.memory_space<vmem>>
    %dma_start3A_113 = arith.constant 0 : i32
    %dma_start3A_114 = tpu.memref_slice %arg7[%rem3A_105, %dma_start3A_106, %dma_start3A_113] : memref<4x2x128xi32, #tpu.memory_space<vmem>> -> memref<1x1x128xi32, #tpu.memory_space<vmem>>
    %dma_start3A_115 = tpu.memref_squeeze %dma_start3A_114 : memref<1x1x128xi32, #tpu.memory_space<vmem>> -> memref<128xi32, #tpu.memory_space<vmem>>
    %dma_start3A_116 = arith.constant 0 : i32
    %dma_start3A_117 = arith.constant 0 : i32
    %dma_start3A_118 = tpu.memref_slice %arg4[%dma_start3A_116, %dma_start3A_117] : memref<1000000x64xf32, #tpu.memory_space<hbm>> -> memref<1000000x64xf32, #tpu.memory_space<hbm>>
    %dma_start3A_119 = tpu.memref_slice %arg15[%dma_start3A_108] : memref<3x!tpu.dma_semaphore, #tpu.memory_space<semaphore_mem>> -> memref<1x!tpu.dma_semaphore, #tpu.memory_space<semaphore_mem>>
    %dma_start3A_120 = tpu.memref_squeeze %dma_start3A_119 : memref<1x!tpu.dma_semaphore, #tpu.memory_space<semaphore_mem>> -> memref<!tpu.dma_semaphore, #tpu.memory_space<semaphore_mem>>
    tpu.enqueue_indirect_dma source(%dma_start3A_118 : memref<1000000x64xf32, #tpu.memory_space<hbm>>) target(%dma_start3A_112 : memref<128x64xf32, #tpu.memory_space<vmem>>) offsets(%dma_start3A_115 : memref<128xi32, #tpu.memory_space<vmem>>) semaphore(%dma_start3A_120 : memref<!tpu.dma_semaphore, #tpu.memory_space<semaphore_mem>>)
    %dma_start3A_121 = arith.constant 1 : i32
    %dma_start3A_122 = arith.constant 0 : i32
    %dma_start3A_123 = arith.constant 0 : i32
    %dma_start3A_124 = arith.constant 128 : i32
    %dma_start3A_125 = arith.constant 0 : i32
    %dma_start3A_126 = tpu.memref_slice %arg11[%dma_start3A_122, %dma_start3A_124, %dma_start3A_125] : memref<3x256x64xf32, #tpu.memory_space<vmem>> -> memref<1x128x64xf32, #tpu.memory_space<vmem>>
    %dma_start3A_127 = tpu.memref_squeeze %dma_start3A_126 : memref<1x128x64xf32, #tpu.memory_space<vmem>> -> memref<128x64xf32, #tpu.memory_space<vmem>>
    %dma_start3A_128 = arith.constant 0 : i32
    %dma_start3A_129 = tpu.memref_slice %arg7[%rem3A_105, %dma_start3A_121, %dma_start3A_128] : memref<4x2x128xi32, #tpu.memory_space<vmem>> -> memref<1x1x128xi32, #tpu.memory_space<vmem>>
    %dma_start3A_130 = tpu.memref_squeeze %dma_start3A_129 : memref<1x1x128xi32, #tpu.memory_space<vmem>> -> memref<128xi32, #tpu.memory_space<vmem>>
    %dma_start3A_131 = arith.constant 0 : i32
    %dma_start3A_132 = arith.constant 0 : i32
    %dma_start3A_133 = tpu.memref_slice %arg4[%dma_start3A_131, %dma_start3A_132] : memref<1000000x64xf32, #tpu.memory_space<hbm>> -> memref<1000000x64xf32, #tpu.memory_space<hbm>>
    %dma_start3A_134 = tpu.memref_slice %arg15[%dma_start3A_123] : memref<3x!tpu.dma_semaphore, #tpu.memory_space<semaphore_mem>> -> memref<1x!tpu.dma_semaphore, #tpu.memory_space<semaphore_mem>>
    %dma_start3A_135 = tpu.memref_squeeze %dma_start3A_134 : memref<1x!tpu.dma_semaphore, #tpu.memory_space<semaphore_mem>> -> memref<!tpu.dma_semaphore, #tpu.memory_space<semaphore_mem>>
    tpu.enqueue_indirect_dma source(%dma_start3A_133 : memref<1000000x64xf32, #tpu.memory_space<hbm>>) target(%dma_start3A_127 : memref<128x64xf32, #tpu.memory_space<vmem>>) offsets(%dma_start3A_130 : memref<128xi32, #tpu.memory_space<vmem>>) semaphore(%dma_start3A_135 : memref<!tpu.dma_semaphore, #tpu.memory_space<semaphore_mem>>)
    %add3A_136 = arith.constant 0 : i32
    %add3A_137 = arith.addi %mul3A_2, %add3A_136 : i32
    %mul3A_138 = arith.constant 128 : i32
    %mul3A_139 = arith.muli %add3A_137, %mul3A_138 : i32
    %get3A = arith.constant 0 : i32
    %get3A_140 = arith.index_cast %rem3A_105 : i32 to index
    %get3A_141 = arith.index_cast %get3A : i32 to index
    %get3A_142 = arith.constant 0 : index
    %get3A_143 = tpu.vector_load %arg7[%get3A_140, %get3A_141, %get3A_142] {strides = array<i32>} : memref<4x2x128xi32, #tpu.memory_space<vmem>>, vector<1x1x16xi32>,
    %get3A_144 = vector.shape_cast %get3A_143 : vector<1x1x16xi32> to vector<16xi32>
    %get3A_145 = arith.constant 0 : i32
    %get3A_146 = arith.index_cast %rem3A_105 : i32 to index
    %get3A_147 = arith.index_cast %get3A_145 : i32 to index
    %get3A_148 = arith.constant 0 : index
    %get3A_149 = tpu.vector_load %arg8[%get3A_146, %get3A_147, %get3A_148] {strides = array<i32>} : memref<4x2x128xi32, #tpu.memory_space<vmem>>, vector<1x1x16xi32>,
    %get3A_150 = vector.shape_cast %get3A_149 : vector<1x1x16xi32> to vector<16xi32>
    %add3A_151 = arith.constant 0 : i32
    %add3A_152 = arith.addi %mul3A_139, %add3A_151 : i32
    %add3A_153 = arith.constant 0 : i32
    %add3A_154 = arith.addi %add3A_152, %add3A_153 : i32
    %add3A_155 = vector.broadcast %add3A_154 : i32 to vector<16xi32>
    %add3A_156 = arith.addi %add3A_155, %iota3A : vector<16xi32>
    %rem3A_157 = arith.constant 200 : i32
    %rem3A_158 = vector.broadcast %rem3A_157 : i32 to vector<16xi32>
    %rem3A_159 = arith.remsi %add3A_156, %rem3A_158 : vector<16xi32>
    %mul3A_160 = arith.constant 200 : i32
    %mul3A_161 = vector.broadcast %mul3A_160 : i32 to vector<16xi32>
    %mul3A_162 = arith.muli %get3A_150, %mul3A_161 : vector<16xi32>
    %add3A_163 = arith.addi %mul3A_162, %rem3A_159 : vector<16xi32>
    %eq3A_164 = arith.constant 0 : i32
    %eq3A_165 = vector.broadcast %eq3A_164 : i32 to vector<16xi32>
    %eq3A_166 = arith.cmpi eq, %get3A_144, %eq3A_165 : vector<16xi32>
    %jit3A = arith.constant 600 : i32
    %jit3A_167 = arith.constant 0 : i32
    %broadcast_in_dim3A = vector.broadcast %jit3A : i32 to vector<16xi32>
    %broadcast_in_dim3A_168 = vector.broadcast %jit3A_167 : i32 to vector<16xi32>
    %select_n3A = arith.select %eq3A_166, %broadcast_in_dim3A, %broadcast_in_dim3A_168 : vector<16xi1>, vector<16xi32>
    %add3A_169 = arith.addi %add3A_163, %select_n3A : vector<16xi32>
    %swap3A = arith.constant 0 : i32
    %swap3A_170 = arith.index_cast %rem3A_105 : i32 to index
    %swap3A_171 = arith.index_cast %swap3A : i32 to index
    %swap3A_172 = arith.constant 0 : index
    %swap3A_173 = tpu.vector_load %arg9[%swap3A_170, %swap3A_171, %swap3A_172] {strides = array<i32>} : memref<4x2x128xi32, #tpu.memory_space<vmem>>, vector<1x1x16xi32>,
    %swap3A_174 = vector.shape_cast %swap3A_173 : vector<1x1x16xi32> to vector<16xi32>
    %swap3A_175 = vector.shape_cast %add3A_169 : vector<16xi32> to vector<1x1x16xi32>
    tpu.vector_store %arg9[%swap3A_170, %swap3A_171, %swap3A_172], %swap3A_175 {strides = array<i32>} : memref<4x2x128xi32, #tpu.memory_space<vmem>>, vector<1x1x16xi32>,
    %get3A_176 = arith.constant 0 : i32
    %get3A_177 = arith.index_cast %rem3A_105 : i32 to index
    %get3A_178 = arith.index_cast %get3A_176 : i32 to index
    %get3A_179 = arith.constant 16 : index
    %get3A_180 = tpu.vector_load %arg7[%get3A_177, %get3A_178, %get3A_179] {strides = array<i32>} : memref<4x2x128xi32, #tpu.memory_space<vmem>>, vector<1x1x16xi32>,
    %get3A_181 = vector.shape_cast %get3A_180 : vector<1x1x16xi32> to vector<16xi32>
    %get3A_182 = arith.constant 0 : i32
    %get3A_183 = arith.index_cast %rem3A_105 : i32 to index
    %get3A_184 = arith.index_cast %get3A_182 : i32 to index
    %get3A_185 = arith.constant 16 : index
    %get3A_186 = tpu.vector_load %arg8[%get3A_183, %get3A_184, %get3A_185] {strides = array<i32>} : memref<4x2x128xi32, #tpu.memory_space<vmem>>, vector<1x1x16xi32>,
    %get3A_187 = vector.shape_cast %get3A_186 : vector<1x1x16xi32> to vector<16xi32>
    %add3A_188 = arith.constant 0 : i32
    %add3A_189 = arith.addi %mul3A_139, %add3A_188 : i32
    %add3A_190 = arith.constant 16 : i32
    %add3A_191 = arith.addi %add3A_189, %add3A_190 : i32
    %add3A_192 = vector.broadcast %add3A_191 : i32 to vector<16xi32>
    %add3A_193 = arith.addi %add3A_192, %iota3A : vector<16xi32>
    %rem3A_194 = arith.constant 200 : i32
    %rem3A_195 = vector.broadcast %rem3A_194 : i32 to vector<16xi32>
    %rem3A_196 = arith.remsi %add3A_193, %rem3A_195 : vector<16xi32>
    %mul3A_197 = arith.constant 200 : i32
    %mul3A_198 = vector.broadcast %mul3A_197 : i32 to vector<16xi32>
    %mul3A_199 = arith.muli %get3A_187, %mul3A_198 : vector<16xi32>
    %add3A_200 = arith.addi %mul3A_199, %rem3A_196 : vector<16xi32>
    %eq3A_201 = arith.constant 0 : i32
    %eq3A_202 = vector.broadcast %eq3A_201 : i32 to vector<16xi32>
    %eq3A_203 = arith.cmpi eq, %get3A_181, %eq3A_202 : vector<16xi32>
    %jit3A_204 = arith.constant 600 : i32
    %jit3A_205 = arith.constant 0 : i32
    %broadcast_in_dim3A_206 = vector.broadcast %jit3A_204 : i32 to vector<16xi32>
    %broadcast_in_dim3A_207 = vector.broadcast %jit3A_205 : i32 to vector<16xi32>
    %select_n3A_208 = arith.select %eq3A_203, %broadcast_in_dim3A_206, %broadcast_in_dim3A_207 : vector<16xi1>, vector<16xi32>
    %add3A_209 = arith.addi %add3A_200, %select_n3A_208 : vector<16xi32>
    %swap3A_210 = arith.constant 0 : i32
    %swap3A_211 = arith.index_cast %rem3A_105 : i32 to index
    %swap3A_212 = arith.index_cast %swap3A_210 : i32 to index
    %swap3A_213 = arith.constant 16 : index
    %swap3A_214 = tpu.vector_load %arg9[%swap3A_211, %swap3A_212, %swap3A_213] {strides = array<i32>} : memref<4x2x128xi32, #tpu.memory_space<vmem>>, vector<1x1x16xi32>,
    %swap3A_215 = vector.shape_cast %swap3A_214 : vector<1x1x16xi32> to vector<16xi32>
    %swap3A_216 = vector.shape_cast %add3A_209 : vector<16xi32> to vector<1x1x16xi32>
    tpu.vector_store %arg9[%swap3A_211, %swap3A_212, %swap3A_213], %swap3A_216 {strides = array<i32>} : memref<4x2x128xi32, #tpu.memory_space<vmem>>, vector<1x1x16xi32>,
    %get3A_217 = arith.constant 0 : i32
    %get3A_218 = arith.index_cast %rem3A_105 : i32 to index
    %get3A_219 = arith.index_cast %get3A_217 : i32 to index
    %get3A_220 = arith.constant 32 : index
    %get3A_221 = tpu.vector_load %arg7[%get3A_218, %get3A_219, %get3A_220] {strides = array<i32>} : memref<4x2x128xi32, #tpu.memory_space<vmem>>, vector<1x1x16xi32>,
    %get3A_222 = vector.shape_cast %get3A_221 : vector<1x1x16xi32> to vector<16xi32>
    %get3A_223 = arith.constant 0 : i32
    %get3A_224 = arith.index_cast %rem3A_105 : i32 to index
    %get3A_225 = arith.index_cast %get3A_223 : i32 to index
    %get3A_226 = arith.constant 32 : index
    %get3A_227 = tpu.vector_load %arg8[%get3A_224, %get3A_225, %get3A_226] {strides = array<i32>} : memref<4x2x128xi32, #tpu.memory_space<vmem>>, vector<1x1x16xi32>,
    %get3A_228 = vector.shape_cast %get3A_227 : vector<1x1x16xi32> to vector<16xi32>
    %add3A_229 = arith.constant 0 : i32
    %add3A_230 = arith.addi %mul3A_139, %add3A_229 : i32
    %add3A_231 = arith.constant 32 : i32
    %add3A_232 = arith.addi %add3A_230, %add3A_231 : i32
    %add3A_233 = vector.broadcast %add3A_232 : i32 to vector<16xi32>
    %add3A_234 = arith.addi %add3A_233, %iota3A : vector<16xi32>
    %rem3A_235 = arith.constant 200 : i32
    %rem3A_236 = vector.broadcast %rem3A_235 : i32 to vector<16xi32>
    %rem3A_237 = arith.remsi %add3A_234, %rem3A_236 : vector<16xi32>
    %mul3A_238 = arith.constant 200 : i32
    %mul3A_239 = vector.broadcast %mul3A_238 : i32 to vector<16xi32>
    %mul3A_240 = arith.muli %get3A_228, %mul3A_239 : vector<16xi32>
    %add3A_241 = arith.addi %mul3A_240, %rem3A_237 : vector<16xi32>
    %eq3A_242 = arith.constant 0 : i32
    %eq3A_243 = vector.broadcast %eq3A_242 : i32 to vector<16xi32>
    %eq3A_244 = arith.cmpi eq, %get3A_222, %eq3A_243 : vector<16xi32>
    %jit3A_245 = arith.constant 600 : i32
    %jit3A_246 = arith.constant 0 : i32
    %broadcast_in_dim3A_247 = vector.broadcast %jit3A_245 : i32 to vector<16xi32>
    %broadcast_in_dim3A_248 = vector.broadcast %jit3A_246 : i32 to vector<16xi32>
    %select_n3A_249 = arith.select %eq3A_244, %broadcast_in_dim3A_247, %broadcast_in_dim3A_248 : vector<16xi1>, vector<16xi32>
    %add3A_250 = arith.addi %add3A_241, %select_n3A_249 : vector<16xi32>
    %swap3A_251 = arith.constant 0 : i32
    %swap3A_252 = arith.index_cast %rem3A_105 : i32 to index
    %swap3A_253 = arith.index_cast %swap3A_251 : i32 to index
    %swap3A_254 = arith.constant 32 : index
    %swap3A_255 = tpu.vector_load %arg9[%swap3A_252, %swap3A_253, %swap3A_254] {strides = array<i32>} : memref<4x2x128xi32, #tpu.memory_space<vmem>>, vector<1x1x16xi32>,
    %swap3A_256 = vector.shape_cast %swap3A_255 : vector<1x1x16xi32> to vector<16xi32>
    %swap3A_257 = vector.shape_cast %add3A_250 : vector<16xi32> to vector<1x1x16xi32>
    tpu.vector_store %arg9[%swap3A_252, %swap3A_253, %swap3A_254], %swap3A_257 {strides = array<i32>} : memref<4x2x128xi32, #tpu.memory_space<vmem>>, vector<1x1x16xi32>,
    %get3A_258 = arith.constant 0 : i32
    %get3A_259 = arith.index_cast %rem3A_105 : i32 to index
    %get3A_260 = arith.index_cast %get3A_258 : i32 to index
    %get3A_261 = arith.constant 48 : index
    %get3A_262 = tpu.vector_load %arg7[%get3A_259, %get3A_260, %get3A_261] {strides = array<i32>} : memref<4x2x128xi32, #tpu.memory_space<vmem>>, vector<1x1x16xi32>,
    %get3A_263 = vector.shape_cast %get3A_262 : vector<1x1x16xi32> to vector<16xi32>
    %get3A_264 = arith.constant 0 : i32
    %get3A_265 = arith.index_cast %rem3A_105 : i32 to index
    %get3A_266 = arith.index_cast %get3A_264 : i32 to index
    %get3A_267 = arith.constant 48 : index
    %get3A_268 = tpu.vector_load %arg8[%get3A_265, %get3A_266, %get3A_267] {strides = array<i32>} : memref<4x2x128xi32, #tpu.memory_space<vmem>>, vector<1x1x16xi32>,
    %get3A_269 = vector.shape_cast %get3A_268 : vector<1x1x16xi32> to vector<16xi32>
    %add3A_270 = arith.constant 0 : i32
    %add3A_271 = arith.addi %mul3A_139, %add3A_270 : i32
    %add3A_272 = arith.constant 48 : i32
    %add3A_273 = arith.addi %add3A_271, %add3A_272 : i32
    %add3A_274 = vector.broadcast %add3A_273 : i32 to vector<16xi32>
    %add3A_275 = arith.addi %add3A_274, %iota3A : vector<16xi32>
    %rem3A_276 = arith.constant 200 : i32
    %rem3A_277 = vector.broadcast %rem3A_276 : i32 to vector<16xi32>
    %rem3A_278 = arith.remsi %add3A_275, %rem3A_277 : vector<16xi32>
    %mul3A_279 = arith.constant 200 : i32
    %mul3A_280 = vector.broadcast %mul3A_279 : i32 to vector<16xi32>
    %mul3A_281 = arith.muli %get3A_269, %mul3A_280 : vector<16xi32>
    %add3A_282 = arith.addi %mul3A_281, %rem3A_278 : vector<16xi32>
    %eq3A_283 = arith.constant 0 : i32
    %eq3A_284 = vector.broadcast %eq3A_283 : i32 to vector<16xi32>
    %eq3A_285 = arith.cmpi eq, %get3A_263, %eq3A_284 : vector<16xi32>
    %jit3A_286 = arith.constant 600 : i32
    %jit3A_287 = arith.constant 0 : i32
    %broadcast_in_dim3A_288 = vector.broadcast %jit3A_286 : i32 to vector<16xi32>
    %broadcast_in_dim3A_289 = vector.broadcast %jit3A_287 : i32 to vector<16xi32>
    %select_n3A_290 = arith.select %eq3A_285, %broadcast_in_dim3A_288, %broadcast_in_dim3A_289 : vector<16xi1>, vector<16xi32>
    %add3A_291 = arith.addi %add3A_282, %select_n3A_290 : vector<16xi32>
    %swap3A_292 = arith.constant 0 : i32
    %swap3A_293 = arith.index_cast %rem3A_105 : i32 to index
    %swap3A_294 = arith.index_cast %swap3A_292 : i32 to index
    %swap3A_295 = arith.constant 48 : index
    %swap3A_296 = tpu.vector_load %arg9[%swap3A_293, %swap3A_294, %swap3A_295] {strides = array<i32>} : memref<4x2x128xi32, #tpu.memory_space<vmem>>, vector<1x1x16xi32>,
    %swap3A_297 = vector.shape_cast %swap3A_296 : vector<1x1x16xi32> to vector<16xi32>
    %swap3A_298 = vector.shape_cast %add3A_291 : vector<16xi32> to vector<1x1x16xi32>
    tpu.vector_store %arg9[%swap3A_293, %swap3A_294, %swap3A_295], %swap3A_298 {strides = array<i32>} : memref<4x2x128xi32, #tpu.memory_space<vmem>>, vector<1x1x16xi32>,
    %get3A_299 = arith.constant 0 : i32
    %get3A_300 = arith.index_cast %rem3A_105 : i32 to index
    %get3A_301 = arith.index_cast %get3A_299 : i32 to index
    %get3A_302 = arith.constant 64 : index
    %get3A_303 = tpu.vector_load %arg7[%get3A_300, %get3A_301, %get3A_302] {strides = array<i32>} : memref<4x2x128xi32, #tpu.memory_space<vmem>>, vector<1x1x16xi32>,
    %get3A_304 = vector.shape_cast %get3A_303 : vector<1x1x16xi32> to vector<16xi32>
    %get3A_305 = arith.constant 0 : i32
    %get3A_306 = arith.index_cast %rem3A_105 : i32 to index
    %get3A_307 = arith.index_cast %get3A_305 : i32 to index
    %get3A_308 = arith.constant 64 : index
    %get3A_309 = tpu.vector_load %arg8[%get3A_306, %get3A_307, %get3A_308] {strides = array<i32>} : memref<4x2x128xi32, #tpu.memory_space<vmem>>, vector<1x1x16xi32>,
    %get3A_310 = vector.shape_cast %get3A_309 : vector<1x1x16xi32> to vector<16xi32>
    %add3A_311 = arith.constant 0 : i32
    %add3A_312 = arith.addi %mul3A_139, %add3A_311 : i32
    %add3A_313 = arith.constant 64 : i32
    %add3A_314 = arith.addi %add3A_312, %add3A_313 : i32
    %add3A_315 = vector.broadcast %add3A_314 : i32 to vector<16xi32>
    %add3A_316 = arith.addi %add3A_315, %iota3A : vector<16xi32>
    %rem3A_317 = arith.constant 200 : i32
    %rem3A_318 = vector.broadcast %rem3A_317 : i32 to vector<16xi32>
    %rem3A_319 = arith.remsi %add3A_316, %rem3A_318 : vector<16xi32>
    %mul3A_320 = arith.constant 200 : i32
    %mul3A_321 = vector.broadcast %mul3A_320 : i32 to vector<16xi32>
    %mul3A_322 = arith.muli %get3A_310, %mul3A_321 : vector<16xi32>
    %add3A_323 = arith.addi %mul3A_322, %rem3A_319 : vector<16xi32>
    %eq3A_324 = arith.constant 0 : i32
    %eq3A_325 = vector.broadcast %eq3A_324 : i32 to vector<16xi32>
    %eq3A_326 = arith.cmpi eq, %get3A_304, %eq3A_325 : vector<16xi32>
    %jit3A_327 = arith.constant 600 : i32
    %jit3A_328 = arith.constant 0 : i32
    %broadcast_in_dim3A_329 = vector.broadcast %jit3A_327 : i32 to vector<16xi32>
    %broadcast_in_dim3A_330 = vector.broadcast %jit3A_328 : i32 to vector<16xi32>
    %select_n3A_331 = arith.select %eq3A_326, %broadcast_in_dim3A_329, %broadcast_in_dim3A_330 : vector<16xi1>, vector<16xi32>
    %add3A_332 = arith.addi %add3A_323, %select_n3A_331 : vector<16xi32>
    %swap3A_333 = arith.constant 0 : i32
    %swap3A_334 = arith.index_cast %rem3A_105 : i32 to index
    %swap3A_335 = arith.index_cast %swap3A_333 : i32 to index
    %swap3A_336 = arith.constant 64 : index
    %swap3A_337 = tpu.vector_load %arg9[%swap3A_334, %swap3A_335, %swap3A_336] {strides = array<i32>} : memref<4x2x128xi32, #tpu.memory_space<vmem>>, vector<1x1x16xi32>,
    %swap3A_338 = vector.shape_cast %swap3A_337 : vector<1x1x16xi32> to vector<16xi32>
    %swap3A_339 = vector.shape_cast %add3A_332 : vector<16xi32> to vector<1x1x16xi32>
    tpu.vector_store %arg9[%swap3A_334, %swap3A_335, %swap3A_336], %swap3A_339 {strides = array<i32>} : memref<4x2x128xi32, #tpu.memory_space<vmem>>, vector<1x1x16xi32>,
    %get3A_340 = arith.constant 0 : i32
    %get3A_341 = arith.index_cast %rem3A_105 : i32 to index
    %get3A_342 = arith.index_cast %get3A_340 : i32 to index
    %get3A_343 = arith.constant 80 : index
    %get3A_344 = tpu.vector_load %arg7[%get3A_341, %get3A_342, %get3A_343] {strides = array<i32>} : memref<4x2x128xi32, #tpu.memory_space<vmem>>, vector<1x1x16xi32>,
    %get3A_345 = vector.shape_cast %get3A_344 : vector<1x1x16xi32> to vector<16xi32>
    %get3A_346 = arith.constant 0 : i32
    %get3A_347 = arith.index_cast %rem3A_105 : i32 to index
    %get3A_348 = arith.index_cast %get3A_346 : i32 to index
    %get3A_349 = arith.constant 80 : index
    %get3A_350 = tpu.vector_load %arg8[%get3A_347, %get3A_348, %get3A_349] {strides = array<i32>} : memref<4x2x128xi32, #tpu.memory_space<vmem>>, vector<1x1x16xi32>,
    %get3A_351 = vector.shape_cast %get3A_350 : vector<1x1x16xi32> to vector<16xi32>
    %add3A_352 = arith.constant 0 : i32
    %add3A_353 = arith.addi %mul3A_139, %add3A_352 : i32
    %add3A_354 = arith.constant 80 : i32
    %add3A_355 = arith.addi %add3A_353, %add3A_354 : i32
    %add3A_356 = vector.broadcast %add3A_355 : i32 to vector<16xi32>
    %add3A_357 = arith.addi %add3A_356, %iota3A : vector<16xi32>
    %rem3A_358 = arith.constant 200 : i32
    %rem3A_359 = vector.broadcast %rem3A_358 : i32 to vector<16xi32>
    %rem3A_360 = arith.remsi %add3A_357, %rem3A_359 : vector<16xi32>
    %mul3A_361 = arith.constant 200 : i32
    %mul3A_362 = vector.broadcast %mul3A_361 : i32 to vector<16xi32>
    %mul3A_363 = arith.muli %get3A_351, %mul3A_362 : vector<16xi32>
    %add3A_364 = arith.addi %mul3A_363, %rem3A_360 : vector<16xi32>
    %eq3A_365 = arith.constant 0 : i32
    %eq3A_366 = vector.broadcast %eq3A_365 : i32 to vector<16xi32>
    %eq3A_367 = arith.cmpi eq, %get3A_345, %eq3A_366 : vector<16xi32>
    %jit3A_368 = arith.constant 600 : i32
    %jit3A_369 = arith.constant 0 : i32
    %broadcast_in_dim3A_370 = vector.broadcast %jit3A_368 : i32 to vector<16xi32>
    %broadcast_in_dim3A_371 = vector.broadcast %jit3A_369 : i32 to vector<16xi32>
    %select_n3A_372 = arith.select %eq3A_367, %broadcast_in_dim3A_370, %broadcast_in_dim3A_371 : vector<16xi1>, vector<16xi32>
    %add3A_373 = arith.addi %add3A_364, %select_n3A_372 : vector<16xi32>
    %swap3A_374 = arith.constant 0 : i32
    %swap3A_375 = arith.index_cast %rem3A_105 : i32 to index
    %swap3A_376 = arith.index_cast %swap3A_374 : i32 to index
    %swap3A_377 = arith.constant 80 : index
    %swap3A_378 = tpu.vector_load %arg9[%swap3A_375, %swap3A_376, %swap3A_377] {strides = array<i32>} : memref<4x2x128xi32, #tpu.memory_space<vmem>>, vector<1x1x16xi32>,
    %swap3A_379 = vector.shape_cast %swap3A_378 : vector<1x1x16xi32> to vector<16xi32>
    %swap3A_380 = vector.shape_cast %add3A_373 : vector<16xi32> to vector<1x1x16xi32>
    tpu.vector_store %arg9[%swap3A_375, %swap3A_376, %swap3A_377], %swap3A_380 {strides = array<i32>} : memref<4x2x128xi32, #tpu.memory_space<vmem>>, vector<1x1x16xi32>,
    %get3A_381 = arith.constant 0 : i32
    %get3A_382 = arith.index_cast %rem3A_105 : i32 to index
    %get3A_383 = arith.index_cast %get3A_381 : i32 to index
    %get3A_384 = arith.constant 96 : index
    %get3A_385 = tpu.vector_load %arg7[%get3A_382, %get3A_383, %get3A_384] {strides = array<i32>} : memref<4x2x128xi32, #tpu.memory_space<vmem>>, vector<1x1x16xi32>,
    %get3A_386 = vector.shape_cast %get3A_385 : vector<1x1x16xi32> to vector<16xi32>
    %get3A_387 = arith.constant 0 : i32
    %get3A_388 = arith.index_cast %rem3A_105 : i32 to index
    %get3A_389 = arith.index_cast %get3A_387 : i32 to index
    %get3A_390 = arith.constant 96 : index
    %get3A_391 = tpu.vector_load %arg8[%get3A_388, %get3A_389, %get3A_390] {strides = array<i32>} : memref<4x2x128xi32, #tpu.memory_space<vmem>>, vector<1x1x16xi32>,
    %get3A_392 = vector.shape_cast %get3A_391 : vector<1x1x16xi32> to vector<16xi32>
    %add3A_393 = arith.constant 0 : i32
    %add3A_394 = arith.addi %mul3A_139, %add3A_393 : i32
    %add3A_395 = arith.constant 96 : i32
    %add3A_396 = arith.addi %add3A_394, %add3A_395 : i32
    %add3A_397 = vector.broadcast %add3A_396 : i32 to vector<16xi32>
    %add3A_398 = arith.addi %add3A_397, %iota3A : vector<16xi32>
    %rem3A_399 = arith.constant 200 : i32
    %rem3A_400 = vector.broadcast %rem3A_399 : i32 to vector<16xi32>
    %rem3A_401 = arith.remsi %add3A_398, %rem3A_400 : vector<16xi32>
    %mul3A_402 = arith.constant 200 : i32
    %mul3A_403 = vector.broadcast %mul3A_402 : i32 to vector<16xi32>
    %mul3A_404 = arith.muli %get3A_392, %mul3A_403 : vector<16xi32>
    %add3A_405 = arith.addi %mul3A_404, %rem3A_401 : vector<16xi32>
    %eq3A_406 = arith.constant 0 : i32
    %eq3A_407 = vector.broadcast %eq3A_406 : i32 to vector<16xi32>
    %eq3A_408 = arith.cmpi eq, %get3A_386, %eq3A_407 : vector<16xi32>
    %jit3A_409 = arith.constant 600 : i32
    %jit3A_410 = arith.constant 0 : i32
    %broadcast_in_dim3A_411 = vector.broadcast %jit3A_409 : i32 to vector<16xi32>
    %broadcast_in_dim3A_412 = vector.broadcast %jit3A_410 : i32 to vector<16xi32>
    %select_n3A_413 = arith.select %eq3A_408, %broadcast_in_dim3A_411, %broadcast_in_dim3A_412 : vector<16xi1>, vector<16xi32>
    %add3A_414 = arith.addi %add3A_405, %select_n3A_413 : vector<16xi32>
    %swap3A_415 = arith.constant 0 : i32
    %swap3A_416 = arith.index_cast %rem3A_105 : i32 to index
    %swap3A_417 = arith.index_cast %swap3A_415 : i32 to index
    %swap3A_418 = arith.constant 96 : index
    %swap3A_419 = tpu.vector_load %arg9[%swap3A_416, %swap3A_417, %swap3A_418] {strides = array<i32>} : memref<4x2x128xi32, #tpu.memory_space<vmem>>, vector<1x1x16xi32>,
    %swap3A_420 = vector.shape_cast %swap3A_419 : vector<1x1x16xi32> to vector<16xi32>
    %swap3A_421 = vector.shape_cast %add3A_414 : vector<16xi32> to vector<1x1x16xi32>
    tpu.vector_store %arg9[%swap3A_416, %swap3A_417, %swap3A_418], %swap3A_421 {strides = array<i32>} : memref<4x2x128xi32, #tpu.memory_space<vmem>>, vector<1x1x16xi32>,
    %get3A_422 = arith.constant 0 : i32
    %get3A_423 = arith.index_cast %rem3A_105 : i32 to index
    %get3A_424 = arith.index_cast %get3A_422 : i32 to index
    %get3A_425 = arith.constant 112 : index
    %get3A_426 = tpu.vector_load %arg7[%get3A_423, %get3A_424, %get3A_425] {strides = array<i32>} : memref<4x2x128xi32, #tpu.memory_space<vmem>>, vector<1x1x16xi32>,
    %get3A_427 = vector.shape_cast %get3A_426 : vector<1x1x16xi32> to vector<16xi32>
    %get3A_428 = arith.constant 0 : i32
    %get3A_429 = arith.index_cast %rem3A_105 : i32 to index
    %get3A_430 = arith.index_cast %get3A_428 : i32 to index
    %get3A_431 = arith.constant 112 : index
    %get3A_432 = tpu.vector_load %arg8[%get3A_429, %get3A_430, %get3A_431] {strides = array<i32>} : memref<4x2x128xi32, #tpu.memory_space<vmem>>, vector<1x1x16xi32>,
    %get3A_433 = vector.shape_cast %get3A_432 : vector<1x1x16xi32> to vector<16xi32>
    %add3A_434 = arith.constant 0 : i32
    %add3A_435 = arith.addi %mul3A_139, %add3A_434 : i32
    %add3A_436 = arith.constant 112 : i32
    %add3A_437 = arith.addi %add3A_435, %add3A_436 : i32
    %add3A_438 = vector.broadcast %add3A_437 : i32 to vector<16xi32>
    %add3A_439 = arith.addi %add3A_438, %iota3A : vector<16xi32>
    %rem3A_440 = arith.constant 200 : i32
    %rem3A_441 = vector.broadcast %rem3A_440 : i32 to vector<16xi32>
    %rem3A_442 = arith.remsi %add3A_439, %rem3A_441 : vector<16xi32>
    %mul3A_443 = arith.constant 200 : i32
    %mul3A_444 = vector.broadcast %mul3A_443 : i32 to vector<16xi32>
    %mul3A_445 = arith.muli %get3A_433, %mul3A_444 : vector<16xi32>
    %add3A_446 = arith.addi %mul3A_445, %rem3A_442 : vector<16xi32>
    %eq3A_447 = arith.constant 0 : i32
    %eq3A_448 = vector.broadcast %eq3A_447 : i32 to vector<16xi32>
    %eq3A_449 = arith.cmpi eq, %get3A_427, %eq3A_448 : vector<16xi32>
    %jit3A_450 = arith.constant 600 : i32
    %jit3A_451 = arith.constant 0 : i32
    %broadcast_in_dim3A_452 = vector.broadcast %jit3A_450 : i32 to vector<16xi32>
    %broadcast_in_dim3A_453 = vector.broadcast %jit3A_451 : i32 to vector<16xi32>
    %select_n3A_454 = arith.select %eq3A_449, %broadcast_in_dim3A_452, %broadcast_in_dim3A_453 : vector<16xi1>, vector<16xi32>
    %add3A_455 = arith.addi %add3A_446, %select_n3A_454 : vector<16xi32>
    %swap3A_456 = arith.constant 0 : i32
    %swap3A_457 = arith.index_cast %rem3A_105 : i32 to index
    %swap3A_458 = arith.index_cast %swap3A_456 : i32 to index
    %swap3A_459 = arith.constant 112 : index
    %swap3A_460 = tpu.vector_load %arg9[%swap3A_457, %swap3A_458, %swap3A_459] {strides = array<i32>} : memref<4x2x128xi32, #tpu.memory_space<vmem>>, vector<1x1x16xi32>,
    %swap3A_461 = vector.shape_cast %swap3A_460 : vector<1x1x16xi32> to vector<16xi32>
    %swap3A_462 = vector.shape_cast %add3A_455 : vector<16xi32> to vector<1x1x16xi32>
    tpu.vector_store %arg9[%swap3A_457, %swap3A_458, %swap3A_459], %swap3A_462 {strides = array<i32>} : memref<4x2x128xi32, #tpu.memory_space<vmem>>, vector<1x1x16xi32>,
    %get3A_463 = arith.constant 1 : i32
    %get3A_464 = arith.index_cast %rem3A_105 : i32 to index
    %get3A_465 = arith.index_cast %get3A_463 : i32 to index
    %get3A_466 = arith.constant 0 : index
    %get3A_467 = tpu.vector_load %arg7[%get3A_464, %get3A_465, %get3A_466] {strides = array<i32>} : memref<4x2x128xi32, #tpu.memory_space<vmem>>, vector<1x1x16xi32>,
    %get3A_468 = vector.shape_cast %get3A_467 : vector<1x1x16xi32> to vector<16xi32>
    %get3A_469 = arith.constant 1 : i32
    %get3A_470 = arith.index_cast %rem3A_105 : i32 to index
    %get3A_471 = arith.index_cast %get3A_469 : i32 to index
    %get3A_472 = arith.constant 0 : index
    %get3A_473 = tpu.vector_load %arg8[%get3A_470, %get3A_471, %get3A_472] {strides = array<i32>} : memref<4x2x128xi32, #tpu.memory_space<vmem>>, vector<1x1x16xi32>,
    %get3A_474 = vector.shape_cast %get3A_473 : vector<1x1x16xi32> to vector<16xi32>
    %add3A_475 = arith.constant 128 : i32
    %add3A_476 = arith.addi %mul3A_139, %add3A_475 : i32
    %add3A_477 = arith.constant 0 : i32
    %add3A_478 = arith.addi %add3A_476, %add3A_477 : i32
    %add3A_479 = vector.broadcast %add3A_478 : i32 to vector<16xi32>
    %add3A_480 = arith.addi %add3A_479, %iota3A : vector<16xi32>
    %rem3A_481 = arith.constant 200 : i32
    %rem3A_482 = vector.broadcast %rem3A_481 : i32 to vector<16xi32>
    %rem3A_483 = arith.remsi %add3A_480, %rem3A_482 : vector<16xi32>
    %mul3A_484 = arith.constant 200 : i32
    %mul3A_485 = vector.broadcast %mul3A_484 : i32 to vector<16xi32>
    %mul3A_486 = arith.muli %get3A_474, %mul3A_485 : vector<16xi32>
    %add3A_487 = arith.addi %mul3A_486, %rem3A_483 : vector<16xi32>
    %eq3A_488 = arith.constant 0 : i32
    %eq3A_489 = vector.broadcast %eq3A_488 : i32 to vector<16xi32>
    %eq3A_490 = arith.cmpi eq, %get3A_468, %eq3A_489 : vector<16xi32>
    %jit3A_491 = arith.constant 600 : i32
    %jit3A_492 = arith.constant 0 : i32
    %broadcast_in_dim3A_493 = vector.broadcast %jit3A_491 : i32 to vector<16xi32>
    %broadcast_in_dim3A_494 = vector.broadcast %jit3A_492 : i32 to vector<16xi32>
    %select_n3A_495 = arith.select %eq3A_490, %broadcast_in_dim3A_493, %broadcast_in_dim3A_494 : vector<16xi1>, vector<16xi32>
    %add3A_496 = arith.addi %add3A_487, %select_n3A_495 : vector<16xi32>
    %swap3A_497 = arith.constant 1 : i32
    %swap3A_498 = arith.index_cast %rem3A_105 : i32 to index
    %swap3A_499 = arith.index_cast %swap3A_497 : i32 to index
    %swap3A_500 = arith.constant 0 : index
    %swap3A_501 = tpu.vector_load %arg9[%swap3A_498, %swap3A_499, %swap3A_500] {strides = array<i32>} : memref<4x2x128xi32, #tpu.memory_space<vmem>>, vector<1x1x16xi32>,
    %swap3A_502 = vector.shape_cast %swap3A_501 : vector<1x1x16xi32> to vector<16xi32>
    %swap3A_503 = vector.shape_cast %add3A_496 : vector<16xi32> to vector<1x1x16xi32>
    tpu.vector_store %arg9[%swap3A_498, %swap3A_499, %swap3A_500], %swap3A_503 {strides = array<i32>} : memref<4x2x128xi32, #tpu.memory_space<vmem>>, vector<1x1x16xi32>,
    %get3A_504 = arith.constant 1 : i32
    %get3A_505 = arith.index_cast %rem3A_105 : i32 to index
    %get3A_506 = arith.index_cast %get3A_504 : i32 to index
    %get3A_507 = arith.constant 16 : index
    %get3A_508 = tpu.vector_load %arg7[%get3A_505, %get3A_506, %get3A_507] {strides = array<i32>} : memref<4x2x128xi32, #tpu.memory_space<vmem>>, vector<1x1x16xi32>,
    %get3A_509 = vector.shape_cast %get3A_508 : vector<1x1x16xi32> to vector<16xi32>
    %get3A_510 = arith.constant 1 : i32
    %get3A_511 = arith.index_cast %rem3A_105 : i32 to index
    %get3A_512 = arith.index_cast %get3A_510 : i32 to index
    %get3A_513 = arith.constant 16 : index
    %get3A_514 = tpu.vector_load %arg8[%get3A_511, %get3A_512, %get3A_513] {strides = array<i32>} : memref<4x2x128xi32, #tpu.memory_space<vmem>>, vector<1x1x16xi32>,
    %get3A_515 = vector.shape_cast %get3A_514 : vector<1x1x16xi32> to vector<16xi32>
    %add3A_516 = arith.constant 128 : i32
    %add3A_517 = arith.addi %mul3A_139, %add3A_516 : i32
    %add3A_518 = arith.constant 16 : i32
    %add3A_519 = arith.addi %add3A_517, %add3A_518 : i32
    %add3A_520 = vector.broadcast %add3A_519 : i32 to vector<16xi32>
    %add3A_521 = arith.addi %add3A_520, %iota3A : vector<16xi32>
    %rem3A_522 = arith.constant 200 : i32
    %rem3A_523 = vector.broadcast %rem3A_522 : i32 to vector<16xi32>
    %rem3A_524 = arith.remsi %add3A_521, %rem3A_523 : vector<16xi32>
    %mul3A_525 = arith.constant 200 : i32
    %mul3A_526 = vector.broadcast %mul3A_525 : i32 to vector<16xi32>
    %mul3A_527 = arith.muli %get3A_515, %mul3A_526 : vector<16xi32>
    %add3A_528 = arith.addi %mul3A_527, %rem3A_524 : vector<16xi32>
    %eq3A_529 = arith.constant 0 : i32
    %eq3A_530 = vector.broadcast %eq3A_529 : i32 to vector<16xi32>
    %eq3A_531 = arith.cmpi eq, %get3A_509, %eq3A_530 : vector<16xi32>
    %jit3A_532 = arith.constant 600 : i32
    %jit3A_533 = arith.constant 0 : i32
    %broadcast_in_dim3A_534 = vector.broadcast %jit3A_532 : i32 to vector<16xi32>
    %broadcast_in_dim3A_535 = vector.broadcast %jit3A_533 : i32 to vector<16xi32>
    %select_n3A_536 = arith.select %eq3A_531, %broadcast_in_dim3A_534, %broadcast_in_dim3A_535 : vector<16xi1>, vector<16xi32>
    %add3A_537 = arith.addi %add3A_528, %select_n3A_536 : vector<16xi32>
    %swap3A_538 = arith.constant 1 : i32
    %swap3A_539 = arith.index_cast %rem3A_105 : i32 to index
    %swap3A_540 = arith.index_cast %swap3A_538 : i32 to index
    %swap3A_541 = arith.constant 16 : index
    %swap3A_542 = tpu.vector_load %arg9[%swap3A_539, %swap3A_540, %swap3A_541] {strides = array<i32>} : memref<4x2x128xi32, #tpu.memory_space<vmem>>, vector<1x1x16xi32>,
    %swap3A_543 = vector.shape_cast %swap3A_542 : vector<1x1x16xi32> to vector<16xi32>
    %swap3A_544 = vector.shape_cast %add3A_537 : vector<16xi32> to vector<1x1x16xi32>
    tpu.vector_store %arg9[%swap3A_539, %swap3A_540, %swap3A_541], %swap3A_544 {strides = array<i32>} : memref<4x2x128xi32, #tpu.memory_space<vmem>>, vector<1x1x16xi32>,
    %get3A_545 = arith.constant 1 : i32
    %get3A_546 = arith.index_cast %rem3A_105 : i32 to index
    %get3A_547 = arith.index_cast %get3A_545 : i32 to index
    %get3A_548 = arith.constant 32 : index
    %get3A_549 = tpu.vector_load %arg7[%get3A_546, %get3A_547, %get3A_548] {strides = array<i32>} : memref<4x2x128xi32, #tpu.memory_space<vmem>>, vector<1x1x16xi32>,
    %get3A_550 = vector.shape_cast %get3A_549 : vector<1x1x16xi32> to vector<16xi32>
    %get3A_551 = arith.constant 1 : i32
    %get3A_552 = arith.index_cast %rem3A_105 : i32 to index
    %get3A_553 = arith.index_cast %get3A_551 : i32 to index
    %get3A_554 = arith.constant 32 : index
    %get3A_555 = tpu.vector_load %arg8[%get3A_552, %get3A_553, %get3A_554] {strides = array<i32>} : memref<4x2x128xi32, #tpu.memory_space<vmem>>, vector<1x1x16xi32>,
    %get3A_556 = vector.shape_cast %get3A_555 : vector<1x1x16xi32> to vector<16xi32>
    %add3A_557 = arith.constant 128 : i32
    %add3A_558 = arith.addi %mul3A_139, %add3A_557 : i32
    %add3A_559 = arith.constant 32 : i32
    %add3A_560 = arith.addi %add3A_558, %add3A_559 : i32
    %add3A_561 = vector.broadcast %add3A_560 : i32 to vector<16xi32>
    %add3A_562 = arith.addi %add3A_561, %iota3A : vector<16xi32>
    %rem3A_563 = arith.constant 200 : i32
    %rem3A_564 = vector.broadcast %rem3A_563 : i32 to vector<16xi32>
    %rem3A_565 = arith.remsi %add3A_562, %rem3A_564 : vector<16xi32>
    %mul3A_566 = arith.constant 200 : i32
    %mul3A_567 = vector.broadcast %mul3A_566 : i32 to vector<16xi32>
    %mul3A_568 = arith.muli %get3A_556, %mul3A_567 : vector<16xi32>
    %add3A_569 = arith.addi %mul3A_568, %rem3A_565 : vector<16xi32>
    %eq3A_570 = arith.constant 0 : i32
    %eq3A_571 = vector.broadcast %eq3A_570 : i32 to vector<16xi32>
    %eq3A_572 = arith.cmpi eq, %get3A_550, %eq3A_571 : vector<16xi32>
    %jit3A_573 = arith.constant 600 : i32
    %jit3A_574 = arith.constant 0 : i32
    %broadcast_in_dim3A_575 = vector.broadcast %jit3A_573 : i32 to vector<16xi32>
    %broadcast_in_dim3A_576 = vector.broadcast %jit3A_574 : i32 to vector<16xi32>
    %select_n3A_577 = arith.select %eq3A_572, %broadcast_in_dim3A_575, %broadcast_in_dim3A_576 : vector<16xi1>, vector<16xi32>
    %add3A_578 = arith.addi %add3A_569, %select_n3A_577 : vector<16xi32>
    %swap3A_579 = arith.constant 1 : i32
    %swap3A_580 = arith.index_cast %rem3A_105 : i32 to index
    %swap3A_581 = arith.index_cast %swap3A_579 : i32 to index
    %swap3A_582 = arith.constant 32 : index
    %swap3A_583 = tpu.vector_load %arg9[%swap3A_580, %swap3A_581, %swap3A_582] {strides = array<i32>} : memref<4x2x128xi32, #tpu.memory_space<vmem>>, vector<1x1x16xi32>,
    %swap3A_584 = vector.shape_cast %swap3A_583 : vector<1x1x16xi32> to vector<16xi32>
    %swap3A_585 = vector.shape_cast %add3A_578 : vector<16xi32> to vector<1x1x16xi32>
    tpu.vector_store %arg9[%swap3A_580, %swap3A_581, %swap3A_582], %swap3A_585 {strides = array<i32>} : memref<4x2x128xi32, #tpu.memory_space<vmem>>, vector<1x1x16xi32>,
    %get3A_586 = arith.constant 1 : i32
    %get3A_587 = arith.index_cast %rem3A_105 : i32 to index
    %get3A_588 = arith.index_cast %get3A_586 : i32 to index
    %get3A_589 = arith.constant 48 : index
    %get3A_590 = tpu.vector_load %arg7[%get3A_587, %get3A_588, %get3A_589] {strides = array<i32>} : memref<4x2x128xi32, #tpu.memory_space<vmem>>, vector<1x1x16xi32>,
    %get3A_591 = vector.shape_cast %get3A_590 : vector<1x1x16xi32> to vector<16xi32>
    %get3A_592 = arith.constant 1 : i32
    %get3A_593 = arith.index_cast %rem3A_105 : i32 to index
    %get3A_594 = arith.index_cast %get3A_592 : i32 to index
    %get3A_595 = arith.constant 48 : index
    %get3A_596 = tpu.vector_load %arg8[%get3A_593, %get3A_594, %get3A_595] {strides = array<i32>} : memref<4x2x128xi32, #tpu.memory_space<vmem>>, vector<1x1x16xi32>,
    %get3A_597 = vector.shape_cast %get3A_596 : vector<1x1x16xi32> to vector<16xi32>
    %add3A_598 = arith.constant 128 : i32
    %add3A_599 = arith.addi %mul3A_139, %add3A_598 : i32
    %add3A_600 = arith.constant 48 : i32
    %add3A_601 = arith.addi %add3A_599, %add3A_600 : i32
    %add3A_602 = vector.broadcast %add3A_601 : i32 to vector<16xi32>
    %add3A_603 = arith.addi %add3A_602, %iota3A : vector<16xi32>
    %rem3A_604 = arith.constant 200 : i32
    %rem3A_605 = vector.broadcast %rem3A_604 : i32 to vector<16xi32>
    %rem3A_606 = arith.remsi %add3A_603, %rem3A_605 : vector<16xi32>
    %mul3A_607 = arith.constant 200 : i32
    %mul3A_608 = vector.broadcast %mul3A_607 : i32 to vector<16xi32>
    %mul3A_609 = arith.muli %get3A_597, %mul3A_608 : vector<16xi32>
    %add3A_610 = arith.addi %mul3A_609, %rem3A_606 : vector<16xi32>
    %eq3A_611 = arith.constant 0 : i32
    %eq3A_612 = vector.broadcast %eq3A_611 : i32 to vector<16xi32>
    %eq3A_613 = arith.cmpi eq, %get3A_591, %eq3A_612 : vector<16xi32>
    %jit3A_614 = arith.constant 600 : i32
    %jit3A_615 = arith.constant 0 : i32
    %broadcast_in_dim3A_616 = vector.broadcast %jit3A_614 : i32 to vector<16xi32>
    %broadcast_in_dim3A_617 = vector.broadcast %jit3A_615 : i32 to vector<16xi32>
    %select_n3A_618 = arith.select %eq3A_613, %broadcast_in_dim3A_616, %broadcast_in_dim3A_617 : vector<16xi1>, vector<16xi32>
    %add3A_619 = arith.addi %add3A_610, %select_n3A_618 : vector<16xi32>
    %swap3A_620 = arith.constant 1 : i32
    %swap3A_621 = arith.index_cast %rem3A_105 : i32 to index
    %swap3A_622 = arith.index_cast %swap3A_620 : i32 to index
    %swap3A_623 = arith.constant 48 : index
    %swap3A_624 = tpu.vector_load %arg9[%swap3A_621, %swap3A_622, %swap3A_623] {strides = array<i32>} : memref<4x2x128xi32, #tpu.memory_space<vmem>>, vector<1x1x16xi32>,
    %swap3A_625 = vector.shape_cast %swap3A_624 : vector<1x1x16xi32> to vector<16xi32>
    %swap3A_626 = vector.shape_cast %add3A_619 : vector<16xi32> to vector<1x1x16xi32>
    tpu.vector_store %arg9[%swap3A_621, %swap3A_622, %swap3A_623], %swap3A_626 {strides = array<i32>} : memref<4x2x128xi32, #tpu.memory_space<vmem>>, vector<1x1x16xi32>,
    %get3A_627 = arith.constant 1 : i32
    %get3A_628 = arith.index_cast %rem3A_105 : i32 to index
    %get3A_629 = arith.index_cast %get3A_627 : i32 to index
    %get3A_630 = arith.constant 64 : index
    %get3A_631 = tpu.vector_load %arg7[%get3A_628, %get3A_629, %get3A_630] {strides = array<i32>} : memref<4x2x128xi32, #tpu.memory_space<vmem>>, vector<1x1x16xi32>,
    %get3A_632 = vector.shape_cast %get3A_631 : vector<1x1x16xi32> to vector<16xi32>
    %get3A_633 = arith.constant 1 : i32
    %get3A_634 = arith.index_cast %rem3A_105 : i32 to index
    %get3A_635 = arith.index_cast %get3A_633 : i32 to index
    %get3A_636 = arith.constant 64 : index
    %get3A_637 = tpu.vector_load %arg8[%get3A_634, %get3A_635, %get3A_636] {strides = array<i32>} : memref<4x2x128xi32, #tpu.memory_space<vmem>>, vector<1x1x16xi32>,
    %get3A_638 = vector.shape_cast %get3A_637 : vector<1x1x16xi32> to vector<16xi32>
    %add3A_639 = arith.constant 128 : i32
    %add3A_640 = arith.addi %mul3A_139, %add3A_639 : i32
    %add3A_641 = arith.constant 64 : i32
    %add3A_642 = arith.addi %add3A_640, %add3A_641 : i32
    %add3A_643 = vector.broadcast %add3A_642 : i32 to vector<16xi32>
    %add3A_644 = arith.addi %add3A_643, %iota3A : vector<16xi32>
    %rem3A_645 = arith.constant 200 : i32
    %rem3A_646 = vector.broadcast %rem3A_645 : i32 to vector<16xi32>
    %rem3A_647 = arith.remsi %add3A_644, %rem3A_646 : vector<16xi32>
    %mul3A_648 = arith.constant 200 : i32
    %mul3A_649 = vector.broadcast %mul3A_648 : i32 to vector<16xi32>
    %mul3A_650 = arith.muli %get3A_638, %mul3A_649 : vector<16xi32>
    %add3A_651 = arith.addi %mul3A_650, %rem3A_647 : vector<16xi32>
    %eq3A_652 = arith.constant 0 : i32
    %eq3A_653 = vector.broadcast %eq3A_652 : i32 to vector<16xi32>
    %eq3A_654 = arith.cmpi eq, %get3A_632, %eq3A_653 : vector<16xi32>
    %jit3A_655 = arith.constant 600 : i32
    %jit3A_656 = arith.constant 0 : i32
    %broadcast_in_dim3A_657 = vector.broadcast %jit3A_655 : i32 to vector<16xi32>
    %broadcast_in_dim3A_658 = vector.broadcast %jit3A_656 : i32 to vector<16xi32>
    %select_n3A_659 = arith.select %eq3A_654, %broadcast_in_dim3A_657, %broadcast_in_dim3A_658 : vector<16xi1>, vector<16xi32>
    %add3A_660 = arith.addi %add3A_651, %select_n3A_659 : vector<16xi32>
    %swap3A_661 = arith.constant 1 : i32
    %swap3A_662 = arith.index_cast %rem3A_105 : i32 to index
    %swap3A_663 = arith.index_cast %swap3A_661 : i32 to index
    %swap3A_664 = arith.constant 64 : index
    %swap3A_665 = tpu.vector_load %arg9[%swap3A_662, %swap3A_663, %swap3A_664] {strides = array<i32>} : memref<4x2x128xi32, #tpu.memory_space<vmem>>, vector<1x1x16xi32>,
    %swap3A_666 = vector.shape_cast %swap3A_665 : vector<1x1x16xi32> to vector<16xi32>
    %swap3A_667 = vector.shape_cast %add3A_660 : vector<16xi32> to vector<1x1x16xi32>
    tpu.vector_store %arg9[%swap3A_662, %swap3A_663, %swap3A_664], %swap3A_667 {strides = array<i32>} : memref<4x2x128xi32, #tpu.memory_space<vmem>>, vector<1x1x16xi32>,
    %get3A_668 = arith.constant 1 : i32
    %get3A_669 = arith.index_cast %rem3A_105 : i32 to index
    %get3A_670 = arith.index_cast %get3A_668 : i32 to index
    %get3A_671 = arith.constant 80 : index
    %get3A_672 = tpu.vector_load %arg7[%get3A_669, %get3A_670, %get3A_671] {strides = array<i32>} : memref<4x2x128xi32, #tpu.memory_space<vmem>>, vector<1x1x16xi32>,
    %get3A_673 = vector.shape_cast %get3A_672 : vector<1x1x16xi32> to vector<16xi32>
    %get3A_674 = arith.constant 1 : i32
    %get3A_675 = arith.index_cast %rem3A_105 : i32 to index
    %get3A_676 = arith.index_cast %get3A_674 : i32 to index
    %get3A_677 = arith.constant 80 : index
    %get3A_678 = tpu.vector_load %arg8[%get3A_675, %get3A_676, %get3A_677] {strides = array<i32>} : memref<4x2x128xi32, #tpu.memory_space<vmem>>, vector<1x1x16xi32>,
    %get3A_679 = vector.shape_cast %get3A_678 : vector<1x1x16xi32> to vector<16xi32>
    %add3A_680 = arith.constant 128 : i32
    %add3A_681 = arith.addi %mul3A_139, %add3A_680 : i32
    %add3A_682 = arith.constant 80 : i32
    %add3A_683 = arith.addi %add3A_681, %add3A_682 : i32
    %add3A_684 = vector.broadcast %add3A_683 : i32 to vector<16xi32>
    %add3A_685 = arith.addi %add3A_684, %iota3A : vector<16xi32>
    %rem3A_686 = arith.constant 200 : i32
    %rem3A_687 = vector.broadcast %rem3A_686 : i32 to vector<16xi32>
    %rem3A_688 = arith.remsi %add3A_685, %rem3A_687 : vector<16xi32>
    %mul3A_689 = arith.constant 200 : i32
    %mul3A_690 = vector.broadcast %mul3A_689 : i32 to vector<16xi32>
    %mul3A_691 = arith.muli %get3A_679, %mul3A_690 : vector<16xi32>
    %add3A_692 = arith.addi %mul3A_691, %rem3A_688 : vector<16xi32>
    %eq3A_693 = arith.constant 0 : i32
    %eq3A_694 = vector.broadcast %eq3A_693 : i32 to vector<16xi32>
    %eq3A_695 = arith.cmpi eq, %get3A_673, %eq3A_694 : vector<16xi32>
    %jit3A_696 = arith.constant 600 : i32
    %jit3A_697 = arith.constant 0 : i32
    %broadcast_in_dim3A_698 = vector.broadcast %jit3A_696 : i32 to vector<16xi32>
    %broadcast_in_dim3A_699 = vector.broadcast %jit3A_697 : i32 to vector<16xi32>
    %select_n3A_700 = arith.select %eq3A_695, %broadcast_in_dim3A_698, %broadcast_in_dim3A_699 : vector<16xi1>, vector<16xi32>
    %add3A_701 = arith.addi %add3A_692, %select_n3A_700 : vector<16xi32>
    %swap3A_702 = arith.constant 1 : i32
    %swap3A_703 = arith.index_cast %rem3A_105 : i32 to index
    %swap3A_704 = arith.index_cast %swap3A_702 : i32 to index
    %swap3A_705 = arith.constant 80 : index
    %swap3A_706 = tpu.vector_load %arg9[%swap3A_703, %swap3A_704, %swap3A_705] {strides = array<i32>} : memref<4x2x128xi32, #tpu.memory_space<vmem>>, vector<1x1x16xi32>,
    %swap3A_707 = vector.shape_cast %swap3A_706 : vector<1x1x16xi32> to vector<16xi32>
    %swap3A_708 = vector.shape_cast %add3A_701 : vector<16xi32> to vector<1x1x16xi32>
    tpu.vector_store %arg9[%swap3A_703, %swap3A_704, %swap3A_705], %swap3A_708 {strides = array<i32>} : memref<4x2x128xi32, #tpu.memory_space<vmem>>, vector<1x1x16xi32>,
    %get3A_709 = arith.constant 1 : i32
    %get3A_710 = arith.index_cast %rem3A_105 : i32 to index
    %get3A_711 = arith.index_cast %get3A_709 : i32 to index
    %get3A_712 = arith.constant 96 : index
    %get3A_713 = tpu.vector_load %arg7[%get3A_710, %get3A_711, %get3A_712] {strides = array<i32>} : memref<4x2x128xi32, #tpu.memory_space<vmem>>, vector<1x1x16xi32>,
    %get3A_714 = vector.shape_cast %get3A_713 : vector<1x1x16xi32> to vector<16xi32>
    %get3A_715 = arith.constant 1 : i32
    %get3A_716 = arith.index_cast %rem3A_105 : i32 to index
    %get3A_717 = arith.index_cast %get3A_715 : i32 to index
    %get3A_718 = arith.constant 96 : index
    %get3A_719 = tpu.vector_load %arg8[%get3A_716, %get3A_717, %get3A_718] {strides = array<i32>} : memref<4x2x128xi32, #tpu.memory_space<vmem>>, vector<1x1x16xi32>,
    %get3A_720 = vector.shape_cast %get3A_719 : vector<1x1x16xi32> to vector<16xi32>
    %add3A_721 = arith.constant 128 : i32
    %add3A_722 = arith.addi %mul3A_139, %add3A_721 : i32
    %add3A_723 = arith.constant 96 : i32
    %add3A_724 = arith.addi %add3A_722, %add3A_723 : i32
    %add3A_725 = vector.broadcast %add3A_724 : i32 to vector<16xi32>
    %add3A_726 = arith.addi %add3A_725, %iota3A : vector<16xi32>
    %rem3A_727 = arith.constant 200 : i32
    %rem3A_728 = vector.broadcast %rem3A_727 : i32 to vector<16xi32>
    %rem3A_729 = arith.remsi %add3A_726, %rem3A_728 : vector<16xi32>
    %mul3A_730 = arith.constant 200 : i32
    %mul3A_731 = vector.broadcast %mul3A_730 : i32 to vector<16xi32>
    %mul3A_732 = arith.muli %get3A_720, %mul3A_731 : vector<16xi32>
    %add3A_733 = arith.addi %mul3A_732, %rem3A_729 : vector<16xi32>
    %eq3A_734 = arith.constant 0 : i32
    %eq3A_735 = vector.broadcast %eq3A_734 : i32 to vector<16xi32>
    %eq3A_736 = arith.cmpi eq, %get3A_714, %eq3A_735 : vector<16xi32>
    %jit3A_737 = arith.constant 600 : i32
    %jit3A_738 = arith.constant 0 : i32
    %broadcast_in_dim3A_739 = vector.broadcast %jit3A_737 : i32 to vector<16xi32>
    %broadcast_in_dim3A_740 = vector.broadcast %jit3A_738 : i32 to vector<16xi32>
    %select_n3A_741 = arith.select %eq3A_736, %broadcast_in_dim3A_739, %broadcast_in_dim3A_740 : vector<16xi1>, vector<16xi32>
    %add3A_742 = arith.addi %add3A_733, %select_n3A_741 : vector<16xi32>
    %swap3A_743 = arith.constant 1 : i32
    %swap3A_744 = arith.index_cast %rem3A_105 : i32 to index
    %swap3A_745 = arith.index_cast %swap3A_743 : i32 to index
    %swap3A_746 = arith.constant 96 : index
    %swap3A_747 = tpu.vector_load %arg9[%swap3A_744, %swap3A_745, %swap3A_746] {strides = array<i32>} : memref<4x2x128xi32, #tpu.memory_space<vmem>>, vector<1x1x16xi32>,
    %swap3A_748 = vector.shape_cast %swap3A_747 : vector<1x1x16xi32> to vector<16xi32>
    %swap3A_749 = vector.shape_cast %add3A_742 : vector<16xi32> to vector<1x1x16xi32>
    tpu.vector_store %arg9[%swap3A_744, %swap3A_745, %swap3A_746], %swap3A_749 {strides = array<i32>} : memref<4x2x128xi32, #tpu.memory_space<vmem>>, vector<1x1x16xi32>,
    %get3A_750 = arith.constant 1 : i32
    %get3A_751 = arith.index_cast %rem3A_105 : i32 to index
    %get3A_752 = arith.index_cast %get3A_750 : i32 to index
    %get3A_753 = arith.constant 112 : index
    %get3A_754 = tpu.vector_load %arg7[%get3A_751, %get3A_752, %get3A_753] {strides = array<i32>} : memref<4x2x128xi32, #tpu.memory_space<vmem>>, vector<1x1x16xi32>,
    %get3A_755 = vector.shape_cast %get3A_754 : vector<1x1x16xi32> to vector<16xi32>
    %get3A_756 = arith.constant 1 : i32
    %get3A_757 = arith.index_cast %rem3A_105 : i32 to index
    %get3A_758 = arith.index_cast %get3A_756 : i32 to index
    %get3A_759 = arith.constant 112 : index
    %get3A_760 = tpu.vector_load %arg8[%get3A_757, %get3A_758, %get3A_759] {strides = array<i32>} : memref<4x2x128xi32, #tpu.memory_space<vmem>>, vector<1x1x16xi32>,
    %get3A_761 = vector.shape_cast %get3A_760 : vector<1x1x16xi32> to vector<16xi32>
    %add3A_762 = arith.constant 128 : i32
    %add3A_763 = arith.addi %mul3A_139, %add3A_762 : i32
    %add3A_764 = arith.constant 112 : i32
    %add3A_765 = arith.addi %add3A_763, %add3A_764 : i32
    %add3A_766 = vector.broadcast %add3A_765 : i32 to vector<16xi32>
    %add3A_767 = arith.addi %add3A_766, %iota3A : vector<16xi32>
    %rem3A_768 = arith.constant 200 : i32
    %rem3A_769 = vector.broadcast %rem3A_768 : i32 to vector<16xi32>
    %rem3A_770 = arith.remsi %add3A_767, %rem3A_769 : vector<16xi32>
    %mul3A_771 = arith.constant 200 : i32
    %mul3A_772 = vector.broadcast %mul3A_771 : i32 to vector<16xi32>
    %mul3A_773 = arith.muli %get3A_761, %mul3A_772 : vector<16xi32>
    %add3A_774 = arith.addi %mul3A_773, %rem3A_770 : vector<16xi32>
    %eq3A_775 = arith.constant 0 : i32
    %eq3A_776 = vector.broadcast %eq3A_775 : i32 to vector<16xi32>
    %eq3A_777 = arith.cmpi eq, %get3A_755, %eq3A_776 : vector<16xi32>
    %jit3A_778 = arith.constant 600 : i32
    %jit3A_779 = arith.constant 0 : i32
    %broadcast_in_dim3A_780 = vector.broadcast %jit3A_778 : i32 to vector<16xi32>
    %broadcast_in_dim3A_781 = vector.broadcast %jit3A_779 : i32 to vector<16xi32>
    %select_n3A_782 = arith.select %eq3A_777, %broadcast_in_dim3A_780, %broadcast_in_dim3A_781 : vector<16xi1>, vector<16xi32>
    %add3A_783 = arith.addi %add3A_774, %select_n3A_782 : vector<16xi32>
    %swap3A_784 = arith.constant 1 : i32
    %swap3A_785 = arith.index_cast %rem3A_105 : i32 to index
    %swap3A_786 = arith.index_cast %swap3A_784 : i32 to index
    %swap3A_787 = arith.constant 112 : index
    %swap3A_788 = tpu.vector_load %arg9[%swap3A_785, %swap3A_786, %swap3A_787] {strides = array<i32>} : memref<4x2x128xi32, #tpu.memory_space<vmem>>, vector<1x1x16xi32>,
    %swap3A_789 = vector.shape_cast %swap3A_788 : vector<1x1x16xi32> to vector<16xi32>
    %swap3A_790 = vector.shape_cast %add3A_783 : vector<16xi32> to vector<1x1x16xi32>
    tpu.vector_store %arg9[%swap3A_785, %swap3A_786, %swap3A_787], %swap3A_790 {strides = array<i32>} : memref<4x2x128xi32, #tpu.memory_space<vmem>>, vector<1x1x16xi32>,
    %rem3A_791 = arith.constant 0 : i32
    %rem3A_792 = arith.constant 4 : i32
    %rem3A_793 = arith.remsi %rem3A_791, %rem3A_792 : i32
    %rem3A_794 = arith.constant 0 : i32
    %rem3A_795 = arith.constant 2 : i32
    %rem3A_796 = arith.remsi %rem3A_794, %rem3A_795 : i32
    %dma_start3A_797 = arith.constant 0 : i32
    %dma_start3A_798 = arith.constant 0 : i32
    %dma_start3A_799 = arith.constant 0 : i32
    %dma_start3A_800 = tpu.memref_slice %arg12[%rem3A_796, %dma_start3A_798, %dma_start3A_799] : memref<2x256x64xf32, #tpu.memory_space<vmem>> -> memref<1x128x64xf32, #tpu.memory_space<vmem>>
    %dma_start3A_801 = tpu.memref_squeeze %dma_start3A_800 : memref<1x128x64xf32, #tpu.memory_space<vmem>> -> memref<128x64xf32, #tpu.memory_space<vmem>>
    %dma_start3A_802 = arith.constant 0 : i32
    %dma_start3A_803 = tpu.memref_slice %arg9[%rem3A_793, %dma_start3A_797, %dma_start3A_802] : memref<4x2x128xi32, #tpu.memory_space<vmem>> -> memref<1x1x128xi32, #tpu.memory_space<vmem>>
    %dma_start3A_804 = tpu.memref_squeeze %dma_start3A_803 : memref<1x1x128xi32, #tpu.memory_space<vmem>> -> memref<128xi32, #tpu.memory_space<vmem>>
    %dma_start3A_805 = arith.constant 0 : i32
    %dma_start3A_806 = arith.constant 0 : i32
    %dma_start3A_807 = tpu.memref_slice %arg10[%dma_start3A_805, %dma_start3A_806] : memref<1200x64xf32, #tpu.memory_space<vmem_shared>> -> memref<1200x64xf32, #tpu.memory_space<vmem_shared>>
    %dma_start3A_808 = tpu.memref_slice %arg14[%rem3A_796] : memref<2x!tpu.dma_semaphore, #tpu.memory_space<semaphore_mem>> -> memref<1x!tpu.dma_semaphore, #tpu.memory_space<semaphore_mem>>
    %dma_start3A_809 = tpu.memref_squeeze %dma_start3A_808 : memref<1x!tpu.dma_semaphore, #tpu.memory_space<semaphore_mem>> -> memref<!tpu.dma_semaphore, #tpu.memory_space<semaphore_mem>>
    tpu.enqueue_indirect_dma source(%dma_start3A_807 : memref<1200x64xf32, #tpu.memory_space<vmem_shared>>) target(%dma_start3A_801 : memref<128x64xf32, #tpu.memory_space<vmem>>) offsets(%dma_start3A_804 : memref<128xi32, #tpu.memory_space<vmem>>) semaphore(%dma_start3A_809 : memref<!tpu.dma_semaphore, #tpu.memory_space<semaphore_mem>>)
    %dma_start3A_810 = arith.constant 1 : i32
    %dma_start3A_811 = arith.constant 128 : i32
    %dma_start3A_812 = arith.constant 0 : i32
    %dma_start3A_813 = tpu.memref_slice %arg12[%rem3A_796, %dma_start3A_811, %dma_start3A_812] : memref<2x256x64xf32, #tpu.memory_space<vmem>> -> memref<1x128x64xf32, #tpu.memory_space<vmem>>
    %dma_start3A_814 = tpu.memref_squeeze %dma_start3A_813 : memref<1x128x64xf32, #tpu.memory_space<vmem>> -> memref<128x64xf32, #tpu.memory_space<vmem>>
    %dma_start3A_815 = arith.constant 0 : i32
    %dma_start3A_816 = tpu.memref_slice %arg9[%rem3A_793, %dma_start3A_810, %dma_start3A_815] : memref<4x2x128xi32, #tpu.memory_space<vmem>> -> memref<1x1x128xi32, #tpu.memory_space<vmem>>
    %dma_start3A_817 = tpu.memref_squeeze %dma_start3A_816 : memref<1x1x128xi32, #tpu.memory_space<vmem>> -> memref<128xi32, #tpu.memory_space<vmem>>
    %dma_start3A_818 = arith.constant 0 : i32
    %dma_start3A_819 = arith.constant 0 : i32
    %dma_start3A_820 = tpu.memref_slice %arg10[%dma_start3A_818, %dma_start3A_819] : memref<1200x64xf32, #tpu.memory_space<vmem_shared>> -> memref<1200x64xf32, #tpu.memory_space<vmem_shared>>
    %dma_start3A_821 = tpu.memref_slice %arg14[%rem3A_796] : memref<2x!tpu.dma_semaphore, #tpu.memory_space<semaphore_mem>> -> memref<1x!tpu.dma_semaphore, #tpu.memory_space<semaphore_mem>>
    %dma_start3A_822 = tpu.memref_squeeze %dma_start3A_821 : memref<1x!tpu.dma_semaphore, #tpu.memory_space<semaphore_mem>> -> memref<!tpu.dma_semaphore, #tpu.memory_space<semaphore_mem>>
    tpu.enqueue_indirect_dma source(%dma_start3A_820 : memref<1200x64xf32, #tpu.memory_space<vmem_shared>>) target(%dma_start3A_814 : memref<128x64xf32, #tpu.memory_space<vmem>>) offsets(%dma_start3A_817 : memref<128xi32, #tpu.memory_space<vmem>>) semaphore(%dma_start3A_822 : memref<!tpu.dma_semaphore, #tpu.memory_space<semaphore_mem>>)
    %rem3A_823 = arith.constant 2 : i32
    %rem3A_824 = arith.constant 4 : i32
    %rem3A_825 = arith.remsi %rem3A_823, %rem3A_824 : i32
    %add3A_826 = arith.constant 4 : i32
    %add3A_827 = arith.addi %mul3A_2, %add3A_826 : i32
    %dma_start3A_828 = arith.constant 0 : i32
    %dma_start3A_829 = arith.constant 0 : i32
    %dma_start3A_830 = tpu.memref_slice %arg7[%rem3A_825, %dma_start3A_828, %dma_start3A_829] : memref<4x2x128xi32, #tpu.memory_space<vmem>> -> memref<1x2x128xi32, #tpu.memory_space<vmem>>
    %dma_start3A_831 = tpu.memref_squeeze %dma_start3A_830 : memref<1x2x128xi32, #tpu.memory_space<vmem>> -> memref<2x128xi32, #tpu.memory_space<vmem>>
    %dma_start3A_832 = arith.constant 0 : i32
    %dma_start3A_833 = tpu.memref_slice %arg2[%add3A_827, %dma_start3A_832] : memref<1600x128xi32, #tpu.memory_space<hbm>> -> memref<2x128xi32, #tpu.memory_space<hbm>>
    %dma_start3A_834 = tpu.memref_slice %arg13[%rem3A_825] : memref<4x!tpu.dma_semaphore, #tpu.memory_space<semaphore_mem>> -> memref<1x!tpu.dma_semaphore, #tpu.memory_space<semaphore_mem>>
    %dma_start3A_835 = tpu.memref_squeeze %dma_start3A_834 : memref<1x!tpu.dma_semaphore, #tpu.memory_space<semaphore_mem>> -> memref<!tpu.dma_semaphore, #tpu.memory_space<semaphore_mem>>
    %dma_start3A_836 = arith.constant 0 : i32
    %dma_start3A_837 = arith.constant 0 : i32
    %dma_start3A_838 = tpu.memref_slice %arg7[%rem3A_825, %dma_start3A_836, %dma_start3A_837] : memref<4x2x128xi32, #tpu.memory_space<vmem>> -> memref<1x2x128xi32, #tpu.memory_space<vmem>>
    %dma_start3A_839 = tpu.memref_squeeze %dma_start3A_838 : memref<1x2x128xi32, #tpu.memory_space<vmem>> -> memref<2x128xi32, #tpu.memory_space<vmem>>
    %dma_start3A_840 = arith.constant 0 : i32
    %dma_start3A_841 = tpu.memref_slice %arg2[%add3A_827, %dma_start3A_840] : memref<1600x128xi32, #tpu.memory_space<hbm>> -> memref<2x128xi32, #tpu.memory_space<hbm>>
    tpu.enqueue_dma source(%dma_start3A_841 : memref<2x128xi32, #tpu.memory_space<hbm>>) target(%dma_start3A_839 : memref<2x128xi32, #tpu.memory_space<vmem>>) target_semaphore(%dma_start3A_835 : memref<!tpu.dma_semaphore, #tpu.memory_space<semaphore_mem>>)
    %dma_start3A_842 = arith.constant 0 : i32
    %dma_start3A_843 = arith.constant 0 : i32
    %dma_start3A_844 = tpu.memref_slice %arg8[%rem3A_825, %dma_start3A_842, %dma_start3A_843] : memref<4x2x128xi32, #tpu.memory_space<vmem>> -> memref<1x2x128xi32, #tpu.memory_space<vmem>>
    %dma_start3A_845 = tpu.memref_squeeze %dma_start3A_844 : memref<1x2x128xi32, #tpu.memory_space<vmem>> -> memref<2x128xi32, #tpu.memory_space<vmem>>
    %dma_start3A_846 = arith.constant 0 : i32
    %dma_start3A_847 = tpu.memref_slice %arg3[%add3A_827, %dma_start3A_846] : memref<1600x128xi32, #tpu.memory_space<hbm>> -> memref<2x128xi32, #tpu.memory_space<hbm>>
    %dma_start3A_848 = tpu.memref_slice %arg13[%rem3A_825] : memref<4x!tpu.dma_semaphore, #tpu.memory_space<semaphore_mem>> -> memref<1x!tpu.dma_semaphore, #tpu.memory_space<semaphore_mem>>
    %dma_start3A_849 = tpu.memref_squeeze %dma_start3A_848 : memref<1x!tpu.dma_semaphore, #tpu.memory_space<semaphore_mem>> -> memref<!tpu.dma_semaphore, #tpu.memory_space<semaphore_mem>>
    %dma_start3A_850 = arith.constant 0 : i32
    %dma_start3A_851 = arith.constant 0 : i32
    %dma_start3A_852 = tpu.memref_slice %arg8[%rem3A_825, %dma_start3A_850, %dma_start3A_851] : memref<4x2x128xi32, #tpu.memory_space<vmem>> -> memref<1x2x128xi32, #tpu.memory_space<vmem>>
    %dma_start3A_853 = tpu.memref_squeeze %dma_start3A_852 : memref<1x2x128xi32, #tpu.memory_space<vmem>> -> memref<2x128xi32, #tpu.memory_space<vmem>>
    %dma_start3A_854 = arith.constant 0 : i32
    %dma_start3A_855 = tpu.memref_slice %arg3[%add3A_827, %dma_start3A_854] : memref<1600x128xi32, #tpu.memory_space<hbm>> -> memref<2x128xi32, #tpu.memory_space<hbm>>
    tpu.enqueue_dma source(%dma_start3A_855 : memref<2x128xi32, #tpu.memory_space<hbm>>) target(%dma_start3A_853 : memref<2x128xi32, #tpu.memory_space<vmem>>) target_semaphore(%dma_start3A_849 : memref<!tpu.dma_semaphore, #tpu.memory_space<semaphore_mem>>)
    %scan3A = arith.constant 0 : i32
    %scan3A_856 = arith.constant 1 : i32
    %scan3A_857 = arith.constant 24 : i32
    %scan3A_858 = arith.addi %scan3A_856, %scan3A_857 : i32
    %scan3A_859 = arith.constant 1 : i32
    %scan3A_860 = scf.for %scan3A_1004 = %scan3A_856 to %scan3A_858 step %scan3A_859 iter_args(%scan3A_1005 = %scan3A) -> (i32)  : i32 {
      %rem3A_1006 = arith.constant 3 : i32
      %rem3A_1007 = arith.remsi %scan3A_1004, %rem3A_1006 : i32
      %sub3A = arith.constant 1 : i32
      %sub3A_1008 = arith.subi %scan3A_1004, %sub3A : i32
      %rem3A_1009 = arith.constant 3 : i32
      %rem3A_1010 = arith.remsi %sub3A_1008, %rem3A_1009 : i32
      %rem3A_1011 = arith.constant 4 : i32
      %rem3A_1012 = arith.remsi %scan3A_1004, %rem3A_1011 : i32
      %dma_wait3A_1013 = arith.constant 0 : i32
      %dma_wait3A_1014 = arith.constant 0 : i32
      %dma_wait3A_1015 = tpu.memref_slice %arg7[%rem3A_1012, %dma_wait3A_1013, %dma_wait3A_1014] : memref<4x2x128xi32, #tpu.memory_space<vmem>> -> memref<1x2x128xi32, #tpu.memory_space<vmem>>
      %dma_wait3A_1016 = tpu.memref_squeeze %dma_wait3A_1015 : memref<1x2x128xi32, #tpu.memory_space<vmem>> -> memref<2x128xi32, #tpu.memory_space<vmem>>
      %dma_wait3A_1017 = arith.constant 0 : i32
      %dma_wait3A_1018 = arith.constant 0 : i32
      %dma_wait3A_1019 = tpu.memref_slice %arg2[%dma_wait3A_1017, %dma_wait3A_1018] : memref<1600x128xi32, #tpu.memory_space<hbm>> -> memref<2x128xi32, #tpu.memory_space<hbm>>
      %dma_wait3A_1020 = tpu.memref_slice %arg13[%rem3A_1012] : memref<4x!tpu.dma_semaphore, #tpu.memory_space<semaphore_mem>> -> memref<1x!tpu.dma_semaphore, #tpu.memory_space<semaphore_mem>>
      %dma_wait3A_1021 = tpu.memref_squeeze %dma_wait3A_1020 : memref<1x!tpu.dma_semaphore, #tpu.memory_space<semaphore_mem>> -> memref<!tpu.dma_semaphore, #tpu.memory_space<semaphore_mem>>
      %dma_wait3A_1022 = arith.constant 0 : i32
      %dma_wait3A_1023 = arith.constant 0 : i32
      %dma_wait3A_1024 = tpu.memref_slice %arg7[%rem3A_1012, %dma_wait3A_1022, %dma_wait3A_1023] : memref<4x2x128xi32, #tpu.memory_space<vmem>> -> memref<1x2x128xi32, #tpu.memory_space<vmem>>
      %dma_wait3A_1025 = tpu.memref_squeeze %dma_wait3A_1024 : memref<1x2x128xi32, #tpu.memory_space<vmem>> -> memref<2x128xi32, #tpu.memory_space<vmem>>
      %dma_wait3A_1026 = arith.constant 0 : i32
      %dma_wait3A_1027 = arith.constant 0 : i32
      %dma_wait3A_1028 = tpu.memref_slice %arg2[%dma_wait3A_1026, %dma_wait3A_1027] : memref<1600x128xi32, #tpu.memory_space<hbm>> -> memref<2x128xi32, #tpu.memory_space<hbm>>
      tpu.wait_dma2 semaphore(%dma_wait3A_1021 : memref<!tpu.dma_semaphore, #tpu.memory_space<semaphore_mem>>) src(%dma_wait3A_1028 : memref<2x128xi32, #tpu.memory_space<hbm>>) dst(%dma_wait3A_1025 : memref<2x128xi32, #tpu.memory_space<vmem>>)
      %dma_wait3A_1029 = arith.constant 0 : i32
      %dma_wait3A_1030 = arith.constant 0 : i32
      %dma_wait3A_1031 = tpu.memref_slice %arg8[%rem3A_1012, %dma_wait3A_1029, %dma_wait3A_1030] : memref<4x2x128xi32, #tpu.memory_space<vmem>> -> memref<1x2x128xi32, #tpu.memory_space<vmem>>
      %dma_wait3A_1032 = tpu.memref_squeeze %dma_wait3A_1031 : memref<1x2x128xi32, #tpu.memory_space<vmem>> -> memref<2x128xi32, #tpu.memory_space<vmem>>
      %dma_wait3A_1033 = arith.constant 0 : i32
      %dma_wait3A_1034 = arith.constant 0 : i32
      %dma_wait3A_1035 = tpu.memref_slice %arg3[%dma_wait3A_1033, %dma_wait3A_1034] : memref<1600x128xi32, #tpu.memory_space<hbm>> -> memref<2x128xi32, #tpu.memory_space<hbm>>
      %dma_wait3A_1036 = tpu.memref_slice %arg13[%rem3A_1012] : memref<4x!tpu.dma_semaphore, #tpu.memory_space<semaphore_mem>> -> memref<1x!tpu.dma_semaphore, #tpu.memory_space<semaphore_mem>>
      %dma_wait3A_1037 = tpu.memref_squeeze %dma_wait3A_1036 : memref<1x!tpu.dma_semaphore, #tpu.memory_space<semaphore_mem>> -> memref<!tpu.dma_semaphore, #tpu.memory_space<semaphore_mem>>
      %dma_wait3A_1038 = arith.constant 0 : i32
      %dma_wait3A_1039 = arith.constant 0 : i32
      %dma_wait3A_1040 = tpu.memref_slice %arg8[%rem3A_1012, %dma_wait3A_1038, %dma_wait3A_1039] : memref<4x2x128xi32, #tpu.memory_space<vmem>> -> memref<1x2x128xi32, #tpu.memory_space<vmem>>
      %dma_wait3A_1041 = tpu.memref_squeeze %dma_wait3A_1040 : memref<1x2x128xi32, #tpu.memory_space<vmem>> -> memref<2x128xi32, #tpu.memory_space<vmem>>
      %dma_wait3A_1042 = arith.constant 0 : i32
      %dma_wait3A_1043 = arith.constant 0 : i32
      %dma_wait3A_1044 = tpu.memref_slice %arg3[%dma_wait3A_1042, %dma_wait3A_1043] : memref<1600x128xi32, #tpu.memory_space<hbm>> -> memref<2x128xi32, #tpu.memory_space<hbm>>
      tpu.wait_dma2 semaphore(%dma_wait3A_1037 : memref<!tpu.dma_semaphore, #tpu.memory_space<semaphore_mem>>) src(%dma_wait3A_1044 : memref<2x128xi32, #tpu.memory_space<hbm>>) dst(%dma_wait3A_1041 : memref<2x128xi32, #tpu.memory_space<vmem>>)
      %ge3A = arith.constant 3 : i32
      %ge3A_1045 = arith.cmpi sge, %scan3A_1004, %ge3A : i32
      %convert_element_type3A_1046 = arith.extui %ge3A_1045 : i1 to i32
      %cond3A_1047 = arith.constant 0 : i32
      %cond3A_1048 = arith.cmpi ne, %convert_element_type3A_1046, %cond3A_1047 : i32
      scf.if %cond3A_1048 {
        %dma_wait3A_1863 = arith.constant 0 : i32
        %dma_wait3A_1864 = arith.constant 0 : i32
        %dma_wait3A_1865 = tpu.memref_slice %arg11[%rem3A_1007, %dma_wait3A_1863, %dma_wait3A_1864] : memref<3x256x64xf32, #tpu.memory_space<vmem>> -> memref<1x256x64xf32, #tpu.memory_space<vmem>>
        %dma_wait3A_1866 = tpu.memref_squeeze %dma_wait3A_1865 : memref<1x256x64xf32, #tpu.memory_space<vmem>> -> memref<256x64xf32, #tpu.memory_space<vmem>>
        %dma_wait3A_1867 = arith.constant 0 : i32
        %dma_wait3A_1868 = arith.constant 0 : i32
        %dma_wait3A_1869 = tpu.memref_slice %arg6[%dma_wait3A_1867, %dma_wait3A_1868] : memref<204800x64xf32, #tpu.memory_space<hbm>> -> memref<256x64xf32, #tpu.memory_space<hbm>>
        %dma_wait3A_1870 = tpu.memref_slice %arg16[%rem3A_1007] : memref<3x!tpu.dma_semaphore, #tpu.memory_space<semaphore_mem>> -> memref<1x!tpu.dma_semaphore, #tpu.memory_space<semaphore_mem>>
        %dma_wait3A_1871 = tpu.memref_squeeze %dma_wait3A_1870 : memref<1x!tpu.dma_semaphore, #tpu.memory_space<semaphore_mem>> -> memref<!tpu.dma_semaphore, #tpu.memory_space<semaphore_mem>>
        %dma_wait3A_1872 = arith.constant 0 : i32
        %dma_wait3A_1873 = arith.constant 0 : i32
        %dma_wait3A_1874 = tpu.memref_slice %arg6[%dma_wait3A_1872, %dma_wait3A_1873] : memref<204800x64xf32, #tpu.memory_space<hbm>> -> memref<256x64xf32, #tpu.memory_space<hbm>>
        %dma_wait3A_1875 = arith.constant 0 : i32
        %dma_wait3A_1876 = arith.constant 0 : i32
        %dma_wait3A_1877 = tpu.memref_slice %arg11[%rem3A_1007, %dma_wait3A_1875, %dma_wait3A_1876] : memref<3x256x64xf32, #tpu.memory_space<vmem>> -> memref<1x256x64xf32, #tpu.memory_space<vmem>>
        %dma_wait3A_1878 = tpu.memref_squeeze %dma_wait3A_1877 : memref<1x256x64xf32, #tpu.memory_space<vmem>> -> memref<256x64xf32, #tpu.memory_space<vmem>>
        tpu.wait_dma2 semaphore(%dma_wait3A_1871 : memref<!tpu.dma_semaphore, #tpu.memory_space<semaphore_mem>>) src(%dma_wait3A_1878 : memref<256x64xf32, #tpu.memory_space<vmem>>) dst(%dma_wait3A_1874 : memref<256x64xf32, #tpu.memory_space<hbm>>)
      } else {
      }
      %rem3A_1049 = arith.constant 4 : i32
      %rem3A_1050 = arith.remsi %scan3A_1004, %rem3A_1049 : i32
      %dma_start3A_1051 = arith.constant 0 : i32
      %dma_start3A_1052 = arith.constant 0 : i32
      %dma_start3A_1053 = arith.constant 0 : i32
      %dma_start3A_1054 = tpu.memref_slice %arg11[%rem3A_1007, %dma_start3A_1052, %dma_start3A_1053] : memref<3x256x64xf32, #tpu.memory_space<vmem>> -> memref<1x128x64xf32, #tpu.memory_space<vmem>>
      %dma_start3A_1055 = tpu.memref_squeeze %dma_start3A_1054 : memref<1x128x64xf32, #tpu.memory_space<vmem>> -> memref<128x64xf32, #tpu.memory_space<vmem>>
      %dma_start3A_1056 = arith.constant 0 : i32
      %dma_start3A_1057 = tpu.memref_slice %arg7[%rem3A_1050, %dma_start3A_1051, %dma_start3A_1056] : memref<4x2x128xi32, #tpu.memory_space<vmem>> -> memref<1x1x128xi32, #tpu.memory_space<vmem>>
      %dma_start3A_1058 = tpu.memref_squeeze %dma_start3A_1057 : memref<1x1x128xi32, #tpu.memory_space<vmem>> -> memref<128xi32, #tpu.memory_space<vmem>>
      %dma_start3A_1059 = arith.constant 0 : i32
      %dma_start3A_1060 = arith.constant 0 : i32
      %dma_start3A_1061 = tpu.memref_slice %arg4[%dma_start3A_1059, %dma_start3A_1060] : memref<1000000x64xf32, #tpu.memory_space<hbm>> -> memref<1000000x64xf32, #tpu.memory_space<hbm>>
      %dma_start3A_1062 = tpu.memref_slice %arg15[%rem3A_1007] : memref<3x!tpu.dma_semaphore, #tpu.memory_space<semaphore_mem>> -> memref<1x!tpu.dma_semaphore, #tpu.memory_space<semaphore_mem>>
      %dma_start3A_1063 = tpu.memref_squeeze %dma_start3A_1062 : memref<1x!tpu.dma_semaphore, #tpu.memory_space<semaphore_mem>> -> memref<!tpu.dma_semaphore, #tpu.memory_space<semaphore_mem>>
      tpu.enqueue_indirect_dma source(%dma_start3A_1061 : memref<1000000x64xf32, #tpu.memory_space<hbm>>) target(%dma_start3A_1055 : memref<128x64xf32, #tpu.memory_space<vmem>>) offsets(%dma_start3A_1058 : memref<128xi32, #tpu.memory_space<vmem>>) semaphore(%dma_start3A_1063 : memref<!tpu.dma_semaphore, #tpu.memory_space<semaphore_mem>>)
      %dma_start3A_1064 = arith.constant 1 : i32
      %dma_start3A_1065 = arith.constant 128 : i32
      %dma_start3A_1066 = arith.constant 0 : i32
      %dma_start3A_1067 = tpu.memref_slice %arg11[%rem3A_1007, %dma_start3A_1065, %dma_start3A_1066] : memref<3x256x64xf32, #tpu.memory_space<vmem>> -> memref<1x128x64xf32, #tpu.memory_space<vmem>>
      %dma_start3A_1068 = tpu.memref_squeeze %dma_start3A_1067 : memref<1x128x64xf32, #tpu.memory_space<vmem>> -> memref<128x64xf32, #tpu.memory_space<vmem>>
      %dma_start3A_1069 = arith.constant 0 : i32
      %dma_start3A_1070 = tpu.memref_slice %arg7[%rem3A_1050, %dma_start3A_1064, %dma_start3A_1069] : memref<4x2x128xi32, #tpu.memory_space<vmem>> -> memref<1x1x128xi32, #tpu.memory_space<vmem>>
      %dma_start3A_1071 = tpu.memref_squeeze %dma_start3A_1070 : memref<1x1x128xi32, #tpu.memory_space<vmem>> -> memref<128xi32, #tpu.memory_space<vmem>>
      %dma_start3A_1072 = arith.constant 0 : i32
      %dma_start3A_1073 = arith.constant 0 : i32
      %dma_start3A_1074 = tpu.memref_slice %arg4[%dma_start3A_1072, %dma_start3A_1073] : memref<1000000x64xf32, #tpu.memory_space<hbm>> -> memref<1000000x64xf32, #tpu.memory_space<hbm>>
      %dma_start3A_1075 = tpu.memref_slice %arg15[%rem3A_1007] : memref<3x!tpu.dma_semaphore, #tpu.memory_space<semaphore_mem>> -> memref<1x!tpu.dma_semaphore, #tpu.memory_space<semaphore_mem>>
      %dma_start3A_1076 = tpu.memref_squeeze %dma_start3A_1075 : memref<1x!tpu.dma_semaphore, #tpu.memory_space<semaphore_mem>> -> memref<!tpu.dma_semaphore, #tpu.memory_space<semaphore_mem>>
      tpu.enqueue_indirect_dma source(%dma_start3A_1074 : memref<1000000x64xf32, #tpu.memory_space<hbm>>) target(%dma_start3A_1068 : memref<128x64xf32, #tpu.memory_space<vmem>>) offsets(%dma_start3A_1071 : memref<128xi32, #tpu.memory_space<vmem>>) semaphore(%dma_start3A_1076 : memref<!tpu.dma_semaphore, #tpu.memory_space<semaphore_mem>>)
      %mul3A_1077 = arith.constant 2 : i32
      %mul3A_1078 = arith.muli %scan3A_1004, %mul3A_1077 : i32
      %add3A_1079 = arith.addi %mul3A_2, %mul3A_1078 : i32
      %mul3A_1080 = arith.constant 128 : i32
      %mul3A_1081 = arith.muli %add3A_1079, %mul3A_1080 : i32
      %get3A_1082 = arith.constant 0 : i32
      %get3A_1083 = arith.index_cast %rem3A_1050 : i32 to index
      %get3A_1084 = arith.index_cast %get3A_1082 : i32 to index
      %get3A_1085 = arith.constant 0 : index
      %get3A_1086 = tpu.vector_load %arg7[%get3A_1083, %get3A_1084, %get3A_1085] {strides = array<i32>} : memref<4x2x128xi32, #tpu.memory_space<vmem>>, vector<1x1x16xi32>,
      %get3A_1087 = vector.shape_cast %get3A_1086 : vector<1x1x16xi32> to vector<16xi32>
      %get3A_1088 = arith.constant 0 : i32
      %get3A_1089 = arith.index_cast %rem3A_1050 : i32 to index
      %get3A_1090 = arith.index_cast %get3A_1088 : i32 to index
      %get3A_1091 = arith.constant 0 : index
      %get3A_1092 = tpu.vector_load %arg8[%get3A_1089, %get3A_1090, %get3A_1091] {strides = array<i32>} : memref<4x2x128xi32, #tpu.memory_space<vmem>>, vector<1x1x16xi32>,
      %get3A_1093 = vector.shape_cast %get3A_1092 : vector<1x1x16xi32> to vector<16xi32>
      %add3A_1094 = arith.constant 0 : i32
      %add3A_1095 = arith.addi %mul3A_1081, %add3A_1094 : i32
      %add3A_1096 = arith.constant 0 : i32
      %add3A_1097 = arith.addi %add3A_1095, %add3A_1096 : i32
      %add3A_1098 = vector.broadcast %add3A_1097 : i32 to vector<16xi32>
      %add3A_1099 = arith.addi %add3A_1098, %iota3A : vector<16xi32>
      %rem3A_1100 = arith.constant 200 : i32
      %rem3A_1101 = vector.broadcast %rem3A_1100 : i32 to vector<16xi32>
      %rem3A_1102 = arith.remsi %add3A_1099, %rem3A_1101 : vector<16xi32>
      %mul3A_1103 = arith.constant 200 : i32
      %mul3A_1104 = vector.broadcast %mul3A_1103 : i32 to vector<16xi32>
      %mul3A_1105 = arith.muli %get3A_1093, %mul3A_1104 : vector<16xi32>
      %add3A_1106 = arith.addi %mul3A_1105, %rem3A_1102 : vector<16xi32>
      %eq3A_1107 = arith.constant 0 : i32
      %eq3A_1108 = vector.broadcast %eq3A_1107 : i32 to vector<16xi32>
      %eq3A_1109 = arith.cmpi eq, %get3A_1087, %eq3A_1108 : vector<16xi32>
      %jit3A_1110 = arith.constant 600 : i32
      %jit3A_1111 = arith.constant 0 : i32
      %broadcast_in_dim3A_1112 = vector.broadcast %jit3A_1110 : i32 to vector<16xi32>
      %broadcast_in_dim3A_1113 = vector.broadcast %jit3A_1111 : i32 to vector<16xi32>
      %select_n3A_1114 = arith.select %eq3A_1109, %broadcast_in_dim3A_1112, %broadcast_in_dim3A_1113 : vector<16xi1>, vector<16xi32>
      %add3A_1115 = arith.addi %add3A_1106, %select_n3A_1114 : vector<16xi32>
      %swap3A_1116 = arith.constant 0 : i32
      %swap3A_1117 = arith.index_cast %rem3A_1050 : i32 to index
      %swap3A_1118 = arith.index_cast %swap3A_1116 : i32 to index
      %swap3A_1119 = arith.constant 0 : index
      %swap3A_1120 = tpu.vector_load %arg9[%swap3A_1117, %swap3A_1118, %swap3A_1119] {strides = array<i32>} : memref<4x2x128xi32, #tpu.memory_space<vmem>>, vector<1x1x16xi32>,
      %swap3A_1121 = vector.shape_cast %swap3A_1120 : vector<1x1x16xi32> to vector<16xi32>
      %swap3A_1122 = vector.shape_cast %add3A_1115 : vector<16xi32> to vector<1x1x16xi32>
      tpu.vector_store %arg9[%swap3A_1117, %swap3A_1118, %swap3A_1119], %swap3A_1122 {strides = array<i32>} : memref<4x2x128xi32, #tpu.memory_space<vmem>>, vector<1x1x16xi32>,
      %get3A_1123 = arith.constant 0 : i32
      %get3A_1124 = arith.index_cast %rem3A_1050 : i32 to index
      %get3A_1125 = arith.index_cast %get3A_1123 : i32 to index
      %get3A_1126 = arith.constant 16 : index
      %get3A_1127 = tpu.vector_load %arg7[%get3A_1124, %get3A_1125, %get3A_1126] {strides = array<i32>} : memref<4x2x128xi32, #tpu.memory_space<vmem>>, vector<1x1x16xi32>,
      %get3A_1128 = vector.shape_cast %get3A_1127 : vector<1x1x16xi32> to vector<16xi32>
      %get3A_1129 = arith.constant 0 : i32
      %get3A_1130 = arith.index_cast %rem3A_1050 : i32 to index
      %get3A_1131 = arith.index_cast %get3A_1129 : i32 to index
      %get3A_1132 = arith.constant 16 : index
      %get3A_1133 = tpu.vector_load %arg8[%get3A_1130, %get3A_1131, %get3A_1132] {strides = array<i32>} : memref<4x2x128xi32, #tpu.memory_space<vmem>>, vector<1x1x16xi32>,
      %get3A_1134 = vector.shape_cast %get3A_1133 : vector<1x1x16xi32> to vector<16xi32>
      %add3A_1135 = arith.constant 0 : i32
      %add3A_1136 = arith.addi %mul3A_1081, %add3A_1135 : i32
      %add3A_1137 = arith.constant 16 : i32
      %add3A_1138 = arith.addi %add3A_1136, %add3A_1137 : i32
      %add3A_1139 = vector.broadcast %add3A_1138 : i32 to vector<16xi32>
      %add3A_1140 = arith.addi %add3A_1139, %iota3A : vector<16xi32>
      %rem3A_1141 = arith.constant 200 : i32
      %rem3A_1142 = vector.broadcast %rem3A_1141 : i32 to vector<16xi32>
      %rem3A_1143 = arith.remsi %add3A_1140, %rem3A_1142 : vector<16xi32>
      %mul3A_1144 = arith.constant 200 : i32
      %mul3A_1145 = vector.broadcast %mul3A_1144 : i32 to vector<16xi32>
      %mul3A_1146 = arith.muli %get3A_1134, %mul3A_1145 : vector<16xi32>
      %add3A_1147 = arith.addi %mul3A_1146, %rem3A_1143 : vector<16xi32>
      %eq3A_1148 = arith.constant 0 : i32
      %eq3A_1149 = vector.broadcast %eq3A_1148 : i32 to vector<16xi32>
      %eq3A_1150 = arith.cmpi eq, %get3A_1128, %eq3A_1149 : vector<16xi32>
      %jit3A_1151 = arith.constant 600 : i32
      %jit3A_1152 = arith.constant 0 : i32
      %broadcast_in_dim3A_1153 = vector.broadcast %jit3A_1151 : i32 to vector<16xi32>
      %broadcast_in_dim3A_1154 = vector.broadcast %jit3A_1152 : i32 to vector<16xi32>
      %select_n3A_1155 = arith.select %eq3A_1150, %broadcast_in_dim3A_1153, %broadcast_in_dim3A_1154 : vector<16xi1>, vector<16xi32>
      %add3A_1156 = arith.addi %add3A_1147, %select_n3A_1155 : vector<16xi32>
      %swap3A_1157 = arith.constant 0 : i32
      %swap3A_1158 = arith.index_cast %rem3A_1050 : i32 to index
      %swap3A_1159 = arith.index_cast %swap3A_1157 : i32 to index
      %swap3A_1160 = arith.constant 16 : index
      %swap3A_1161 = tpu.vector_load %arg9[%swap3A_1158, %swap3A_1159, %swap3A_1160] {strides = array<i32>} : memref<4x2x128xi32, #tpu.memory_space<vmem>>, vector<1x1x16xi32>,
      %swap3A_1162 = vector.shape_cast %swap3A_1161 : vector<1x1x16xi32> to vector<16xi32>
      %swap3A_1163 = vector.shape_cast %add3A_1156 : vector<16xi32> to vector<1x1x16xi32>
      tpu.vector_store %arg9[%swap3A_1158, %swap3A_1159, %swap3A_1160], %swap3A_1163 {strides = array<i32>} : memref<4x2x128xi32, #tpu.memory_space<vmem>>, vector<1x1x16xi32>,
      %get3A_1164 = arith.constant 0 : i32
      %get3A_1165 = arith.index_cast %rem3A_1050 : i32 to index
      %get3A_1166 = arith.index_cast %get3A_1164 : i32 to index
      %get3A_1167 = arith.constant 32 : index
      %get3A_1168 = tpu.vector_load %arg7[%get3A_1165, %get3A_1166, %get3A_1167] {strides = array<i32>} : memref<4x2x128xi32, #tpu.memory_space<vmem>>, vector<1x1x16xi32>,
      %get3A_1169 = vector.shape_cast %get3A_1168 : vector<1x1x16xi32> to vector<16xi32>
      %get3A_1170 = arith.constant 0 : i32
      %get3A_1171 = arith.index_cast %rem3A_1050 : i32 to index
      %get3A_1172 = arith.index_cast %get3A_1170 : i32 to index
      %get3A_1173 = arith.constant 32 : index
      %get3A_1174 = tpu.vector_load %arg8[%get3A_1171, %get3A_1172, %get3A_1173] {strides = array<i32>} : memref<4x2x128xi32, #tpu.memory_space<vmem>>, vector<1x1x16xi32>,
      %get3A_1175 = vector.shape_cast %get3A_1174 : vector<1x1x16xi32> to vector<16xi32>
      %add3A_1176 = arith.constant 0 : i32
      %add3A_1177 = arith.addi %mul3A_1081, %add3A_1176 : i32
      %add3A_1178 = arith.constant 32 : i32
      %add3A_1179 = arith.addi %add3A_1177, %add3A_1178 : i32
      %add3A_1180 = vector.broadcast %add3A_1179 : i32 to vector<16xi32>
      %add3A_1181 = arith.addi %add3A_1180, %iota3A : vector<16xi32>
      %rem3A_1182 = arith.constant 200 : i32
      %rem3A_1183 = vector.broadcast %rem3A_1182 : i32 to vector<16xi32>
      %rem3A_1184 = arith.remsi %add3A_1181, %rem3A_1183 : vector<16xi32>
      %mul3A_1185 = arith.constant 200 : i32
      %mul3A_1186 = vector.broadcast %mul3A_1185 : i32 to vector<16xi32>
      %mul3A_1187 = arith.muli %get3A_1175, %mul3A_1186 : vector<16xi32>
      %add3A_1188 = arith.addi %mul3A_1187, %rem3A_1184 : vector<16xi32>
      %eq3A_1189 = arith.constant 0 : i32
      %eq3A_1190 = vector.broadcast %eq3A_1189 : i32 to vector<16xi32>
      %eq3A_1191 = arith.cmpi eq, %get3A_1169, %eq3A_1190 : vector<16xi32>
      %jit3A_1192 = arith.constant 600 : i32
      %jit3A_1193 = arith.constant 0 : i32
      %broadcast_in_dim3A_1194 = vector.broadcast %jit3A_1192 : i32 to vector<16xi32>
      %broadcast_in_dim3A_1195 = vector.broadcast %jit3A_1193 : i32 to vector<16xi32>
      %select_n3A_1196 = arith.select %eq3A_1191, %broadcast_in_dim3A_1194, %broadcast_in_dim3A_1195 : vector<16xi1>, vector<16xi32>
      %add3A_1197 = arith.addi %add3A_1188, %select_n3A_1196 : vector<16xi32>
      %swap3A_1198 = arith.constant 0 : i32
      %swap3A_1199 = arith.index_cast %rem3A_1050 : i32 to index
      %swap3A_1200 = arith.index_cast %swap3A_1198 : i32 to index
      %swap3A_1201 = arith.constant 32 : index
      %swap3A_1202 = tpu.vector_load %arg9[%swap3A_1199, %swap3A_1200, %swap3A_1201] {strides = array<i32>} : memref<4x2x128xi32, #tpu.memory_space<vmem>>, vector<1x1x16xi32>,
      %swap3A_1203 = vector.shape_cast %swap3A_1202 : vector<1x1x16xi32> to vector<16xi32>
      %swap3A_1204 = vector.shape_cast %add3A_1197 : vector<16xi32> to vector<1x1x16xi32>
      tpu.vector_store %arg9[%swap3A_1199, %swap3A_1200, %swap3A_1201], %swap3A_1204 {strides = array<i32>} : memref<4x2x128xi32, #tpu.memory_space<vmem>>, vector<1x1x16xi32>,
      %get3A_1205 = arith.constant 0 : i32
      %get3A_1206 = arith.index_cast %rem3A_1050 : i32 to index
      %get3A_1207 = arith.index_cast %get3A_1205 : i32 to index
      %get3A_1208 = arith.constant 48 : index
      %get3A_1209 = tpu.vector_load %arg7[%get3A_1206, %get3A_1207, %get3A_1208] {strides = array<i32>} : memref<4x2x128xi32, #tpu.memory_space<vmem>>, vector<1x1x16xi32>,
      %get3A_1210 = vector.shape_cast %get3A_1209 : vector<1x1x16xi32> to vector<16xi32>
      %get3A_1211 = arith.constant 0 : i32
      %get3A_1212 = arith.index_cast %rem3A_1050 : i32 to index
      %get3A_1213 = arith.index_cast %get3A_1211 : i32 to index
      %get3A_1214 = arith.constant 48 : index
      %get3A_1215 = tpu.vector_load %arg8[%get3A_1212, %get3A_1213, %get3A_1214] {strides = array<i32>} : memref<4x2x128xi32, #tpu.memory_space<vmem>>, vector<1x1x16xi32>,
      %get3A_1216 = vector.shape_cast %get3A_1215 : vector<1x1x16xi32> to vector<16xi32>
      %add3A_1217 = arith.constant 0 : i32
      %add3A_1218 = arith.addi %mul3A_1081, %add3A_1217 : i32
      %add3A_1219 = arith.constant 48 : i32
      %add3A_1220 = arith.addi %add3A_1218, %add3A_1219 : i32
      %add3A_1221 = vector.broadcast %add3A_1220 : i32 to vector<16xi32>
      %add3A_1222 = arith.addi %add3A_1221, %iota3A : vector<16xi32>
      %rem3A_1223 = arith.constant 200 : i32
      %rem3A_1224 = vector.broadcast %rem3A_1223 : i32 to vector<16xi32>
      %rem3A_1225 = arith.remsi %add3A_1222, %rem3A_1224 : vector<16xi32>
      %mul3A_1226 = arith.constant 200 : i32
      %mul3A_1227 = vector.broadcast %mul3A_1226 : i32 to vector<16xi32>
      %mul3A_1228 = arith.muli %get3A_1216, %mul3A_1227 : vector<16xi32>
      %add3A_1229 = arith.addi %mul3A_1228, %rem3A_1225 : vector<16xi32>
      %eq3A_1230 = arith.constant 0 : i32
      %eq3A_1231 = vector.broadcast %eq3A_1230 : i32 to vector<16xi32>
      %eq3A_1232 = arith.cmpi eq, %get3A_1210, %eq3A_1231 : vector<16xi32>
      %jit3A_1233 = arith.constant 600 : i32
      %jit3A_1234 = arith.constant 0 : i32
      %broadcast_in_dim3A_1235 = vector.broadcast %jit3A_1233 : i32 to vector<16xi32>
      %broadcast_in_dim3A_1236 = vector.broadcast %jit3A_1234 : i32 to vector<16xi32>
      %select_n3A_1237 = arith.select %eq3A_1232, %broadcast_in_dim3A_1235, %broadcast_in_dim3A_1236 : vector<16xi1>, vector<16xi32>
      %add3A_1238 = arith.addi %add3A_1229, %select_n3A_1237 : vector<16xi32>
      %swap3A_1239 = arith.constant 0 : i32
      %swap3A_1240 = arith.index_cast %rem3A_1050 : i32 to index
      %swap3A_1241 = arith.index_cast %swap3A_1239 : i32 to index
      %swap3A_1242 = arith.constant 48 : index
      %swap3A_1243 = tpu.vector_load %arg9[%swap3A_1240, %swap3A_1241, %swap3A_1242] {strides = array<i32>} : memref<4x2x128xi32, #tpu.memory_space<vmem>>, vector<1x1x16xi32>,
      %swap3A_1244 = vector.shape_cast %swap3A_1243 : vector<1x1x16xi32> to vector<16xi32>
      %swap3A_1245 = vector.shape_cast %add3A_1238 : vector<16xi32> to vector<1x1x16xi32>
      tpu.vector_store %arg9[%swap3A_1240, %swap3A_1241, %swap3A_1242], %swap3A_1245 {strides = array<i32>} : memref<4x2x128xi32, #tpu.memory_space<vmem>>, vector<1x1x16xi32>,
      %get3A_1246 = arith.constant 0 : i32
      %get3A_1247 = arith.index_cast %rem3A_1050 : i32 to index
      %get3A_1248 = arith.index_cast %get3A_1246 : i32 to index
      %get3A_1249 = arith.constant 64 : index
      %get3A_1250 = tpu.vector_load %arg7[%get3A_1247, %get3A_1248, %get3A_1249] {strides = array<i32>} : memref<4x2x128xi32, #tpu.memory_space<vmem>>, vector<1x1x16xi32>,
      %get3A_1251 = vector.shape_cast %get3A_1250 : vector<1x1x16xi32> to vector<16xi32>
      %get3A_1252 = arith.constant 0 : i32
      %get3A_1253 = arith.index_cast %rem3A_1050 : i32 to index
      %get3A_1254 = arith.index_cast %get3A_1252 : i32 to index
      %get3A_1255 = arith.constant 64 : index
      %get3A_1256 = tpu.vector_load %arg8[%get3A_1253, %get3A_1254, %get3A_1255] {strides = array<i32>} : memref<4x2x128xi32, #tpu.memory_space<vmem>>, vector<1x1x16xi32>,
      %get3A_1257 = vector.shape_cast %get3A_1256 : vector<1x1x16xi32> to vector<16xi32>
      %add3A_1258 = arith.constant 0 : i32
      %add3A_1259 = arith.addi %mul3A_1081, %add3A_1258 : i32
      %add3A_1260 = arith.constant 64 : i32
      %add3A_1261 = arith.addi %add3A_1259, %add3A_1260 : i32
      %add3A_1262 = vector.broadcast %add3A_1261 : i32 to vector<16xi32>
      %add3A_1263 = arith.addi %add3A_1262, %iota3A : vector<16xi32>
      %rem3A_1264 = arith.constant 200 : i32
      %rem3A_1265 = vector.broadcast %rem3A_1264 : i32 to vector<16xi32>
      %rem3A_1266 = arith.remsi %add3A_1263, %rem3A_1265 : vector<16xi32>
      %mul3A_1267 = arith.constant 200 : i32
      %mul3A_1268 = vector.broadcast %mul3A_1267 : i32 to vector<16xi32>
      %mul3A_1269 = arith.muli %get3A_1257, %mul3A_1268 : vector<16xi32>
      %add3A_1270 = arith.addi %mul3A_1269, %rem3A_1266 : vector<16xi32>
      %eq3A_1271 = arith.constant 0 : i32
      %eq3A_1272 = vector.broadcast %eq3A_1271 : i32 to vector<16xi32>
      %eq3A_1273 = arith.cmpi eq, %get3A_1251, %eq3A_1272 : vector<16xi32>
      %jit3A_1274 = arith.constant 600 : i32
      %jit3A_1275 = arith.constant 0 : i32
      %broadcast_in_dim3A_1276 = vector.broadcast %jit3A_1274 : i32 to vector<16xi32>
      %broadcast_in_dim3A_1277 = vector.broadcast %jit3A_1275 : i32 to vector<16xi32>
      %select_n3A_1278 = arith.select %eq3A_1273, %broadcast_in_dim3A_1276, %broadcast_in_dim3A_1277 : vector<16xi1>, vector<16xi32>
      %add3A_1279 = arith.addi %add3A_1270, %select_n3A_1278 : vector<16xi32>
      %swap3A_1280 = arith.constant 0 : i32
      %swap3A_1281 = arith.index_cast %rem3A_1050 : i32 to index
      %swap3A_1282 = arith.index_cast %swap3A_1280 : i32 to index
      %swap3A_1283 = arith.constant 64 : index
      %swap3A_1284 = tpu.vector_load %arg9[%swap3A_1281, %swap3A_1282, %swap3A_1283] {strides = array<i32>} : memref<4x2x128xi32, #tpu.memory_space<vmem>>, vector<1x1x16xi32>,
      %swap3A_1285 = vector.shape_cast %swap3A_1284 : vector<1x1x16xi32> to vector<16xi32>
      %swap3A_1286 = vector.shape_cast %add3A_1279 : vector<16xi32> to vector<1x1x16xi32>
      tpu.vector_store %arg9[%swap3A_1281, %swap3A_1282, %swap3A_1283], %swap3A_1286 {strides = array<i32>} : memref<4x2x128xi32, #tpu.memory_space<vmem>>, vector<1x1x16xi32>,
      %get3A_1287 = arith.constant 0 : i32
      %get3A_1288 = arith.index_cast %rem3A_1050 : i32 to index
      %get3A_1289 = arith.index_cast %get3A_1287 : i32 to index
      %get3A_1290 = arith.constant 80 : index
      %get3A_1291 = tpu.vector_load %arg7[%get3A_1288, %get3A_1289, %get3A_1290] {strides = array<i32>} : memref<4x2x128xi32, #tpu.memory_space<vmem>>, vector<1x1x16xi32>,
      %get3A_1292 = vector.shape_cast %get3A_1291 : vector<1x1x16xi32> to vector<16xi32>
      %get3A_1293 = arith.constant 0 : i32
      %get3A_1294 = arith.index_cast %rem3A_1050 : i32 to index
      %get3A_1295 = arith.index_cast %get3A_1293 : i32 to index
      %get3A_1296 = arith.constant 80 : index
      %get3A_1297 = tpu.vector_load %arg8[%get3A_1294, %get3A_1295, %get3A_1296] {strides = array<i32>} : memref<4x2x128xi32, #tpu.memory_space<vmem>>, vector<1x1x16xi32>,
      %get3A_1298 = vector.shape_cast %get3A_1297 : vector<1x1x16xi32> to vector<16xi32>
      %add3A_1299 = arith.constant 0 : i32
      %add3A_1300 = arith.addi %mul3A_1081, %add3A_1299 : i32
      %add3A_1301 = arith.constant 80 : i32
      %add3A_1302 = arith.addi %add3A_1300, %add3A_1301 : i32
      %add3A_1303 = vector.broadcast %add3A_1302 : i32 to vector<16xi32>
      %add3A_1304 = arith.addi %add3A_1303, %iota3A : vector<16xi32>
      %rem3A_1305 = arith.constant 200 : i32
      %rem3A_1306 = vector.broadcast %rem3A_1305 : i32 to vector<16xi32>
      %rem3A_1307 = arith.remsi %add3A_1304, %rem3A_1306 : vector<16xi32>
      %mul3A_1308 = arith.constant 200 : i32
      %mul3A_1309 = vector.broadcast %mul3A_1308 : i32 to vector<16xi32>
      %mul3A_1310 = arith.muli %get3A_1298, %mul3A_1309 : vector<16xi32>
      %add3A_1311 = arith.addi %mul3A_1310, %rem3A_1307 : vector<16xi32>
      %eq3A_1312 = arith.constant 0 : i32
      %eq3A_1313 = vector.broadcast %eq3A_1312 : i32 to vector<16xi32>
      %eq3A_1314 = arith.cmpi eq, %get3A_1292, %eq3A_1313 : vector<16xi32>
      %jit3A_1315 = arith.constant 600 : i32
      %jit3A_1316 = arith.constant 0 : i32
      %broadcast_in_dim3A_1317 = vector.broadcast %jit3A_1315 : i32 to vector<16xi32>
      %broadcast_in_dim3A_1318 = vector.broadcast %jit3A_1316 : i32 to vector<16xi32>
      %select_n3A_1319 = arith.select %eq3A_1314, %broadcast_in_dim3A_1317, %broadcast_in_dim3A_1318 : vector<16xi1>, vector<16xi32>
      %add3A_1320 = arith.addi %add3A_1311, %select_n3A_1319 : vector<16xi32>
      %swap3A_1321 = arith.constant 0 : i32
      %swap3A_1322 = arith.index_cast %rem3A_1050 : i32 to index
      %swap3A_1323 = arith.index_cast %swap3A_1321 : i32 to index
      %swap3A_1324 = arith.constant 80 : index
      %swap3A_1325 = tpu.vector_load %arg9[%swap3A_1322, %swap3A_1323, %swap3A_1324] {strides = array<i32>} : memref<4x2x128xi32, #tpu.memory_space<vmem>>, vector<1x1x16xi32>,
      %swap3A_1326 = vector.shape_cast %swap3A_1325 : vector<1x1x16xi32> to vector<16xi32>
      %swap3A_1327 = vector.shape_cast %add3A_1320 : vector<16xi32> to vector<1x1x16xi32>
      tpu.vector_store %arg9[%swap3A_1322, %swap3A_1323, %swap3A_1324], %swap3A_1327 {strides = array<i32>} : memref<4x2x128xi32, #tpu.memory_space<vmem>>, vector<1x1x16xi32>,
      %get3A_1328 = arith.constant 0 : i32
      %get3A_1329 = arith.index_cast %rem3A_1050 : i32 to index
      %get3A_1330 = arith.index_cast %get3A_1328 : i32 to index
      %get3A_1331 = arith.constant 96 : index
      %get3A_1332 = tpu.vector_load %arg7[%get3A_1329, %get3A_1330, %get3A_1331] {strides = array<i32>} : memref<4x2x128xi32, #tpu.memory_space<vmem>>, vector<1x1x16xi32>,
      %get3A_1333 = vector.shape_cast %get3A_1332 : vector<1x1x16xi32> to vector<16xi32>
      %get3A_1334 = arith.constant 0 : i32
      %get3A_1335 = arith.index_cast %rem3A_1050 : i32 to index
      %get3A_1336 = arith.index_cast %get3A_1334 : i32 to index
      %get3A_1337 = arith.constant 96 : index
      %get3A_1338 = tpu.vector_load %arg8[%get3A_1335, %get3A_1336, %get3A_1337] {strides = array<i32>} : memref<4x2x128xi32, #tpu.memory_space<vmem>>, vector<1x1x16xi32>,
      %get3A_1339 = vector.shape_cast %get3A_1338 : vector<1x1x16xi32> to vector<16xi32>
      %add3A_1340 = arith.constant 0 : i32
      %add3A_1341 = arith.addi %mul3A_1081, %add3A_1340 : i32
      %add3A_1342 = arith.constant 96 : i32
      %add3A_1343 = arith.addi %add3A_1341, %add3A_1342 : i32
      %add3A_1344 = vector.broadcast %add3A_1343 : i32 to vector<16xi32>
      %add3A_1345 = arith.addi %add3A_1344, %iota3A : vector<16xi32>
      %rem3A_1346 = arith.constant 200 : i32
      %rem3A_1347 = vector.broadcast %rem3A_1346 : i32 to vector<16xi32>
      %rem3A_1348 = arith.remsi %add3A_1345, %rem3A_1347 : vector<16xi32>
      %mul3A_1349 = arith.constant 200 : i32
      %mul3A_1350 = vector.broadcast %mul3A_1349 : i32 to vector<16xi32>
      %mul3A_1351 = arith.muli %get3A_1339, %mul3A_1350 : vector<16xi32>
      %add3A_1352 = arith.addi %mul3A_1351, %rem3A_1348 : vector<16xi32>
      %eq3A_1353 = arith.constant 0 : i32
      %eq3A_1354 = vector.broadcast %eq3A_1353 : i32 to vector<16xi32>
      %eq3A_1355 = arith.cmpi eq, %get3A_1333, %eq3A_1354 : vector<16xi32>
      %jit3A_1356 = arith.constant 600 : i32
      %jit3A_1357 = arith.constant 0 : i32
      %broadcast_in_dim3A_1358 = vector.broadcast %jit3A_1356 : i32 to vector<16xi32>
      %broadcast_in_dim3A_1359 = vector.broadcast %jit3A_1357 : i32 to vector<16xi32>
      %select_n3A_1360 = arith.select %eq3A_1355, %broadcast_in_dim3A_1358, %broadcast_in_dim3A_1359 : vector<16xi1>, vector<16xi32>
      %add3A_1361 = arith.addi %add3A_1352, %select_n3A_1360 : vector<16xi32>
      %swap3A_1362 = arith.constant 0 : i32
      %swap3A_1363 = arith.index_cast %rem3A_1050 : i32 to index
      %swap3A_1364 = arith.index_cast %swap3A_1362 : i32 to index
      %swap3A_1365 = arith.constant 96 : index
      %swap3A_1366 = tpu.vector_load %arg9[%swap3A_1363, %swap3A_1364, %swap3A_1365] {strides = array<i32>} : memref<4x2x128xi32, #tpu.memory_space<vmem>>, vector<1x1x16xi32>,
      %swap3A_1367 = vector.shape_cast %swap3A_1366 : vector<1x1x16xi32> to vector<16xi32>
      %swap3A_1368 = vector.shape_cast %add3A_1361 : vector<16xi32> to vector<1x1x16xi32>
      tpu.vector_store %arg9[%swap3A_1363, %swap3A_1364, %swap3A_1365], %swap3A_1368 {strides = array<i32>} : memref<4x2x128xi32, #tpu.memory_space<vmem>>, vector<1x1x16xi32>,
      %get3A_1369 = arith.constant 0 : i32
      %get3A_1370 = arith.index_cast %rem3A_1050 : i32 to index
      %get3A_1371 = arith.index_cast %get3A_1369 : i32 to index
      %get3A_1372 = arith.constant 112 : index
      %get3A_1373 = tpu.vector_load %arg7[%get3A_1370, %get3A_1371, %get3A_1372] {strides = array<i32>} : memref<4x2x128xi32, #tpu.memory_space<vmem>>, vector<1x1x16xi32>,
      %get3A_1374 = vector.shape_cast %get3A_1373 : vector<1x1x16xi32> to vector<16xi32>
      %get3A_1375 = arith.constant 0 : i32
      %get3A_1376 = arith.index_cast %rem3A_1050 : i32 to index
      %get3A_1377 = arith.index_cast %get3A_1375 : i32 to index
      %get3A_1378 = arith.constant 112 : index
      %get3A_1379 = tpu.vector_load %arg8[%get3A_1376, %get3A_1377, %get3A_1378] {strides = array<i32>} : memref<4x2x128xi32, #tpu.memory_space<vmem>>, vector<1x1x16xi32>,
      %get3A_1380 = vector.shape_cast %get3A_1379 : vector<1x1x16xi32> to vector<16xi32>
      %add3A_1381 = arith.constant 0 : i32
      %add3A_1382 = arith.addi %mul3A_1081, %add3A_1381 : i32
      %add3A_1383 = arith.constant 112 : i32
      %add3A_1384 = arith.addi %add3A_1382, %add3A_1383 : i32
      %add3A_1385 = vector.broadcast %add3A_1384 : i32 to vector<16xi32>
      %add3A_1386 = arith.addi %add3A_1385, %iota3A : vector<16xi32>
      %rem3A_1387 = arith.constant 200 : i32
      %rem3A_1388 = vector.broadcast %rem3A_1387 : i32 to vector<16xi32>
      %rem3A_1389 = arith.remsi %add3A_1386, %rem3A_1388 : vector<16xi32>
      %mul3A_1390 = arith.constant 200 : i32
      %mul3A_1391 = vector.broadcast %mul3A_1390 : i32 to vector<16xi32>
      %mul3A_1392 = arith.muli %get3A_1380, %mul3A_1391 : vector<16xi32>
      %add3A_1393 = arith.addi %mul3A_1392, %rem3A_1389 : vector<16xi32>
      %eq3A_1394 = arith.constant 0 : i32
      %eq3A_1395 = vector.broadcast %eq3A_1394 : i32 to vector<16xi32>
      %eq3A_1396 = arith.cmpi eq, %get3A_1374, %eq3A_1395 : vector<16xi32>
      %jit3A_1397 = arith.constant 600 : i32
      %jit3A_1398 = arith.constant 0 : i32
      %broadcast_in_dim3A_1399 = vector.broadcast %jit3A_1397 : i32 to vector<16xi32>
      %broadcast_in_dim3A_1400 = vector.broadcast %jit3A_1398 : i32 to vector<16xi32>
      %select_n3A_1401 = arith.select %eq3A_1396, %broadcast_in_dim3A_1399, %broadcast_in_dim3A_1400 : vector<16xi1>, vector<16xi32>
      %add3A_1402 = arith.addi %add3A_1393, %select_n3A_1401 : vector<16xi32>
      %swap3A_1403 = arith.constant 0 : i32
      %swap3A_1404 = arith.index_cast %rem3A_1050 : i32 to index
      %swap3A_1405 = arith.index_cast %swap3A_1403 : i32 to index
      %swap3A_1406 = arith.constant 112 : index
      %swap3A_1407 = tpu.vector_load %arg9[%swap3A_1404, %swap3A_1405, %swap3A_1406] {strides = array<i32>} : memref<4x2x128xi32, #tpu.memory_space<vmem>>, vector<1x1x16xi32>,
      %swap3A_1408 = vector.shape_cast %swap3A_1407 : vector<1x1x16xi32> to vector<16xi32>
      %swap3A_1409 = vector.shape_cast %add3A_1402 : vector<16xi32> to vector<1x1x16xi32>
      tpu.vector_store %arg9[%swap3A_1404, %swap3A_1405, %swap3A_1406], %swap3A_1409 {strides = array<i32>} : memref<4x2x128xi32, #tpu.memory_space<vmem>>, vector<1x1x16xi32>,
      %get3A_1410 = arith.constant 1 : i32
      %get3A_1411 = arith.index_cast %rem3A_1050 : i32 to index
      %get3A_1412 = arith.index_cast %get3A_1410 : i32 to index
      %get3A_1413 = arith.constant 0 : index
      %get3A_1414 = tpu.vector_load %arg7[%get3A_1411, %get3A_1412, %get3A_1413] {strides = array<i32>} : memref<4x2x128xi32, #tpu.memory_space<vmem>>, vector<1x1x16xi32>,
      %get3A_1415 = vector.shape_cast %get3A_1414 : vector<1x1x16xi32> to vector<16xi32>
      %get3A_1416 = arith.constant 1 : i32
      %get3A_1417 = arith.index_cast %rem3A_1050 : i32 to index
      %get3A_1418 = arith.index_cast %get3A_1416 : i32 to index
      %get3A_1419 = arith.constant 0 : index
      %get3A_1420 = tpu.vector_load %arg8[%get3A_1417, %get3A_1418, %get3A_1419] {strides = array<i32>} : memref<4x2x128xi32, #tpu.memory_space<vmem>>, vector<1x1x16xi32>,
      %get3A_1421 = vector.shape_cast %get3A_1420 : vector<1x1x16xi32> to vector<16xi32>
      %add3A_1422 = arith.constant 128 : i32
      %add3A_1423 = arith.addi %mul3A_1081, %add3A_1422 : i32
      %add3A_1424 = arith.constant 0 : i32
      %add3A_1425 = arith.addi %add3A_1423, %add3A_1424 : i32
      %add3A_1426 = vector.broadcast %add3A_1425 : i32 to vector<16xi32>
      %add3A_1427 = arith.addi %add3A_1426, %iota3A : vector<16xi32>
      %rem3A_1428 = arith.constant 200 : i32
      %rem3A_1429 = vector.broadcast %rem3A_1428 : i32 to vector<16xi32>
      %rem3A_1430 = arith.remsi %add3A_1427, %rem3A_1429 : vector<16xi32>
      %mul3A_1431 = arith.constant 200 : i32
      %mul3A_1432 = vector.broadcast %mul3A_1431 : i32 to vector<16xi32>
      %mul3A_1433 = arith.muli %get3A_1421, %mul3A_1432 : vector<16xi32>
      %add3A_1434 = arith.addi %mul3A_1433, %rem3A_1430 : vector<16xi32>
      %eq3A_1435 = arith.constant 0 : i32
      %eq3A_1436 = vector.broadcast %eq3A_1435 : i32 to vector<16xi32>
      %eq3A_1437 = arith.cmpi eq, %get3A_1415, %eq3A_1436 : vector<16xi32>
      %jit3A_1438 = arith.constant 600 : i32
      %jit3A_1439 = arith.constant 0 : i32
      %broadcast_in_dim3A_1440 = vector.broadcast %jit3A_1438 : i32 to vector<16xi32>
      %broadcast_in_dim3A_1441 = vector.broadcast %jit3A_1439 : i32 to vector<16xi32>
      %select_n3A_1442 = arith.select %eq3A_1437, %broadcast_in_dim3A_1440, %broadcast_in_dim3A_1441 : vector<16xi1>, vector<16xi32>
      %add3A_1443 = arith.addi %add3A_1434, %select_n3A_1442 : vector<16xi32>
      %swap3A_1444 = arith.constant 1 : i32
      %swap3A_1445 = arith.index_cast %rem3A_1050 : i32 to index
      %swap3A_1446 = arith.index_cast %swap3A_1444 : i32 to index
      %swap3A_1447 = arith.constant 0 : index
      %swap3A_1448 = tpu.vector_load %arg9[%swap3A_1445, %swap3A_1446, %swap3A_1447] {strides = array<i32>} : memref<4x2x128xi32, #tpu.memory_space<vmem>>, vector<1x1x16xi32>,
      %swap3A_1449 = vector.shape_cast %swap3A_1448 : vector<1x1x16xi32> to vector<16xi32>
      %swap3A_1450 = vector.shape_cast %add3A_1443 : vector<16xi32> to vector<1x1x16xi32>
      tpu.vector_store %arg9[%swap3A_1445, %swap3A_1446, %swap3A_1447], %swap3A_1450 {strides = array<i32>} : memref<4x2x128xi32, #tpu.memory_space<vmem>>, vector<1x1x16xi32>,
      %get3A_1451 = arith.constant 1 : i32
      %get3A_1452 = arith.index_cast %rem3A_1050 : i32 to index
      %get3A_1453 = arith.index_cast %get3A_1451 : i32 to index
      %get3A_1454 = arith.constant 16 : index
      %get3A_1455 = tpu.vector_load %arg7[%get3A_1452, %get3A_1453, %get3A_1454] {strides = array<i32>} : memref<4x2x128xi32, #tpu.memory_space<vmem>>, vector<1x1x16xi32>,
      %get3A_1456 = vector.shape_cast %get3A_1455 : vector<1x1x16xi32> to vector<16xi32>
      %get3A_1457 = arith.constant 1 : i32
      %get3A_1458 = arith.index_cast %rem3A_1050 : i32 to index
      %get3A_1459 = arith.index_cast %get3A_1457 : i32 to index
      %get3A_1460 = arith.constant 16 : index
      %get3A_1461 = tpu.vector_load %arg8[%get3A_1458, %get3A_1459, %get3A_1460] {strides = array<i32>} : memref<4x2x128xi32, #tpu.memory_space<vmem>>, vector<1x1x16xi32>,
      %get3A_1462 = vector.shape_cast %get3A_1461 : vector<1x1x16xi32> to vector<16xi32>
      %add3A_1463 = arith.constant 128 : i32
      %add3A_1464 = arith.addi %mul3A_1081, %add3A_1463 : i32
      %add3A_1465 = arith.constant 16 : i32
      %add3A_1466 = arith.addi %add3A_1464, %add3A_1465 : i32
      %add3A_1467 = vector.broadcast %add3A_1466 : i32 to vector<16xi32>
      %add3A_1468 = arith.addi %add3A_1467, %iota3A : vector<16xi32>
      %rem3A_1469 = arith.constant 200 : i32
      %rem3A_1470 = vector.broadcast %rem3A_1469 : i32 to vector<16xi32>
      %rem3A_1471 = arith.remsi %add3A_1468, %rem3A_1470 : vector<16xi32>
      %mul3A_1472 = arith.constant 200 : i32
      %mul3A_1473 = vector.broadcast %mul3A_1472 : i32 to vector<16xi32>
      %mul3A_1474 = arith.muli %get3A_1462, %mul3A_1473 : vector<16xi32>
      %add3A_1475 = arith.addi %mul3A_1474, %rem3A_1471 : vector<16xi32>
      %eq3A_1476 = arith.constant 0 : i32
      %eq3A_1477 = vector.broadcast %eq3A_1476 : i32 to vector<16xi32>
      %eq3A_1478 = arith.cmpi eq, %get3A_1456, %eq3A_1477 : vector<16xi32>
      %jit3A_1479 = arith.constant 600 : i32
      %jit3A_1480 = arith.constant 0 : i32
      %broadcast_in_dim3A_1481 = vector.broadcast %jit3A_1479 : i32 to vector<16xi32>
      %broadcast_in_dim3A_1482 = vector.broadcast %jit3A_1480 : i32 to vector<16xi32>
      %select_n3A_1483 = arith.select %eq3A_1478, %broadcast_in_dim3A_1481, %broadcast_in_dim3A_1482 : vector<16xi1>, vector<16xi32>
      %add3A_1484 = arith.addi %add3A_1475, %select_n3A_1483 : vector<16xi32>
      %swap3A_1485 = arith.constant 1 : i32
      %swap3A_1486 = arith.index_cast %rem3A_1050 : i32 to index
      %swap3A_1487 = arith.index_cast %swap3A_1485 : i32 to index
      %swap3A_1488 = arith.constant 16 : index
      %swap3A_1489 = tpu.vector_load %arg9[%swap3A_1486, %swap3A_1487, %swap3A_1488] {strides = array<i32>} : memref<4x2x128xi32, #tpu.memory_space<vmem>>, vector<1x1x16xi32>,
      %swap3A_1490 = vector.shape_cast %swap3A_1489 : vector<1x1x16xi32> to vector<16xi32>
      %swap3A_1491 = vector.shape_cast %add3A_1484 : vector<16xi32> to vector<1x1x16xi32>
      tpu.vector_store %arg9[%swap3A_1486, %swap3A_1487, %swap3A_1488], %swap3A_1491 {strides = array<i32>} : memref<4x2x128xi32, #tpu.memory_space<vmem>>, vector<1x1x16xi32>,
      %get3A_1492 = arith.constant 1 : i32
      %get3A_1493 = arith.index_cast %rem3A_1050 : i32 to index
      %get3A_1494 = arith.index_cast %get3A_1492 : i32 to index
      %get3A_1495 = arith.constant 32 : index
      %get3A_1496 = tpu.vector_load %arg7[%get3A_1493, %get3A_1494, %get3A_1495] {strides = array<i32>} : memref<4x2x128xi32, #tpu.memory_space<vmem>>, vector<1x1x16xi32>,
      %get3A_1497 = vector.shape_cast %get3A_1496 : vector<1x1x16xi32> to vector<16xi32>
      %get3A_1498 = arith.constant 1 : i32
      %get3A_1499 = arith.index_cast %rem3A_1050 : i32 to index
      %get3A_1500 = arith.index_cast %get3A_1498 : i32 to index
      %get3A_1501 = arith.constant 32 : index
      %get3A_1502 = tpu.vector_load %arg8[%get3A_1499, %get3A_1500, %get3A_1501] {strides = array<i32>} : memref<4x2x128xi32, #tpu.memory_space<vmem>>, vector<1x1x16xi32>,
      %get3A_1503 = vector.shape_cast %get3A_1502 : vector<1x1x16xi32> to vector<16xi32>
      %add3A_1504 = arith.constant 128 : i32
      %add3A_1505 = arith.addi %mul3A_1081, %add3A_1504 : i32
      %add3A_1506 = arith.constant 32 : i32
      %add3A_1507 = arith.addi %add3A_1505, %add3A_1506 : i32
      %add3A_1508 = vector.broadcast %add3A_1507 : i32 to vector<16xi32>
      %add3A_1509 = arith.addi %add3A_1508, %iota3A : vector<16xi32>
      %rem3A_1510 = arith.constant 200 : i32
      %rem3A_1511 = vector.broadcast %rem3A_1510 : i32 to vector<16xi32>
      %rem3A_1512 = arith.remsi %add3A_1509, %rem3A_1511 : vector<16xi32>
      %mul3A_1513 = arith.constant 200 : i32
      %mul3A_1514 = vector.broadcast %mul3A_1513 : i32 to vector<16xi32>
      %mul3A_1515 = arith.muli %get3A_1503, %mul3A_1514 : vector<16xi32>
      %add3A_1516 = arith.addi %mul3A_1515, %rem3A_1512 : vector<16xi32>
      %eq3A_1517 = arith.constant 0 : i32
      %eq3A_1518 = vector.broadcast %eq3A_1517 : i32 to vector<16xi32>
      %eq3A_1519 = arith.cmpi eq, %get3A_1497, %eq3A_1518 : vector<16xi32>
      %jit3A_1520 = arith.constant 600 : i32
      %jit3A_1521 = arith.constant 0 : i32
      %broadcast_in_dim3A_1522 = vector.broadcast %jit3A_1520 : i32 to vector<16xi32>
      %broadcast_in_dim3A_1523 = vector.broadcast %jit3A_1521 : i32 to vector<16xi32>
      %select_n3A_1524 = arith.select %eq3A_1519, %broadcast_in_dim3A_1522, %broadcast_in_dim3A_1523 : vector<16xi1>, vector<16xi32>
      %add3A_1525 = arith.addi %add3A_1516, %select_n3A_1524 : vector<16xi32>
      %swap3A_1526 = arith.constant 1 : i32
      %swap3A_1527 = arith.index_cast %rem3A_1050 : i32 to index
      %swap3A_1528 = arith.index_cast %swap3A_1526 : i32 to index
      %swap3A_1529 = arith.constant 32 : index
      %swap3A_1530 = tpu.vector_load %arg9[%swap3A_1527, %swap3A_1528, %swap3A_1529] {strides = array<i32>} : memref<4x2x128xi32, #tpu.memory_space<vmem>>, vector<1x1x16xi32>,
      %swap3A_1531 = vector.shape_cast %swap3A_1530 : vector<1x1x16xi32> to vector<16xi32>
      %swap3A_1532 = vector.shape_cast %add3A_1525 : vector<16xi32> to vector<1x1x16xi32>
      tpu.vector_store %arg9[%swap3A_1527, %swap3A_1528, %swap3A_1529], %swap3A_1532 {strides = array<i32>} : memref<4x2x128xi32, #tpu.memory_space<vmem>>, vector<1x1x16xi32>,
      %get3A_1533 = arith.constant 1 : i32
      %get3A_1534 = arith.index_cast %rem3A_1050 : i32 to index
      %get3A_1535 = arith.index_cast %get3A_1533 : i32 to index
      %get3A_1536 = arith.constant 48 : index
      %get3A_1537 = tpu.vector_load %arg7[%get3A_1534, %get3A_1535, %get3A_1536] {strides = array<i32>} : memref<4x2x128xi32, #tpu.memory_space<vmem>>, vector<1x1x16xi32>,
      %get3A_1538 = vector.shape_cast %get3A_1537 : vector<1x1x16xi32> to vector<16xi32>
      %get3A_1539 = arith.constant 1 : i32
      %get3A_1540 = arith.index_cast %rem3A_1050 : i32 to index
      %get3A_1541 = arith.index_cast %get3A_1539 : i32 to index
      %get3A_1542 = arith.constant 48 : index
      %get3A_1543 = tpu.vector_load %arg8[%get3A_1540, %get3A_1541, %get3A_1542] {strides = array<i32>} : memref<4x2x128xi32, #tpu.memory_space<vmem>>, vector<1x1x16xi32>,
      %get3A_1544 = vector.shape_cast %get3A_1543 : vector<1x1x16xi32> to vector<16xi32>
      %add3A_1545 = arith.constant 128 : i32
      %add3A_1546 = arith.addi %mul3A_1081, %add3A_1545 : i32
      %add3A_1547 = arith.constant 48 : i32
      %add3A_1548 = arith.addi %add3A_1546, %add3A_1547 : i32
      %add3A_1549 = vector.broadcast %add3A_1548 : i32 to vector<16xi32>
      %add3A_1550 = arith.addi %add3A_1549, %iota3A : vector<16xi32>
      %rem3A_1551 = arith.constant 200 : i32
      %rem3A_1552 = vector.broadcast %rem3A_1551 : i32 to vector<16xi32>
      %rem3A_1553 = arith.remsi %add3A_1550, %rem3A_1552 : vector<16xi32>
      %mul3A_1554 = arith.constant 200 : i32
      %mul3A_1555 = vector.broadcast %mul3A_1554 : i32 to vector<16xi32>
      %mul3A_1556 = arith.muli %get3A_1544, %mul3A_1555 : vector<16xi32>
      %add3A_1557 = arith.addi %mul3A_1556, %rem3A_1553 : vector<16xi32>
      %eq3A_1558 = arith.constant 0 : i32
      %eq3A_1559 = vector.broadcast %eq3A_1558 : i32 to vector<16xi32>
      %eq3A_1560 = arith.cmpi eq, %get3A_1538, %eq3A_1559 : vector<16xi32>
      %jit3A_1561 = arith.constant 600 : i32
      %jit3A_1562 = arith.constant 0 : i32
      %broadcast_in_dim3A_1563 = vector.broadcast %jit3A_1561 : i32 to vector<16xi32>
      %broadcast_in_dim3A_1564 = vector.broadcast %jit3A_1562 : i32 to vector<16xi32>
      %select_n3A_1565 = arith.select %eq3A_1560, %broadcast_in_dim3A_1563, %broadcast_in_dim3A_1564 : vector<16xi1>, vector<16xi32>
      %add3A_1566 = arith.addi %add3A_1557, %select_n3A_1565 : vector<16xi32>
      %swap3A_1567 = arith.constant 1 : i32
      %swap3A_1568 = arith.index_cast %rem3A_1050 : i32 to index
      %swap3A_1569 = arith.index_cast %swap3A_1567 : i32 to index
      %swap3A_1570 = arith.constant 48 : index
      %swap3A_1571 = tpu.vector_load %arg9[%swap3A_1568, %swap3A_1569, %swap3A_1570] {strides = array<i32>} : memref<4x2x128xi32, #tpu.memory_space<vmem>>, vector<1x1x16xi32>,
      %swap3A_1572 = vector.shape_cast %swap3A_1571 : vector<1x1x16xi32> to vector<16xi32>
      %swap3A_1573 = vector.shape_cast %add3A_1566 : vector<16xi32> to vector<1x1x16xi32>
      tpu.vector_store %arg9[%swap3A_1568, %swap3A_1569, %swap3A_1570], %swap3A_1573 {strides = array<i32>} : memref<4x2x128xi32, #tpu.memory_space<vmem>>, vector<1x1x16xi32>,
      %get3A_1574 = arith.constant 1 : i32
      %get3A_1575 = arith.index_cast %rem3A_1050 : i32 to index
      %get3A_1576 = arith.index_cast %get3A_1574 : i32 to index
      %get3A_1577 = arith.constant 64 : index
      %get3A_1578 = tpu.vector_load %arg7[%get3A_1575, %get3A_1576, %get3A_1577] {strides = array<i32>} : memref<4x2x128xi32, #tpu.memory_space<vmem>>, vector<1x1x16xi32>,
      %get3A_1579 = vector.shape_cast %get3A_1578 : vector<1x1x16xi32> to vector<16xi32>
      %get3A_1580 = arith.constant 1 : i32
      %get3A_1581 = arith.index_cast %rem3A_1050 : i32 to index
      %get3A_1582 = arith.index_cast %get3A_1580 : i32 to index
      %get3A_1583 = arith.constant 64 : index
      %get3A_1584 = tpu.vector_load %arg8[%get3A_1581, %get3A_1582, %get3A_1583] {strides = array<i32>} : memref<4x2x128xi32, #tpu.memory_space<vmem>>, vector<1x1x16xi32>,
      %get3A_1585 = vector.shape_cast %get3A_1584 : vector<1x1x16xi32> to vector<16xi32>
      %add3A_1586 = arith.constant 128 : i32
      %add3A_1587 = arith.addi %mul3A_1081, %add3A_1586 : i32
      %add3A_1588 = arith.constant 64 : i32
      %add3A_1589 = arith.addi %add3A_1587, %add3A_1588 : i32
      %add3A_1590 = vector.broadcast %add3A_1589 : i32 to vector<16xi32>
      %add3A_1591 = arith.addi %add3A_1590, %iota3A : vector<16xi32>
      %rem3A_1592 = arith.constant 200 : i32
      %rem3A_1593 = vector.broadcast %rem3A_1592 : i32 to vector<16xi32>
      %rem3A_1594 = arith.remsi %add3A_1591, %rem3A_1593 : vector<16xi32>
      %mul3A_1595 = arith.constant 200 : i32
      %mul3A_1596 = vector.broadcast %mul3A_1595 : i32 to vector<16xi32>
      %mul3A_1597 = arith.muli %get3A_1585, %mul3A_1596 : vector<16xi32>
      %add3A_1598 = arith.addi %mul3A_1597, %rem3A_1594 : vector<16xi32>
      %eq3A_1599 = arith.constant 0 : i32
      %eq3A_1600 = vector.broadcast %eq3A_1599 : i32 to vector<16xi32>
      %eq3A_1601 = arith.cmpi eq, %get3A_1579, %eq3A_1600 : vector<16xi32>
      %jit3A_1602 = arith.constant 600 : i32
      %jit3A_1603 = arith.constant 0 : i32
      %broadcast_in_dim3A_1604 = vector.broadcast %jit3A_1602 : i32 to vector<16xi32>
      %broadcast_in_dim3A_1605 = vector.broadcast %jit3A_1603 : i32 to vector<16xi32>
      %select_n3A_1606 = arith.select %eq3A_1601, %broadcast_in_dim3A_1604, %broadcast_in_dim3A_1605 : vector<16xi1>, vector<16xi32>
      %add3A_1607 = arith.addi %add3A_1598, %select_n3A_1606 : vector<16xi32>
      %swap3A_1608 = arith.constant 1 : i32
      %swap3A_1609 = arith.index_cast %rem3A_1050 : i32 to index
      %swap3A_1610 = arith.index_cast %swap3A_1608 : i32 to index
      %swap3A_1611 = arith.constant 64 : index
      %swap3A_1612 = tpu.vector_load %arg9[%swap3A_1609, %swap3A_1610, %swap3A_1611] {strides = array<i32>} : memref<4x2x128xi32, #tpu.memory_space<vmem>>, vector<1x1x16xi32>,
      %swap3A_1613 = vector.shape_cast %swap3A_1612 : vector<1x1x16xi32> to vector<16xi32>
      %swap3A_1614 = vector.shape_cast %add3A_1607 : vector<16xi32> to vector<1x1x16xi32>
      tpu.vector_store %arg9[%swap3A_1609, %swap3A_1610, %swap3A_1611], %swap3A_1614 {strides = array<i32>} : memref<4x2x128xi32, #tpu.memory_space<vmem>>, vector<1x1x16xi32>,
      %get3A_1615 = arith.constant 1 : i32
      %get3A_1616 = arith.index_cast %rem3A_1050 : i32 to index
      %get3A_1617 = arith.index_cast %get3A_1615 : i32 to index
      %get3A_1618 = arith.constant 80 : index
      %get3A_1619 = tpu.vector_load %arg7[%get3A_1616, %get3A_1617, %get3A_1618] {strides = array<i32>} : memref<4x2x128xi32, #tpu.memory_space<vmem>>, vector<1x1x16xi32>,
      %get3A_1620 = vector.shape_cast %get3A_1619 : vector<1x1x16xi32> to vector<16xi32>
      %get3A_1621 = arith.constant 1 : i32
      %get3A_1622 = arith.index_cast %rem3A_1050 : i32 to index
      %get3A_1623 = arith.index_cast %get3A_1621 : i32 to index
      %get3A_1624 = arith.constant 80 : index
      %get3A_1625 = tpu.vector_load %arg8[%get3A_1622, %get3A_1623, %get3A_1624] {strides = array<i32>} : memref<4x2x128xi32, #tpu.memory_space<vmem>>, vector<1x1x16xi32>,
      %get3A_1626 = vector.shape_cast %get3A_1625 : vector<1x1x16xi32> to vector<16xi32>
      %add3A_1627 = arith.constant 128 : i32
      %add3A_1628 = arith.addi %mul3A_1081, %add3A_1627 : i32
      %add3A_1629 = arith.constant 80 : i32
      %add3A_1630 = arith.addi %add3A_1628, %add3A_1629 : i32
      %add3A_1631 = vector.broadcast %add3A_1630 : i32 to vector<16xi32>
      %add3A_1632 = arith.addi %add3A_1631, %iota3A : vector<16xi32>
      %rem3A_1633 = arith.constant 200 : i32
      %rem3A_1634 = vector.broadcast %rem3A_1633 : i32 to vector<16xi32>
      %rem3A_1635 = arith.remsi %add3A_1632, %rem3A_1634 : vector<16xi32>
      %mul3A_1636 = arith.constant 200 : i32
      %mul3A_1637 = vector.broadcast %mul3A_1636 : i32 to vector<16xi32>
      %mul3A_1638 = arith.muli %get3A_1626, %mul3A_1637 : vector<16xi32>
      %add3A_1639 = arith.addi %mul3A_1638, %rem3A_1635 : vector<16xi32>
      %eq3A_1640 = arith.constant 0 : i32
      %eq3A_1641 = vector.broadcast %eq3A_1640 : i32 to vector<16xi32>
      %eq3A_1642 = arith.cmpi eq, %get3A_1620, %eq3A_1641 : vector<16xi32>
      %jit3A_1643 = arith.constant 600 : i32
      %jit3A_1644 = arith.constant 0 : i32
      %broadcast_in_dim3A_1645 = vector.broadcast %jit3A_1643 : i32 to vector<16xi32>
      %broadcast_in_dim3A_1646 = vector.broadcast %jit3A_1644 : i32 to vector<16xi32>
      %select_n3A_1647 = arith.select %eq3A_1642, %broadcast_in_dim3A_1645, %broadcast_in_dim3A_1646 : vector<16xi1>, vector<16xi32>
      %add3A_1648 = arith.addi %add3A_1639, %select_n3A_1647 : vector<16xi32>
      %swap3A_1649 = arith.constant 1 : i32
      %swap3A_1650 = arith.index_cast %rem3A_1050 : i32 to index
      %swap3A_1651 = arith.index_cast %swap3A_1649 : i32 to index
      %swap3A_1652 = arith.constant 80 : index
      %swap3A_1653 = tpu.vector_load %arg9[%swap3A_1650, %swap3A_1651, %swap3A_1652] {strides = array<i32>} : memref<4x2x128xi32, #tpu.memory_space<vmem>>, vector<1x1x16xi32>,
      %swap3A_1654 = vector.shape_cast %swap3A_1653 : vector<1x1x16xi32> to vector<16xi32>
      %swap3A_1655 = vector.shape_cast %add3A_1648 : vector<16xi32> to vector<1x1x16xi32>
      tpu.vector_store %arg9[%swap3A_1650, %swap3A_1651, %swap3A_1652], %swap3A_1655 {strides = array<i32>} : memref<4x2x128xi32, #tpu.memory_space<vmem>>, vector<1x1x16xi32>,
      %get3A_1656 = arith.constant 1 : i32
      %get3A_1657 = arith.index_cast %rem3A_1050 : i32 to index
      %get3A_1658 = arith.index_cast %get3A_1656 : i32 to index
      %get3A_1659 = arith.constant 96 : index
      %get3A_1660 = tpu.vector_load %arg7[%get3A_1657, %get3A_1658, %get3A_1659] {strides = array<i32>} : memref<4x2x128xi32, #tpu.memory_space<vmem>>, vector<1x1x16xi32>,
      %get3A_1661 = vector.shape_cast %get3A_1660 : vector<1x1x16xi32> to vector<16xi32>
      %get3A_1662 = arith.constant 1 : i32
      %get3A_1663 = arith.index_cast %rem3A_1050 : i32 to index
      %get3A_1664 = arith.index_cast %get3A_1662 : i32 to index
      %get3A_1665 = arith.constant 96 : index
      %get3A_1666 = tpu.vector_load %arg8[%get3A_1663, %get3A_1664, %get3A_1665] {strides = array<i32>} : memref<4x2x128xi32, #tpu.memory_space<vmem>>, vector<1x1x16xi32>,
      %get3A_1667 = vector.shape_cast %get3A_1666 : vector<1x1x16xi32> to vector<16xi32>
      %add3A_1668 = arith.constant 128 : i32
      %add3A_1669 = arith.addi %mul3A_1081, %add3A_1668 : i32
      %add3A_1670 = arith.constant 96 : i32
      %add3A_1671 = arith.addi %add3A_1669, %add3A_1670 : i32
      %add3A_1672 = vector.broadcast %add3A_1671 : i32 to vector<16xi32>
      %add3A_1673 = arith.addi %add3A_1672, %iota3A : vector<16xi32>
      %rem3A_1674 = arith.constant 200 : i32
      %rem3A_1675 = vector.broadcast %rem3A_1674 : i32 to vector<16xi32>
      %rem3A_1676 = arith.remsi %add3A_1673, %rem3A_1675 : vector<16xi32>
      %mul3A_1677 = arith.constant 200 : i32
      %mul3A_1678 = vector.broadcast %mul3A_1677 : i32 to vector<16xi32>
      %mul3A_1679 = arith.muli %get3A_1667, %mul3A_1678 : vector<16xi32>
      %add3A_1680 = arith.addi %mul3A_1679, %rem3A_1676 : vector<16xi32>
      %eq3A_1681 = arith.constant 0 : i32
      %eq3A_1682 = vector.broadcast %eq3A_1681 : i32 to vector<16xi32>
      %eq3A_1683 = arith.cmpi eq, %get3A_1661, %eq3A_1682 : vector<16xi32>
      %jit3A_1684 = arith.constant 600 : i32
      %jit3A_1685 = arith.constant 0 : i32
      %broadcast_in_dim3A_1686 = vector.broadcast %jit3A_1684 : i32 to vector<16xi32>
      %broadcast_in_dim3A_1687 = vector.broadcast %jit3A_1685 : i32 to vector<16xi32>
      %select_n3A_1688 = arith.select %eq3A_1683, %broadcast_in_dim3A_1686, %broadcast_in_dim3A_1687 : vector<16xi1>, vector<16xi32>
      %add3A_1689 = arith.addi %add3A_1680, %select_n3A_1688 : vector<16xi32>
      %swap3A_1690 = arith.constant 1 : i32
      %swap3A_1691 = arith.index_cast %rem3A_1050 : i32 to index
      %swap3A_1692 = arith.index_cast %swap3A_1690 : i32 to index
      %swap3A_1693 = arith.constant 96 : index
      %swap3A_1694 = tpu.vector_load %arg9[%swap3A_1691, %swap3A_1692, %swap3A_1693] {strides = array<i32>} : memref<4x2x128xi32, #tpu.memory_space<vmem>>, vector<1x1x16xi32>,
      %swap3A_1695 = vector.shape_cast %swap3A_1694 : vector<1x1x16xi32> to vector<16xi32>
      %swap3A_1696 = vector.shape_cast %add3A_1689 : vector<16xi32> to vector<1x1x16xi32>
      tpu.vector_store %arg9[%swap3A_1691, %swap3A_1692, %swap3A_1693], %swap3A_1696 {strides = array<i32>} : memref<4x2x128xi32, #tpu.memory_space<vmem>>, vector<1x1x16xi32>,
      %get3A_1697 = arith.constant 1 : i32
      %get3A_1698 = arith.index_cast %rem3A_1050 : i32 to index
      %get3A_1699 = arith.index_cast %get3A_1697 : i32 to index
      %get3A_1700 = arith.constant 112 : index
      %get3A_1701 = tpu.vector_load %arg7[%get3A_1698, %get3A_1699, %get3A_1700] {strides = array<i32>} : memref<4x2x128xi32, #tpu.memory_space<vmem>>, vector<1x1x16xi32>,
      %get3A_1702 = vector.shape_cast %get3A_1701 : vector<1x1x16xi32> to vector<16xi32>
      %get3A_1703 = arith.constant 1 : i32
      %get3A_1704 = arith.index_cast %rem3A_1050 : i32 to index
      %get3A_1705 = arith.index_cast %get3A_1703 : i32 to index
      %get3A_1706 = arith.constant 112 : index
      %get3A_1707 = tpu.vector_load %arg8[%get3A_1704, %get3A_1705, %get3A_1706] {strides = array<i32>} : memref<4x2x128xi32, #tpu.memory_space<vmem>>, vector<1x1x16xi32>,
      %get3A_1708 = vector.shape_cast %get3A_1707 : vector<1x1x16xi32> to vector<16xi32>
      %add3A_1709 = arith.constant 128 : i32
      %add3A_1710 = arith.addi %mul3A_1081, %add3A_1709 : i32
      %add3A_1711 = arith.constant 112 : i32
      %add3A_1712 = arith.addi %add3A_1710, %add3A_1711 : i32
      %add3A_1713 = vector.broadcast %add3A_1712 : i32 to vector<16xi32>
      %add3A_1714 = arith.addi %add3A_1713, %iota3A : vector<16xi32>
      %rem3A_1715 = arith.constant 200 : i32
      %rem3A_1716 = vector.broadcast %rem3A_1715 : i32 to vector<16xi32>
      %rem3A_1717 = arith.remsi %add3A_1714, %rem3A_1716 : vector<16xi32>
      %mul3A_1718 = arith.constant 200 : i32
      %mul3A_1719 = vector.broadcast %mul3A_1718 : i32 to vector<16xi32>
      %mul3A_1720 = arith.muli %get3A_1708, %mul3A_1719 : vector<16xi32>
      %add3A_1721 = arith.addi %mul3A_1720, %rem3A_1717 : vector<16xi32>
      %eq3A_1722 = arith.constant 0 : i32
      %eq3A_1723 = vector.broadcast %eq3A_1722 : i32 to vector<16xi32>
      %eq3A_1724 = arith.cmpi eq, %get3A_1702, %eq3A_1723 : vector<16xi32>
      %jit3A_1725 = arith.constant 600 : i32
      %jit3A_1726 = arith.constant 0 : i32
      %broadcast_in_dim3A_1727 = vector.broadcast %jit3A_1725 : i32 to vector<16xi32>
      %broadcast_in_dim3A_1728 = vector.broadcast %jit3A_1726 : i32 to vector<16xi32>
      %select_n3A_1729 = arith.select %eq3A_1724, %broadcast_in_dim3A_1727, %broadcast_in_dim3A_1728 : vector<16xi1>, vector<16xi32>
      %add3A_1730 = arith.addi %add3A_1721, %select_n3A_1729 : vector<16xi32>
      %swap3A_1731 = arith.constant 1 : i32
      %swap3A_1732 = arith.index_cast %rem3A_1050 : i32 to index
      %swap3A_1733 = arith.index_cast %swap3A_1731 : i32 to index
      %swap3A_1734 = arith.constant 112 : index
      %swap3A_1735 = tpu.vector_load %arg9[%swap3A_1732, %swap3A_1733, %swap3A_1734] {strides = array<i32>} : memref<4x2x128xi32, #tpu.memory_space<vmem>>, vector<1x1x16xi32>,
      %swap3A_1736 = vector.shape_cast %swap3A_1735 : vector<1x1x16xi32> to vector<16xi32>
      %swap3A_1737 = vector.shape_cast %add3A_1730 : vector<16xi32> to vector<1x1x16xi32>
      tpu.vector_store %arg9[%swap3A_1732, %swap3A_1733, %swap3A_1734], %swap3A_1737 {strides = array<i32>} : memref<4x2x128xi32, #tpu.memory_space<vmem>>, vector<1x1x16xi32>,
      %rem3A_1738 = arith.constant 4 : i32
      %rem3A_1739 = arith.remsi %scan3A_1004, %rem3A_1738 : i32
      %rem3A_1740 = arith.constant 2 : i32
      %rem3A_1741 = arith.remsi %scan3A_1004, %rem3A_1740 : i32
      %dma_start3A_1742 = arith.constant 0 : i32
      %dma_start3A_1743 = arith.constant 0 : i32
      %dma_start3A_1744 = arith.constant 0 : i32
      %dma_start3A_1745 = tpu.memref_slice %arg12[%rem3A_1741, %dma_start3A_1743, %dma_start3A_1744] : memref<2x256x64xf32, #tpu.memory_space<vmem>> -> memref<1x128x64xf32, #tpu.memory_space<vmem>>
      %dma_start3A_1746 = tpu.memref_squeeze %dma_start3A_1745 : memref<1x128x64xf32, #tpu.memory_space<vmem>> -> memref<128x64xf32, #tpu.memory_space<vmem>>
      %dma_start3A_1747 = arith.constant 0 : i32
      %dma_start3A_1748 = tpu.memref_slice %arg9[%rem3A_1739, %dma_start3A_1742, %dma_start3A_1747] : memref<4x2x128xi32, #tpu.memory_space<vmem>> -> memref<1x1x128xi32, #tpu.memory_space<vmem>>
      %dma_start3A_1749 = tpu.memref_squeeze %dma_start3A_1748 : memref<1x1x128xi32, #tpu.memory_space<vmem>> -> memref<128xi32, #tpu.memory_space<vmem>>
      %dma_start3A_1750 = arith.constant 0 : i32
      %dma_start3A_1751 = arith.constant 0 : i32
      %dma_start3A_1752 = tpu.memref_slice %arg10[%dma_start3A_1750, %dma_start3A_1751] : memref<1200x64xf32, #tpu.memory_space<vmem_shared>> -> memref<1200x64xf32, #tpu.memory_space<vmem_shared>>
      %dma_start3A_1753 = tpu.memref_slice %arg14[%rem3A_1741] : memref<2x!tpu.dma_semaphore, #tpu.memory_space<semaphore_mem>> -> memref<1x!tpu.dma_semaphore, #tpu.memory_space<semaphore_mem>>
      %dma_start3A_1754 = tpu.memref_squeeze %dma_start3A_1753 : memref<1x!tpu.dma_semaphore, #tpu.memory_space<semaphore_mem>> -> memref<!tpu.dma_semaphore, #tpu.memory_space<semaphore_mem>>
      tpu.enqueue_indirect_dma source(%dma_start3A_1752 : memref<1200x64xf32, #tpu.memory_space<vmem_shared>>) target(%dma_start3A_1746 : memref<128x64xf32, #tpu.memory_space<vmem>>) offsets(%dma_start3A_1749 : memref<128xi32, #tpu.memory_space<vmem>>) semaphore(%dma_start3A_1754 : memref<!tpu.dma_semaphore, #tpu.memory_space<semaphore_mem>>)
      %dma_start3A_1755 = arith.constant 1 : i32
      %dma_start3A_1756 = arith.constant 128 : i32
      %dma_start3A_1757 = arith.constant 0 : i32
      %dma_start3A_1758 = tpu.memref_slice %arg12[%rem3A_1741, %dma_start3A_1756, %dma_start3A_1757] : memref<2x256x64xf32, #tpu.memory_space<vmem>> -> memref<1x128x64xf32, #tpu.memory_space<vmem>>
      %dma_start3A_1759 = tpu.memref_squeeze %dma_start3A_1758 : memref<1x128x64xf32, #tpu.memory_space<vmem>> -> memref<128x64xf32, #tpu.memory_space<vmem>>
      %dma_start3A_1760 = arith.constant 0 : i32
      %dma_start3A_1761 = tpu.memref_slice %arg9[%rem3A_1739, %dma_start3A_1755, %dma_start3A_1760] : memref<4x2x128xi32, #tpu.memory_space<vmem>> -> memref<1x1x128xi32, #tpu.memory_space<vmem>>
      %dma_start3A_1762 = tpu.memref_squeeze %dma_start3A_1761 : memref<1x1x128xi32, #tpu.memory_space<vmem>> -> memref<128xi32, #tpu.memory_space<vmem>>
      %dma_start3A_1763 = arith.constant 0 : i32
      %dma_start3A_1764 = arith.constant 0 : i32
      %dma_start3A_1765 = tpu.memref_slice %arg10[%dma_start3A_1763, %dma_start3A_1764] : memref<1200x64xf32, #tpu.memory_space<vmem_shared>> -> memref<1200x64xf32, #tpu.memory_space<vmem_shared>>
      %dma_start3A_1766 = tpu.memref_slice %arg14[%rem3A_1741] : memref<2x!tpu.dma_semaphore, #tpu.memory_space<semaphore_mem>> -> memref<1x!tpu.dma_semaphore, #tpu.memory_space<semaphore_mem>>
      %dma_start3A_1767 = tpu.memref_squeeze %dma_start3A_1766 : memref<1x!tpu.dma_semaphore, #tpu.memory_space<semaphore_mem>> -> memref<!tpu.dma_semaphore, #tpu.memory_space<semaphore_mem>>
      tpu.enqueue_indirect_dma source(%dma_start3A_1765 : memref<1200x64xf32, #tpu.memory_space<vmem_shared>>) target(%dma_start3A_1759 : memref<128x64xf32, #tpu.memory_space<vmem>>) offsets(%dma_start3A_1762 : memref<128xi32, #tpu.memory_space<vmem>>) semaphore(%dma_start3A_1767 : memref<!tpu.dma_semaphore, #tpu.memory_space<semaphore_mem>>)
      %add3A_1768 = arith.constant 2 : i32
      %add3A_1769 = arith.addi %scan3A_1004, %add3A_1768 : i32
      %lt3A = arith.constant 25 : i32
      %lt3A_1770 = arith.cmpi slt, %add3A_1769, %lt3A : i32
      %convert_element_type3A_1771 = arith.extui %lt3A_1770 : i1 to i32
      %cond3A_1772 = arith.constant 0 : i32
      %cond3A_1773 = arith.cmpi ne, %convert_element_type3A_1771, %cond3A_1772 : i32
      scf.if %cond3A_1773 {
        %add3A_1863 = arith.constant 2 : i32
        %add3A_1864 = arith.addi %scan3A_1004, %add3A_1863 : i32
        %rem3A_1865 = arith.constant 4 : i32
        %rem3A_1866 = arith.remsi %add3A_1864, %rem3A_1865 : i32
        %mul3A_1867 = arith.constant 2 : i32
        %mul3A_1868 = arith.muli %add3A_1864, %mul3A_1867 : i32
        %add3A_1869 = arith.addi %mul3A_2, %mul3A_1868 : i32
        %dma_start3A_1870 = arith.constant 0 : i32
        %dma_start3A_1871 = arith.constant 0 : i32
        %dma_start3A_1872 = tpu.memref_slice %arg7[%rem3A_1866, %dma_start3A_1870, %dma_start3A_1871] : memref<4x2x128xi32, #tpu.memory_space<vmem>> -> memref<1x2x128xi32, #tpu.memory_space<vmem>>
        %dma_start3A_1873 = tpu.memref_squeeze %dma_start3A_1872 : memref<1x2x128xi32, #tpu.memory_space<vmem>> -> memref<2x128xi32, #tpu.memory_space<vmem>>
        %dma_start3A_1874 = arith.constant 0 : i32
        %dma_start3A_1875 = tpu.memref_slice %arg2[%add3A_1869, %dma_start3A_1874] : memref<1600x128xi32, #tpu.memory_space<hbm>> -> memref<2x128xi32, #tpu.memory_space<hbm>>
        %dma_start3A_1876 = tpu.memref_slice %arg13[%rem3A_1866] : memref<4x!tpu.dma_semaphore, #tpu.memory_space<semaphore_mem>> -> memref<1x!tpu.dma_semaphore, #tpu.memory_space<semaphore_mem>>
        %dma_start3A_1877 = tpu.memref_squeeze %dma_start3A_1876 : memref<1x!tpu.dma_semaphore, #tpu.memory_space<semaphore_mem>> -> memref<!tpu.dma_semaphore, #tpu.memory_space<semaphore_mem>>
        %dma_start3A_1878 = arith.constant 0 : i32
        %dma_start3A_1879 = arith.constant 0 : i32
        %dma_start3A_1880 = tpu.memref_slice %arg7[%rem3A_1866, %dma_start3A_1878, %dma_start3A_1879] : memref<4x2x128xi32, #tpu.memory_space<vmem>> -> memref<1x2x128xi32, #tpu.memory_space<vmem>>
        %dma_start3A_1881 = tpu.memref_squeeze %dma_start3A_1880 : memref<1x2x128xi32, #tpu.memory_space<vmem>> -> memref<2x128xi32, #tpu.memory_space<vmem>>
        %dma_start3A_1882 = arith.constant 0 : i32
        %dma_start3A_1883 = tpu.memref_slice %arg2[%add3A_1869, %dma_start3A_1882] : memref<1600x128xi32, #tpu.memory_space<hbm>> -> memref<2x128xi32, #tpu.memory_space<hbm>>
        tpu.enqueue_dma source(%dma_start3A_1883 : memref<2x128xi32, #tpu.memory_space<hbm>>) target(%dma_start3A_1881 : memref<2x128xi32, #tpu.memory_space<vmem>>) target_semaphore(%dma_start3A_1877 : memref<!tpu.dma_semaphore, #tpu.memory_space<semaphore_mem>>)
        %dma_start3A_1884 = arith.constant 0 : i32
        %dma_start3A_1885 = arith.constant 0 : i32
        %dma_start3A_1886 = tpu.memref_slice %arg8[%rem3A_1866, %dma_start3A_1884, %dma_start3A_1885] : memref<4x2x128xi32, #tpu.memory_space<vmem>> -> memref<1x2x128xi32, #tpu.memory_space<vmem>>
        %dma_start3A_1887 = tpu.memref_squeeze %dma_start3A_1886 : memref<1x2x128xi32, #tpu.memory_space<vmem>> -> memref<2x128xi32, #tpu.memory_space<vmem>>
        %dma_start3A_1888 = arith.constant 0 : i32
        %dma_start3A_1889 = tpu.memref_slice %arg3[%add3A_1869, %dma_start3A_1888] : memref<1600x128xi32, #tpu.memory_space<hbm>> -> memref<2x128xi32, #tpu.memory_space<hbm>>
        %dma_start3A_1890 = tpu.memref_slice %arg13[%rem3A_1866] : memref<4x!tpu.dma_semaphore, #tpu.memory_space<semaphore_mem>> -> memref<1x!tpu.dma_semaphore, #tpu.memory_space<semaphore_mem>>
        %dma_start3A_1891 = tpu.memref_squeeze %dma_start3A_1890 : memref<1x!tpu.dma_semaphore, #tpu.memory_space<semaphore_mem>> -> memref<!tpu.dma_semaphore, #tpu.memory_space<semaphore_mem>>
        %dma_start3A_1892 = arith.constant 0 : i32
        %dma_start3A_1893 = arith.constant 0 : i32
        %dma_start3A_1894 = tpu.memref_slice %arg8[%rem3A_1866, %dma_start3A_1892, %dma_start3A_1893] : memref<4x2x128xi32, #tpu.memory_space<vmem>> -> memref<1x2x128xi32, #tpu.memory_space<vmem>>
        %dma_start3A_1895 = tpu.memref_squeeze %dma_start3A_1894 : memref<1x2x128xi32, #tpu.memory_space<vmem>> -> memref<2x128xi32, #tpu.memory_space<vmem>>
        %dma_start3A_1896 = arith.constant 0 : i32
        %dma_start3A_1897 = tpu.memref_slice %arg3[%add3A_1869, %dma_start3A_1896] : memref<1600x128xi32, #tpu.memory_space<hbm>> -> memref<2x128xi32, #tpu.memory_space<hbm>>
        tpu.enqueue_dma source(%dma_start3A_1897 : memref<2x128xi32, #tpu.memory_space<hbm>>) target(%dma_start3A_1895 : memref<2x128xi32, #tpu.memory_space<vmem>>) target_semaphore(%dma_start3A_1891 : memref<!tpu.dma_semaphore, #tpu.memory_space<semaphore_mem>>)
      } else {
      }
      %dma_wait3A_1774 = arith.constant 0 : i32
      %dma_wait3A_1775 = arith.constant 0 : i32
      %dma_wait3A_1776 = arith.constant 0 : i32
      %dma_wait3A_1777 = arith.constant 0 : i32
      %dma_wait3A_1778 = tpu.memref_slice %arg11[%rem3A_1010, %dma_wait3A_1776, %dma_wait3A_1777] : memref<3x256x64xf32, #tpu.memory_space<vmem>> -> memref<1x128x64xf32, #tpu.memory_space<vmem>>
      %dma_wait3A_1779 = tpu.memref_squeeze %dma_wait3A_1778 : memref<1x128x64xf32, #tpu.memory_space<vmem>> -> memref<128x64xf32, #tpu.memory_space<vmem>>
      %dma_wait3A_1780 = arith.constant 0 : i32
      %dma_wait3A_1781 = tpu.memref_slice %arg7[%dma_wait3A_1774, %dma_wait3A_1775, %dma_wait3A_1780] : memref<4x2x128xi32, #tpu.memory_space<vmem>> -> memref<1x1x128xi32, #tpu.memory_space<vmem>>
      %dma_wait3A_1782 = tpu.memref_squeeze %dma_wait3A_1781 : memref<1x1x128xi32, #tpu.memory_space<vmem>> -> memref<128xi32, #tpu.memory_space<vmem>>
      %dma_wait3A_1783 = arith.constant 0 : i32
      %dma_wait3A_1784 = arith.constant 0 : i32
      %dma_wait3A_1785 = tpu.memref_slice %arg4[%dma_wait3A_1783, %dma_wait3A_1784] : memref<1000000x64xf32, #tpu.memory_space<hbm>> -> memref<1000000x64xf32, #tpu.memory_space<hbm>>
      %dma_wait3A_1786 = tpu.memref_slice %arg15[%rem3A_1010] : memref<3x!tpu.dma_semaphore, #tpu.memory_space<semaphore_mem>> -> memref<1x!tpu.dma_semaphore, #tpu.memory_space<semaphore_mem>>
      %dma_wait3A_1787 = tpu.memref_squeeze %dma_wait3A_1786 : memref<1x!tpu.dma_semaphore, #tpu.memory_space<semaphore_mem>> -> memref<!tpu.dma_semaphore, #tpu.memory_space<semaphore_mem>>
      tpu.wait_indirect_dma semaphore(%dma_wait3A_1787 : memref<!tpu.dma_semaphore, #tpu.memory_space<semaphore_mem>>) src(%dma_wait3A_1785 : memref<1000000x64xf32, #tpu.memory_space<hbm>>) dst(%dma_wait3A_1779 : memref<128x64xf32, #tpu.memory_space<vmem>>)
      %dma_wait3A_1788 = arith.constant 0 : i32
      %dma_wait3A_1789 = arith.constant 0 : i32
      %dma_wait3A_1790 = arith.constant 128 : i32
      %dma_wait3A_1791 = arith.constant 0 : i32
      %dma_wait3A_1792 = tpu.memref_slice %arg11[%rem3A_1010, %dma_wait3A_1790, %dma_wait3A_1791] : memref<3x256x64xf32, #tpu.memory_space<vmem>> -> memref<1x128x64xf32, #tpu.memory_space<vmem>>
      %dma_wait3A_1793 = tpu.memref_squeeze %dma_wait3A_1792 : memref<1x128x64xf32, #tpu.memory_space<vmem>> -> memref<128x64xf32, #tpu.memory_space<vmem>>
      %dma_wait3A_1794 = arith.constant 0 : i32
      %dma_wait3A_1795 = tpu.memref_slice %arg7[%dma_wait3A_1788, %dma_wait3A_1789, %dma_wait3A_1794] : memref<4x2x128xi32, #tpu.memory_space<vmem>> -> memref<1x1x128xi32, #tpu.memory_space<vmem>>
      %dma_wait3A_1796 = tpu.memref_squeeze %dma_wait3A_1795 : memref<1x1x128xi32, #tpu.memory_space<vmem>> -> memref<128xi32, #tpu.memory_space<vmem>>
      %dma_wait3A_1797 = arith.constant 0 : i32
      %dma_wait3A_1798 = arith.constant 0 : i32
      %dma_wait3A_1799 = tpu.memref_slice %arg4[%dma_wait3A_1797, %dma_wait3A_1798] : memref<1000000x64xf32, #tpu.memory_space<hbm>> -> memref<1000000x64xf32, #tpu.memory_space<hbm>>
      %dma_wait3A_1800 = tpu.memref_slice %arg15[%rem3A_1010] : memref<3x!tpu.dma_semaphore, #tpu.memory_space<semaphore_mem>> -> memref<1x!tpu.dma_semaphore, #tpu.memory_space<semaphore_mem>>
      %dma_wait3A_1801 = tpu.memref_squeeze %dma_wait3A_1800 : memref<1x!tpu.dma_semaphore, #tpu.memory_space<semaphore_mem>> -> memref<!tpu.dma_semaphore, #tpu.memory_space<semaphore_mem>>
      tpu.wait_indirect_dma semaphore(%dma_wait3A_1801 : memref<!tpu.dma_semaphore, #tpu.memory_space<semaphore_mem>>) src(%dma_wait3A_1799 : memref<1000000x64xf32, #tpu.memory_space<hbm>>) dst(%dma_wait3A_1793 : memref<128x64xf32, #tpu.memory_space<vmem>>)
      %sub3A_1802 = arith.constant 1 : i32
      %sub3A_1803 = arith.subi %scan3A_1004, %sub3A_1802 : i32
      %rem3A_1804 = arith.constant 2 : i32
      %rem3A_1805 = arith.remsi %sub3A_1803, %rem3A_1804 : i32
      %dma_wait3A_1806 = arith.constant 0 : i32
      %dma_wait3A_1807 = arith.constant 0 : i32
      %dma_wait3A_1808 = arith.constant 0 : i32
      %dma_wait3A_1809 = arith.constant 0 : i32
      %dma_wait3A_1810 = tpu.memref_slice %arg12[%rem3A_1805, %dma_wait3A_1808, %dma_wait3A_1809] : memref<2x256x64xf32, #tpu.memory_space<vmem>> -> memref<1x128x64xf32, #tpu.memory_space<vmem>>
      %dma_wait3A_1811 = tpu.memref_squeeze %dma_wait3A_1810 : memref<1x128x64xf32, #tpu.memory_space<vmem>> -> memref<128x64xf32, #tpu.memory_space<vmem>>
      %dma_wait3A_1812 = arith.constant 0 : i32
      %dma_wait3A_1813 = tpu.memref_slice %arg9[%dma_wait3A_1806, %dma_wait3A_1807, %dma_wait3A_1812] : memref<4x2x128xi32, #tpu.memory_space<vmem>> -> memref<1x1x128xi32, #tpu.memory_space<vmem>>
      %dma_wait3A_1814 = tpu.memref_squeeze %dma_wait3A_1813 : memref<1x1x128xi32, #tpu.memory_space<vmem>> -> memref<128xi32, #tpu.memory_space<vmem>>
      %dma_wait3A_1815 = arith.constant 0 : i32
      %dma_wait3A_1816 = arith.constant 0 : i32
      %dma_wait3A_1817 = tpu.memref_slice %arg10[%dma_wait3A_1815, %dma_wait3A_1816] : memref<1200x64xf32, #tpu.memory_space<vmem_shared>> -> memref<1200x64xf32, #tpu.memory_space<vmem_shared>>
      %dma_wait3A_1818 = tpu.memref_slice %arg14[%rem3A_1805] : memref<2x!tpu.dma_semaphore, #tpu.memory_space<semaphore_mem>> -> memref<1x!tpu.dma_semaphore, #tpu.memory_space<semaphore_mem>>
      %dma_wait3A_1819 = tpu.memref_squeeze %dma_wait3A_1818 : memref<1x!tpu.dma_semaphore, #tpu.memory_space<semaphore_mem>> -> memref<!tpu.dma_semaphore, #tpu.memory_space<semaphore_mem>>
      tpu.wait_indirect_dma semaphore(%dma_wait3A_1819 : memref<!tpu.dma_semaphore, #tpu.memory_space<semaphore_mem>>) src(%dma_wait3A_1817 : memref<1200x64xf32, #tpu.memory_space<vmem_shared>>) dst(%dma_wait3A_1811 : memref<128x64xf32, #tpu.memory_space<vmem>>)
      %dma_wait3A_1820 = arith.constant 0 : i32
      %dma_wait3A_1821 = arith.constant 0 : i32
      %dma_wait3A_1822 = arith.constant 128 : i32
      %dma_wait3A_1823 = arith.constant 0 : i32
      %dma_wait3A_1824 = tpu.memref_slice %arg12[%rem3A_1805, %dma_wait3A_1822, %dma_wait3A_1823] : memref<2x256x64xf32, #tpu.memory_space<vmem>> -> memref<1x128x64xf32, #tpu.memory_space<vmem>>
      %dma_wait3A_1825 = tpu.memref_squeeze %dma_wait3A_1824 : memref<1x128x64xf32, #tpu.memory_space<vmem>> -> memref<128x64xf32, #tpu.memory_space<vmem>>
      %dma_wait3A_1826 = arith.constant 0 : i32
      %dma_wait3A_1827 = tpu.memref_slice %arg9[%dma_wait3A_1820, %dma_wait3A_1821, %dma_wait3A_1826] : memref<4x2x128xi32, #tpu.memory_space<vmem>> -> memref<1x1x128xi32, #tpu.memory_space<vmem>>
      %dma_wait3A_1828 = tpu.memref_squeeze %dma_wait3A_1827 : memref<1x1x128xi32, #tpu.memory_space<vmem>> -> memref<128xi32, #tpu.memory_space<vmem>>
      %dma_wait3A_1829 = arith.constant 0 : i32
      %dma_wait3A_1830 = arith.constant 0 : i32
      %dma_wait3A_1831 = tpu.memref_slice %arg10[%dma_wait3A_1829, %dma_wait3A_1830] : memref<1200x64xf32, #tpu.memory_space<vmem_shared>> -> memref<1200x64xf32, #tpu.memory_space<vmem_shared>>
      %dma_wait3A_1832 = tpu.memref_slice %arg14[%rem3A_1805] : memref<2x!tpu.dma_semaphore, #tpu.memory_space<semaphore_mem>> -> memref<1x!tpu.dma_semaphore, #tpu.memory_space<semaphore_mem>>
      %dma_wait3A_1833 = tpu.memref_squeeze %dma_wait3A_1832 : memref<1x!tpu.dma_semaphore, #tpu.memory_space<semaphore_mem>> -> memref<!tpu.dma_semaphore, #tpu.memory_space<semaphore_mem>>
      tpu.wait_indirect_dma semaphore(%dma_wait3A_1833 : memref<!tpu.dma_semaphore, #tpu.memory_space<semaphore_mem>>) src(%dma_wait3A_1831 : memref<1200x64xf32, #tpu.memory_space<vmem_shared>>) dst(%dma_wait3A_1825 : memref<128x64xf32, #tpu.memory_space<vmem>>)
      %sub3A_1834 = arith.constant 1 : i32
      %sub3A_1835 = arith.subi %scan3A_1004, %sub3A_1834 : i32
      %rem3A_1836 = arith.constant 2 : i32
      %rem3A_1837 = arith.remsi %sub3A_1835, %rem3A_1836 : i32
      %parallel_loop3A_1838 = arith.constant 0 : i32
      %parallel_loop3A_1839 = arith.constant 256 : i32
      %parallel_loop3A_1840 = arith.constant 1 : i32
      scf.for %parallel_loop3A_1863 = %parallel_loop3A_1838 to %parallel_loop3A_1839 step %parallel_loop3A_1840  : i32 {
        %parallel_loop3A_1864 = arith.index_cast %rem3A_1010 : i32 to index
        %parallel_loop3A_1865 = arith.index_cast %parallel_loop3A_1863 : i32 to index
        %parallel_loop3A_1866 = arith.constant 0 : index
        %parallel_loop3A_1867 = tpu.vector_load %arg11[%parallel_loop3A_1864, %parallel_loop3A_1865, %parallel_loop3A_1866] {strides = array<i32>} : memref<3x256x64xf32, #tpu.memory_space<vmem>>, vector<1x1x16xf32>,
        %parallel_loop3A_1868 = vector.shape_cast %parallel_loop3A_1867 : vector<1x1x16xf32> to vector<16xf32>
        %parallel_loop3A_1869 = arith.index_cast %rem3A_1837 : i32 to index
        %parallel_loop3A_1870 = arith.index_cast %parallel_loop3A_1863 : i32 to index
        %parallel_loop3A_1871 = arith.constant 0 : index
        %parallel_loop3A_1872 = tpu.vector_load %arg12[%parallel_loop3A_1869, %parallel_loop3A_1870, %parallel_loop3A_1871] {strides = array<i32>} : memref<2x256x64xf32, #tpu.memory_space<vmem>>, vector<1x1x16xf32>,
        %parallel_loop3A_1873 = vector.shape_cast %parallel_loop3A_1872 : vector<1x1x16xf32> to vector<16xf32>
        %parallel_loop3A_1874 = arith.addf %parallel_loop3A_1868, %parallel_loop3A_1873 : vector<16xf32>
        %parallel_loop3A_1875 = arith.index_cast %rem3A_1010 : i32 to index
        %parallel_loop3A_1876 = arith.index_cast %parallel_loop3A_1863 : i32 to index
        %parallel_loop3A_1877 = arith.constant 0 : index
        %parallel_loop3A_1878 = tpu.vector_load %arg11[%parallel_loop3A_1875, %parallel_loop3A_1876, %parallel_loop3A_1877] {strides = array<i32>} : memref<3x256x64xf32, #tpu.memory_space<vmem>>, vector<1x1x16xf32>,
        %parallel_loop3A_1879 = vector.shape_cast %parallel_loop3A_1878 : vector<1x1x16xf32> to vector<16xf32>
        %parallel_loop3A_1880 = vector.shape_cast %parallel_loop3A_1874 : vector<16xf32> to vector<1x1x16xf32>
        tpu.vector_store %arg11[%parallel_loop3A_1875, %parallel_loop3A_1876, %parallel_loop3A_1877], %parallel_loop3A_1880 {strides = array<i32>} : memref<3x256x64xf32, #tpu.memory_space<vmem>>, vector<1x1x16xf32>,
        %parallel_loop3A_1881 = arith.index_cast %rem3A_1010 : i32 to index
        %parallel_loop3A_1882 = arith.index_cast %parallel_loop3A_1863 : i32 to index
        %parallel_loop3A_1883 = arith.constant 16 : index
        %parallel_loop3A_1884 = tpu.vector_load %arg11[%parallel_loop3A_1881, %parallel_loop3A_1882, %parallel_loop3A_1883] {strides = array<i32>} : memref<3x256x64xf32, #tpu.memory_space<vmem>>, vector<1x1x16xf32>,
        %parallel_loop3A_1885 = vector.shape_cast %parallel_loop3A_1884 : vector<1x1x16xf32> to vector<16xf32>
        %parallel_loop3A_1886 = arith.index_cast %rem3A_1837 : i32 to index
        %parallel_loop3A_1887 = arith.index_cast %parallel_loop3A_1863 : i32 to index
        %parallel_loop3A_1888 = arith.constant 16 : index
        %parallel_loop3A_1889 = tpu.vector_load %arg12[%parallel_loop3A_1886, %parallel_loop3A_1887, %parallel_loop3A_1888] {strides = array<i32>} : memref<2x256x64xf32, #tpu.memory_space<vmem>>, vector<1x1x16xf32>,
        %parallel_loop3A_1890 = vector.shape_cast %parallel_loop3A_1889 : vector<1x1x16xf32> to vector<16xf32>
        %parallel_loop3A_1891 = arith.addf %parallel_loop3A_1885, %parallel_loop3A_1890 : vector<16xf32>
        %parallel_loop3A_1892 = arith.index_cast %rem3A_1010 : i32 to index
        %parallel_loop3A_1893 = arith.index_cast %parallel_loop3A_1863 : i32 to index
        %parallel_loop3A_1894 = arith.constant 16 : index
        %parallel_loop3A_1895 = tpu.vector_load %arg11[%parallel_loop3A_1892, %parallel_loop3A_1893, %parallel_loop3A_1894] {strides = array<i32>} : memref<3x256x64xf32, #tpu.memory_space<vmem>>, vector<1x1x16xf32>,
        %parallel_loop3A_1896 = vector.shape_cast %parallel_loop3A_1895 : vector<1x1x16xf32> to vector<16xf32>
        %parallel_loop3A_1897 = vector.shape_cast %parallel_loop3A_1891 : vector<16xf32> to vector<1x1x16xf32>
        tpu.vector_store %arg11[%parallel_loop3A_1892, %parallel_loop3A_1893, %parallel_loop3A_1894], %parallel_loop3A_1897 {strides = array<i32>} : memref<3x256x64xf32, #tpu.memory_space<vmem>>, vector<1x1x16xf32>,
        %parallel_loop3A_1898 = arith.index_cast %rem3A_1010 : i32 to index
        %parallel_loop3A_1899 = arith.index_cast %parallel_loop3A_1863 : i32 to index
        %parallel_loop3A_1900 = arith.constant 32 : index
        %parallel_loop3A_1901 = tpu.vector_load %arg11[%parallel_loop3A_1898, %parallel_loop3A_1899, %parallel_loop3A_1900] {strides = array<i32>} : memref<3x256x64xf32, #tpu.memory_space<vmem>>, vector<1x1x16xf32>,
        %parallel_loop3A_1902 = vector.shape_cast %parallel_loop3A_1901 : vector<1x1x16xf32> to vector<16xf32>
        %parallel_loop3A_1903 = arith.index_cast %rem3A_1837 : i32 to index
        %parallel_loop3A_1904 = arith.index_cast %parallel_loop3A_1863 : i32 to index
        %parallel_loop3A_1905 = arith.constant 32 : index
        %parallel_loop3A_1906 = tpu.vector_load %arg12[%parallel_loop3A_1903, %parallel_loop3A_1904, %parallel_loop3A_1905] {strides = array<i32>} : memref<2x256x64xf32, #tpu.memory_space<vmem>>, vector<1x1x16xf32>,
        %parallel_loop3A_1907 = vector.shape_cast %parallel_loop3A_1906 : vector<1x1x16xf32> to vector<16xf32>
        %parallel_loop3A_1908 = arith.addf %parallel_loop3A_1902, %parallel_loop3A_1907 : vector<16xf32>
        %parallel_loop3A_1909 = arith.index_cast %rem3A_1010 : i32 to index
        %parallel_loop3A_1910 = arith.index_cast %parallel_loop3A_1863 : i32 to index
        %parallel_loop3A_1911 = arith.constant 32 : index
        %parallel_loop3A_1912 = tpu.vector_load %arg11[%parallel_loop3A_1909, %parallel_loop3A_1910, %parallel_loop3A_1911] {strides = array<i32>} : memref<3x256x64xf32, #tpu.memory_space<vmem>>, vector<1x1x16xf32>,
        %parallel_loop3A_1913 = vector.shape_cast %parallel_loop3A_1912 : vector<1x1x16xf32> to vector<16xf32>
        %parallel_loop3A_1914 = vector.shape_cast %parallel_loop3A_1908 : vector<16xf32> to vector<1x1x16xf32>
        tpu.vector_store %arg11[%parallel_loop3A_1909, %parallel_loop3A_1910, %parallel_loop3A_1911], %parallel_loop3A_1914 {strides = array<i32>} : memref<3x256x64xf32, #tpu.memory_space<vmem>>, vector<1x1x16xf32>,
        %parallel_loop3A_1915 = arith.index_cast %rem3A_1010 : i32 to index
        %parallel_loop3A_1916 = arith.index_cast %parallel_loop3A_1863 : i32 to index
        %parallel_loop3A_1917 = arith.constant 48 : index
        %parallel_loop3A_1918 = tpu.vector_load %arg11[%parallel_loop3A_1915, %parallel_loop3A_1916, %parallel_loop3A_1917] {strides = array<i32>} : memref<3x256x64xf32, #tpu.memory_space<vmem>>, vector<1x1x16xf32>,
        %parallel_loop3A_1919 = vector.shape_cast %parallel_loop3A_1918 : vector<1x1x16xf32> to vector<16xf32>
        %parallel_loop3A_1920 = arith.index_cast %rem3A_1837 : i32 to index
        %parallel_loop3A_1921 = arith.index_cast %parallel_loop3A_1863 : i32 to index
        %parallel_loop3A_1922 = arith.constant 48 : index
        %parallel_loop3A_1923 = tpu.vector_load %arg12[%parallel_loop3A_1920, %parallel_loop3A_1921, %parallel_loop3A_1922] {strides = array<i32>} : memref<2x256x64xf32, #tpu.memory_space<vmem>>, vector<1x1x16xf32>,
        %parallel_loop3A_1924 = vector.shape_cast %parallel_loop3A_1923 : vector<1x1x16xf32> to vector<16xf32>
        %parallel_loop3A_1925 = arith.addf %parallel_loop3A_1919, %parallel_loop3A_1924 : vector<16xf32>
        %parallel_loop3A_1926 = arith.index_cast %rem3A_1010 : i32 to index
        %parallel_loop3A_1927 = arith.index_cast %parallel_loop3A_1863 : i32 to index
        %parallel_loop3A_1928 = arith.constant 48 : index
        %parallel_loop3A_1929 = tpu.vector_load %arg11[%parallel_loop3A_1926, %parallel_loop3A_1927, %parallel_loop3A_1928] {strides = array<i32>} : memref<3x256x64xf32, #tpu.memory_space<vmem>>, vector<1x1x16xf32>,
        %parallel_loop3A_1930 = vector.shape_cast %parallel_loop3A_1929 : vector<1x1x16xf32> to vector<16xf32>
        %parallel_loop3A_1931 = vector.shape_cast %parallel_loop3A_1925 : vector<16xf32> to vector<1x1x16xf32>
        tpu.vector_store %arg11[%parallel_loop3A_1926, %parallel_loop3A_1927, %parallel_loop3A_1928], %parallel_loop3A_1931 {strides = array<i32>} : memref<3x256x64xf32, #tpu.memory_space<vmem>>, vector<1x1x16xf32>,
      } {sc.loop_unroll_factor = 4 : i64, sc.parallel_access}
      %sub3A_1841 = arith.constant 1 : i32
      %sub3A_1842 = arith.subi %scan3A_1004, %sub3A_1841 : i32
      %mul3A_1843 = arith.constant 2 : i32
      %mul3A_1844 = arith.muli %sub3A_1842, %mul3A_1843 : i32
      %add3A_1845 = arith.addi %mul3A_2, %mul3A_1844 : i32
      %mul3A_1846 = arith.constant 128 : i32
      %mul3A_1847 = arith.muli %add3A_1845, %mul3A_1846 : i32
      %dma_start3A_1848 = arith.constant 0 : i32
      %dma_start3A_1849 = arith.constant 0 : i32
      %dma_start3A_1850 = tpu.memref_slice %arg11[%rem3A_1010, %dma_start3A_1848, %dma_start3A_1849] : memref<3x256x64xf32, #tpu.memory_space<vmem>> -> memref<1x256x64xf32, #tpu.memory_space<vmem>>
      %dma_start3A_1851 = tpu.memref_squeeze %dma_start3A_1850 : memref<1x256x64xf32, #tpu.memory_space<vmem>> -> memref<256x64xf32, #tpu.memory_space<vmem>>
      %dma_start3A_1852 = arith.constant 0 : i32
      %dma_start3A_1853 = tpu.memref_slice %arg6[%mul3A_1847, %dma_start3A_1852] : memref<204800x64xf32, #tpu.memory_space<hbm>> -> memref<256x64xf32, #tpu.memory_space<hbm>>
      %dma_start3A_1854 = tpu.memref_slice %arg16[%rem3A_1010] : memref<3x!tpu.dma_semaphore, #tpu.memory_space<semaphore_mem>> -> memref<1x!tpu.dma_semaphore, #tpu.memory_space<semaphore_mem>>
      %dma_start3A_1855 = tpu.memref_squeeze %dma_start3A_1854 : memref<1x!tpu.dma_semaphore, #tpu.memory_space<semaphore_mem>> -> memref<!tpu.dma_semaphore, #tpu.memory_space<semaphore_mem>>
      %dma_start3A_1856 = arith.constant 0 : i32
      %dma_start3A_1857 = tpu.memref_slice %arg6[%mul3A_1847, %dma_start3A_1856] : memref<204800x64xf32, #tpu.memory_space<hbm>> -> memref<256x64xf32, #tpu.memory_space<hbm>>
      %dma_start3A_1858 = arith.constant 0 : i32
      %dma_start3A_1859 = arith.constant 0 : i32
      %dma_start3A_1860 = tpu.memref_slice %arg11[%rem3A_1010, %dma_start3A_1858, %dma_start3A_1859] : memref<3x256x64xf32, #tpu.memory_space<vmem>> -> memref<1x256x64xf32, #tpu.memory_space<vmem>>
      %dma_start3A_1861 = tpu.memref_squeeze %dma_start3A_1860 : memref<1x256x64xf32, #tpu.memory_space<vmem>> -> memref<256x64xf32, #tpu.memory_space<vmem>>
      tpu.enqueue_dma source(%dma_start3A_1861 : memref<256x64xf32, #tpu.memory_space<vmem>>) target(%dma_start3A_1857 : memref<256x64xf32, #tpu.memory_space<hbm>>) target_semaphore(%dma_start3A_1855 : memref<!tpu.dma_semaphore, #tpu.memory_space<semaphore_mem>>)
      %scan3A_1862 = arith.constant 0 : i32
      scf.yield %scan3A_1862 : i32
    }
    %scan3A_861 = arith.constant 24 : i32
    %dma_wait3A_862 = arith.constant 0 : i32
    %dma_wait3A_863 = arith.constant 0 : i32
    %dma_wait3A_864 = arith.constant 0 : i32
    %dma_wait3A_865 = arith.constant 0 : i32
    %dma_wait3A_866 = arith.constant 0 : i32
    %dma_wait3A_867 = arith.constant 0 : i32
    %dma_wait3A_868 = tpu.memref_slice %arg11[%dma_wait3A_864, %dma_wait3A_866, %dma_wait3A_867] : memref<3x256x64xf32, #tpu.memory_space<vmem>> -> memref<1x128x64xf32, #tpu.memory_space<vmem>>
    %dma_wait3A_869 = tpu.memref_squeeze %dma_wait3A_868 : memref<1x128x64xf32, #tpu.memory_space<vmem>> -> memref<128x64xf32, #tpu.memory_space<vmem>>
    %dma_wait3A_870 = arith.constant 0 : i32
    %dma_wait3A_871 = tpu.memref_slice %arg7[%dma_wait3A_862, %dma_wait3A_863, %dma_wait3A_870] : memref<4x2x128xi32, #tpu.memory_space<vmem>> -> memref<1x1x128xi32, #tpu.memory_space<vmem>>
    %dma_wait3A_872 = tpu.memref_squeeze %dma_wait3A_871 : memref<1x1x128xi32, #tpu.memory_space<vmem>> -> memref<128xi32, #tpu.memory_space<vmem>>
    %dma_wait3A_873 = arith.constant 0 : i32
    %dma_wait3A_874 = arith.constant 0 : i32
    %dma_wait3A_875 = tpu.memref_slice %arg4[%dma_wait3A_873, %dma_wait3A_874] : memref<1000000x64xf32, #tpu.memory_space<hbm>> -> memref<1000000x64xf32, #tpu.memory_space<hbm>>
    %dma_wait3A_876 = tpu.memref_slice %arg15[%dma_wait3A_865] : memref<3x!tpu.dma_semaphore, #tpu.memory_space<semaphore_mem>> -> memref<1x!tpu.dma_semaphore, #tpu.memory_space<semaphore_mem>>
    %dma_wait3A_877 = tpu.memref_squeeze %dma_wait3A_876 : memref<1x!tpu.dma_semaphore, #tpu.memory_space<semaphore_mem>> -> memref<!tpu.dma_semaphore, #tpu.memory_space<semaphore_mem>>
    tpu.wait_indirect_dma semaphore(%dma_wait3A_877 : memref<!tpu.dma_semaphore, #tpu.memory_space<semaphore_mem>>) src(%dma_wait3A_875 : memref<1000000x64xf32, #tpu.memory_space<hbm>>) dst(%dma_wait3A_869 : memref<128x64xf32, #tpu.memory_space<vmem>>)
    %dma_wait3A_878 = arith.constant 0 : i32
    %dma_wait3A_879 = arith.constant 0 : i32
    %dma_wait3A_880 = arith.constant 0 : i32
    %dma_wait3A_881 = arith.constant 0 : i32
    %dma_wait3A_882 = arith.constant 128 : i32
    %dma_wait3A_883 = arith.constant 0 : i32
    %dma_wait3A_884 = tpu.memref_slice %arg11[%dma_wait3A_880, %dma_wait3A_882, %dma_wait3A_883] : memref<3x256x64xf32, #tpu.memory_space<vmem>> -> memref<1x128x64xf32, #tpu.memory_space<vmem>>
    %dma_wait3A_885 = tpu.memref_squeeze %dma_wait3A_884 : memref<1x128x64xf32, #tpu.memory_space<vmem>> -> memref<128x64xf32, #tpu.memory_space<vmem>>
    %dma_wait3A_886 = arith.constant 0 : i32
    %dma_wait3A_887 = tpu.memref_slice %arg7[%dma_wait3A_878, %dma_wait3A_879, %dma_wait3A_886] : memref<4x2x128xi32, #tpu.memory_space<vmem>> -> memref<1x1x128xi32, #tpu.memory_space<vmem>>
    %dma_wait3A_888 = tpu.memref_squeeze %dma_wait3A_887 : memref<1x1x128xi32, #tpu.memory_space<vmem>> -> memref<128xi32, #tpu.memory_space<vmem>>
    %dma_wait3A_889 = arith.constant 0 : i32
    %dma_wait3A_890 = arith.constant 0 : i32
    %dma_wait3A_891 = tpu.memref_slice %arg4[%dma_wait3A_889, %dma_wait3A_890] : memref<1000000x64xf32, #tpu.memory_space<hbm>> -> memref<1000000x64xf32, #tpu.memory_space<hbm>>
    %dma_wait3A_892 = tpu.memref_slice %arg15[%dma_wait3A_881] : memref<3x!tpu.dma_semaphore, #tpu.memory_space<semaphore_mem>> -> memref<1x!tpu.dma_semaphore, #tpu.memory_space<semaphore_mem>>
    %dma_wait3A_893 = tpu.memref_squeeze %dma_wait3A_892 : memref<1x!tpu.dma_semaphore, #tpu.memory_space<semaphore_mem>> -> memref<!tpu.dma_semaphore, #tpu.memory_space<semaphore_mem>>
    tpu.wait_indirect_dma semaphore(%dma_wait3A_893 : memref<!tpu.dma_semaphore, #tpu.memory_space<semaphore_mem>>) src(%dma_wait3A_891 : memref<1000000x64xf32, #tpu.memory_space<hbm>>) dst(%dma_wait3A_885 : memref<128x64xf32, #tpu.memory_space<vmem>>)
    %rem3A_894 = arith.constant 24 : i32
    %rem3A_895 = arith.constant 2 : i32
    %rem3A_896 = arith.remsi %rem3A_894, %rem3A_895 : i32
    %dma_wait3A_897 = arith.constant 0 : i32
    %dma_wait3A_898 = arith.constant 0 : i32
    %dma_wait3A_899 = arith.constant 0 : i32
    %dma_wait3A_900 = arith.constant 0 : i32
    %dma_wait3A_901 = tpu.memref_slice %arg12[%rem3A_896, %dma_wait3A_899, %dma_wait3A_900] : memref<2x256x64xf32, #tpu.memory_space<vmem>> -> memref<1x128x64xf32, #tpu.memory_space<vmem>>
    %dma_wait3A_902 = tpu.memref_squeeze %dma_wait3A_901 : memref<1x128x64xf32, #tpu.memory_space<vmem>> -> memref<128x64xf32, #tpu.memory_space<vmem>>
    %dma_wait3A_903 = arith.constant 0 : i32
    %dma_wait3A_904 = tpu.memref_slice %arg9[%dma_wait3A_897, %dma_wait3A_898, %dma_wait3A_903] : memref<4x2x128xi32, #tpu.memory_space<vmem>> -> memref<1x1x128xi32, #tpu.memory_space<vmem>>
    %dma_wait3A_905 = tpu.memref_squeeze %dma_wait3A_904 : memref<1x1x128xi32, #tpu.memory_space<vmem>> -> memref<128xi32, #tpu.memory_space<vmem>>
    %dma_wait3A_906 = arith.constant 0 : i32
    %dma_wait3A_907 = arith.constant 0 : i32
    %dma_wait3A_908 = tpu.memref_slice %arg10[%dma_wait3A_906, %dma_wait3A_907] : memref<1200x64xf32, #tpu.memory_space<vmem_shared>> -> memref<1200x64xf32, #tpu.memory_space<vmem_shared>>
    %dma_wait3A_909 = tpu.memref_slice %arg14[%rem3A_896] : memref<2x!tpu.dma_semaphore, #tpu.memory_space<semaphore_mem>> -> memref<1x!tpu.dma_semaphore, #tpu.memory_space<semaphore_mem>>
    %dma_wait3A_910 = tpu.memref_squeeze %dma_wait3A_909 : memref<1x!tpu.dma_semaphore, #tpu.memory_space<semaphore_mem>> -> memref<!tpu.dma_semaphore, #tpu.memory_space<semaphore_mem>>
    tpu.wait_indirect_dma semaphore(%dma_wait3A_910 : memref<!tpu.dma_semaphore, #tpu.memory_space<semaphore_mem>>) src(%dma_wait3A_908 : memref<1200x64xf32, #tpu.memory_space<vmem_shared>>) dst(%dma_wait3A_902 : memref<128x64xf32, #tpu.memory_space<vmem>>)
    %dma_wait3A_911 = arith.constant 0 : i32
    %dma_wait3A_912 = arith.constant 0 : i32
    %dma_wait3A_913 = arith.constant 128 : i32
    %dma_wait3A_914 = arith.constant 0 : i32
    %dma_wait3A_915 = tpu.memref_slice %arg12[%rem3A_896, %dma_wait3A_913, %dma_wait3A_914] : memref<2x256x64xf32, #tpu.memory_space<vmem>> -> memref<1x128x64xf32, #tpu.memory_space<vmem>>
    %dma_wait3A_916 = tpu.memref_squeeze %dma_wait3A_915 : memref<1x128x64xf32, #tpu.memory_space<vmem>> -> memref<128x64xf32, #tpu.memory_space<vmem>>
    %dma_wait3A_917 = arith.constant 0 : i32
    %dma_wait3A_918 = tpu.memref_slice %arg9[%dma_wait3A_911, %dma_wait3A_912, %dma_wait3A_917] : memref<4x2x128xi32, #tpu.memory_space<vmem>> -> memref<1x1x128xi32, #tpu.memory_space<vmem>>
    %dma_wait3A_919 = tpu.memref_squeeze %dma_wait3A_918 : memref<1x1x128xi32, #tpu.memory_space<vmem>> -> memref<128xi32, #tpu.memory_space<vmem>>
    %dma_wait3A_920 = arith.constant 0 : i32
    %dma_wait3A_921 = arith.constant 0 : i32
    %dma_wait3A_922 = tpu.memref_slice %arg10[%dma_wait3A_920, %dma_wait3A_921] : memref<1200x64xf32, #tpu.memory_space<vmem_shared>> -> memref<1200x64xf32, #tpu.memory_space<vmem_shared>>
    %dma_wait3A_923 = tpu.memref_slice %arg14[%rem3A_896] : memref<2x!tpu.dma_semaphore, #tpu.memory_space<semaphore_mem>> -> memref<1x!tpu.dma_semaphore, #tpu.memory_space<semaphore_mem>>
    %dma_wait3A_924 = tpu.memref_squeeze %dma_wait3A_923 : memref<1x!tpu.dma_semaphore, #tpu.memory_space<semaphore_mem>> -> memref<!tpu.dma_semaphore, #tpu.memory_space<semaphore_mem>>
    tpu.wait_indirect_dma semaphore(%dma_wait3A_924 : memref<!tpu.dma_semaphore, #tpu.memory_space<semaphore_mem>>) src(%dma_wait3A_922 : memref<1200x64xf32, #tpu.memory_space<vmem_shared>>) dst(%dma_wait3A_916 : memref<128x64xf32, #tpu.memory_space<vmem>>)
    %rem3A_925 = arith.constant 24 : i32
    %rem3A_926 = arith.constant 2 : i32
    %rem3A_927 = arith.remsi %rem3A_925, %rem3A_926 : i32
    %parallel_loop3A = arith.constant 0 : i32
    %parallel_loop3A_928 = arith.constant 256 : i32
    %parallel_loop3A_929 = arith.constant 1 : i32
    scf.for %parallel_loop3A_1004 = %parallel_loop3A to %parallel_loop3A_928 step %parallel_loop3A_929  : i32 {
      %parallel_loop3A_1005 = arith.constant 0 : i32
      %parallel_loop3A_1006 = arith.index_cast %parallel_loop3A_1005 : i32 to index
      %parallel_loop3A_1007 = arith.index_cast %parallel_loop3A_1004 : i32 to index
      %parallel_loop3A_1008 = arith.constant 0 : index
      %parallel_loop3A_1009 = tpu.vector_load %arg11[%parallel_loop3A_1006, %parallel_loop3A_1007, %parallel_loop3A_1008] {strides = array<i32>} : memref<3x256x64xf32, #tpu.memory_space<vmem>>, vector<1x1x16xf32>,
      %parallel_loop3A_1010 = vector.shape_cast %parallel_loop3A_1009 : vector<1x1x16xf32> to vector<16xf32>
      %parallel_loop3A_1011 = arith.index_cast %rem3A_927 : i32 to index
      %parallel_loop3A_1012 = arith.index_cast %parallel_loop3A_1004 : i32 to index
      %parallel_loop3A_1013 = arith.constant 0 : index
      %parallel_loop3A_1014 = tpu.vector_load %arg12[%parallel_loop3A_1011, %parallel_loop3A_1012, %parallel_loop3A_1013] {strides = array<i32>} : memref<2x256x64xf32, #tpu.memory_space<vmem>>, vector<1x1x16xf32>,
      %parallel_loop3A_1015 = vector.shape_cast %parallel_loop3A_1014 : vector<1x1x16xf32> to vector<16xf32>
      %parallel_loop3A_1016 = arith.addf %parallel_loop3A_1010, %parallel_loop3A_1015 : vector<16xf32>
      %parallel_loop3A_1017 = arith.constant 0 : i32
      %parallel_loop3A_1018 = arith.index_cast %parallel_loop3A_1017 : i32 to index
      %parallel_loop3A_1019 = arith.index_cast %parallel_loop3A_1004 : i32 to index
      %parallel_loop3A_1020 = arith.constant 0 : index
      %parallel_loop3A_1021 = tpu.vector_load %arg11[%parallel_loop3A_1018, %parallel_loop3A_1019, %parallel_loop3A_1020] {strides = array<i32>} : memref<3x256x64xf32, #tpu.memory_space<vmem>>, vector<1x1x16xf32>,
      %parallel_loop3A_1022 = vector.shape_cast %parallel_loop3A_1021 : vector<1x1x16xf32> to vector<16xf32>
      %parallel_loop3A_1023 = vector.shape_cast %parallel_loop3A_1016 : vector<16xf32> to vector<1x1x16xf32>
      tpu.vector_store %arg11[%parallel_loop3A_1018, %parallel_loop3A_1019, %parallel_loop3A_1020], %parallel_loop3A_1023 {strides = array<i32>} : memref<3x256x64xf32, #tpu.memory_space<vmem>>, vector<1x1x16xf32>,
      %parallel_loop3A_1024 = arith.constant 0 : i32
      %parallel_loop3A_1025 = arith.index_cast %parallel_loop3A_1024 : i32 to index
      %parallel_loop3A_1026 = arith.index_cast %parallel_loop3A_1004 : i32 to index
      %parallel_loop3A_1027 = arith.constant 16 : index
      %parallel_loop3A_1028 = tpu.vector_load %arg11[%parallel_loop3A_1025, %parallel_loop3A_1026, %parallel_loop3A_1027] {strides = array<i32>} : memref<3x256x64xf32, #tpu.memory_space<vmem>>, vector<1x1x16xf32>,
      %parallel_loop3A_1029 = vector.shape_cast %parallel_loop3A_1028 : vector<1x1x16xf32> to vector<16xf32>
      %parallel_loop3A_1030 = arith.index_cast %rem3A_927 : i32 to index
      %parallel_loop3A_1031 = arith.index_cast %parallel_loop3A_1004 : i32 to index
      %parallel_loop3A_1032 = arith.constant 16 : index
      %parallel_loop3A_1033 = tpu.vector_load %arg12[%parallel_loop3A_1030, %parallel_loop3A_1031, %parallel_loop3A_1032] {strides = array<i32>} : memref<2x256x64xf32, #tpu.memory_space<vmem>>, vector<1x1x16xf32>,
      %parallel_loop3A_1034 = vector.shape_cast %parallel_loop3A_1033 : vector<1x1x16xf32> to vector<16xf32>
      %parallel_loop3A_1035 = arith.addf %parallel_loop3A_1029, %parallel_loop3A_1034 : vector<16xf32>
      %parallel_loop3A_1036 = arith.constant 0 : i32
      %parallel_loop3A_1037 = arith.index_cast %parallel_loop3A_1036 : i32 to index
      %parallel_loop3A_1038 = arith.index_cast %parallel_loop3A_1004 : i32 to index
      %parallel_loop3A_1039 = arith.constant 16 : index
      %parallel_loop3A_1040 = tpu.vector_load %arg11[%parallel_loop3A_1037, %parallel_loop3A_1038, %parallel_loop3A_1039] {strides = array<i32>} : memref<3x256x64xf32, #tpu.memory_space<vmem>>, vector<1x1x16xf32>,
      %parallel_loop3A_1041 = vector.shape_cast %parallel_loop3A_1040 : vector<1x1x16xf32> to vector<16xf32>
      %parallel_loop3A_1042 = vector.shape_cast %parallel_loop3A_1035 : vector<16xf32> to vector<1x1x16xf32>
      tpu.vector_store %arg11[%parallel_loop3A_1037, %parallel_loop3A_1038, %parallel_loop3A_1039], %parallel_loop3A_1042 {strides = array<i32>} : memref<3x256x64xf32, #tpu.memory_space<vmem>>, vector<1x1x16xf32>,
      %parallel_loop3A_1043 = arith.constant 0 : i32
      %parallel_loop3A_1044 = arith.index_cast %parallel_loop3A_1043 : i32 to index
      %parallel_loop3A_1045 = arith.index_cast %parallel_loop3A_1004 : i32 to index
      %parallel_loop3A_1046 = arith.constant 32 : index
      %parallel_loop3A_1047 = tpu.vector_load %arg11[%parallel_loop3A_1044, %parallel_loop3A_1045, %parallel_loop3A_1046] {strides = array<i32>} : memref<3x256x64xf32, #tpu.memory_space<vmem>>, vector<1x1x16xf32>,
      %parallel_loop3A_1048 = vector.shape_cast %parallel_loop3A_1047 : vector<1x1x16xf32> to vector<16xf32>
      %parallel_loop3A_1049 = arith.index_cast %rem3A_927 : i32 to index
      %parallel_loop3A_1050 = arith.index_cast %parallel_loop3A_1004 : i32 to index
      %parallel_loop3A_1051 = arith.constant 32 : index
      %parallel_loop3A_1052 = tpu.vector_load %arg12[%parallel_loop3A_1049, %parallel_loop3A_1050, %parallel_loop3A_1051] {strides = array<i32>} : memref<2x256x64xf32, #tpu.memory_space<vmem>>, vector<1x1x16xf32>,
      %parallel_loop3A_1053 = vector.shape_cast %parallel_loop3A_1052 : vector<1x1x16xf32> to vector<16xf32>
      %parallel_loop3A_1054 = arith.addf %parallel_loop3A_1048, %parallel_loop3A_1053 : vector<16xf32>
      %parallel_loop3A_1055 = arith.constant 0 : i32
      %parallel_loop3A_1056 = arith.index_cast %parallel_loop3A_1055 : i32 to index
      %parallel_loop3A_1057 = arith.index_cast %parallel_loop3A_1004 : i32 to index
      %parallel_loop3A_1058 = arith.constant 32 : index
      %parallel_loop3A_1059 = tpu.vector_load %arg11[%parallel_loop3A_1056, %parallel_loop3A_1057, %parallel_loop3A_1058] {strides = array<i32>} : memref<3x256x64xf32, #tpu.memory_space<vmem>>, vector<1x1x16xf32>,
      %parallel_loop3A_1060 = vector.shape_cast %parallel_loop3A_1059 : vector<1x1x16xf32> to vector<16xf32>
      %parallel_loop3A_1061 = vector.shape_cast %parallel_loop3A_1054 : vector<16xf32> to vector<1x1x16xf32>
      tpu.vector_store %arg11[%parallel_loop3A_1056, %parallel_loop3A_1057, %parallel_loop3A_1058], %parallel_loop3A_1061 {strides = array<i32>} : memref<3x256x64xf32, #tpu.memory_space<vmem>>, vector<1x1x16xf32>,
      %parallel_loop3A_1062 = arith.constant 0 : i32
      %parallel_loop3A_1063 = arith.index_cast %parallel_loop3A_1062 : i32 to index
      %parallel_loop3A_1064 = arith.index_cast %parallel_loop3A_1004 : i32 to index
      %parallel_loop3A_1065 = arith.constant 48 : index
      %parallel_loop3A_1066 = tpu.vector_load %arg11[%parallel_loop3A_1063, %parallel_loop3A_1064, %parallel_loop3A_1065] {strides = array<i32>} : memref<3x256x64xf32, #tpu.memory_space<vmem>>, vector<1x1x16xf32>,
      %parallel_loop3A_1067 = vector.shape_cast %parallel_loop3A_1066 : vector<1x1x16xf32> to vector<16xf32>
      %parallel_loop3A_1068 = arith.index_cast %rem3A_927 : i32 to index
      %parallel_loop3A_1069 = arith.index_cast %parallel_loop3A_1004 : i32 to index
      %parallel_loop3A_1070 = arith.constant 48 : index
      %parallel_loop3A_1071 = tpu.vector_load %arg12[%parallel_loop3A_1068, %parallel_loop3A_1069, %parallel_loop3A_1070] {strides = array<i32>} : memref<2x256x64xf32, #tpu.memory_space<vmem>>, vector<1x1x16xf32>,
      %parallel_loop3A_1072 = vector.shape_cast %parallel_loop3A_1071 : vector<1x1x16xf32> to vector<16xf32>
      %parallel_loop3A_1073 = arith.addf %parallel_loop3A_1067, %parallel_loop3A_1072 : vector<16xf32>
      %parallel_loop3A_1074 = arith.constant 0 : i32
      %parallel_loop3A_1075 = arith.index_cast %parallel_loop3A_1074 : i32 to index
      %parallel_loop3A_1076 = arith.index_cast %parallel_loop3A_1004 : i32 to index
      %parallel_loop3A_1077 = arith.constant 48 : index
      %parallel_loop3A_1078 = tpu.vector_load %arg11[%parallel_loop3A_1075, %parallel_loop3A_1076, %parallel_loop3A_1077] {strides = array<i32>} : memref<3x256x64xf32, #tpu.memory_space<vmem>>, vector<1x1x16xf32>,
      %parallel_loop3A_1079 = vector.shape_cast %parallel_loop3A_1078 : vector<1x1x16xf32> to vector<16xf32>
      %parallel_loop3A_1080 = vector.shape_cast %parallel_loop3A_1073 : vector<16xf32> to vector<1x1x16xf32>
      tpu.vector_store %arg11[%parallel_loop3A_1075, %parallel_loop3A_1076, %parallel_loop3A_1077], %parallel_loop3A_1080 {strides = array<i32>} : memref<3x256x64xf32, #tpu.memory_space<vmem>>, vector<1x1x16xf32>,
    } {sc.loop_unroll_factor = 4 : i64, sc.parallel_access}
    %add3A_930 = arith.constant 48 : i32
    %add3A_931 = arith.addi %mul3A_2, %add3A_930 : i32
    %mul3A_932 = arith.constant 128 : i32
    %mul3A_933 = arith.muli %add3A_931, %mul3A_932 : i32
    %dma_start3A_934 = arith.constant 0 : i32
    %dma_start3A_935 = arith.constant 0 : i32
    %dma_start3A_936 = arith.constant 0 : i32
    %dma_start3A_937 = arith.constant 0 : i32
    %dma_start3A_938 = tpu.memref_slice %arg11[%dma_start3A_934, %dma_start3A_936, %dma_start3A_937] : memref<3x256x64xf32, #tpu.memory_space<vmem>> -> memref<1x256x64xf32, #tpu.memory_space<vmem>>
    %dma_start3A_939 = tpu.memref_squeeze %dma_start3A_938 : memref<1x256x64xf32, #tpu.memory_space<vmem>> -> memref<256x64xf32, #tpu.memory_space<vmem>>
    %dma_start3A_940 = arith.constant 0 : i32
    %dma_start3A_941 = tpu.memref_slice %arg6[%mul3A_933, %dma_start3A_940] : memref<204800x64xf32, #tpu.memory_space<hbm>> -> memref<256x64xf32, #tpu.memory_space<hbm>>
    %dma_start3A_942 = tpu.memref_slice %arg16[%dma_start3A_935] : memref<3x!tpu.dma_semaphore, #tpu.memory_space<semaphore_mem>> -> memref<1x!tpu.dma_semaphore, #tpu.memory_space<semaphore_mem>>
    %dma_start3A_943 = tpu.memref_squeeze %dma_start3A_942 : memref<1x!tpu.dma_semaphore, #tpu.memory_space<semaphore_mem>> -> memref<!tpu.dma_semaphore, #tpu.memory_space<semaphore_mem>>
    %dma_start3A_944 = arith.constant 0 : i32
    %dma_start3A_945 = tpu.memref_slice %arg6[%mul3A_933, %dma_start3A_944] : memref<204800x64xf32, #tpu.memory_space<hbm>> -> memref<256x64xf32, #tpu.memory_space<hbm>>
    %dma_start3A_946 = arith.constant 0 : i32
    %dma_start3A_947 = arith.constant 0 : i32
    %dma_start3A_948 = tpu.memref_slice %arg11[%dma_start3A_934, %dma_start3A_946, %dma_start3A_947] : memref<3x256x64xf32, #tpu.memory_space<vmem>> -> memref<1x256x64xf32, #tpu.memory_space<vmem>>
    %dma_start3A_949 = tpu.memref_squeeze %dma_start3A_948 : memref<1x256x64xf32, #tpu.memory_space<vmem>> -> memref<256x64xf32, #tpu.memory_space<vmem>>
    tpu.enqueue_dma source(%dma_start3A_949 : memref<256x64xf32, #tpu.memory_space<vmem>>) target(%dma_start3A_945 : memref<256x64xf32, #tpu.memory_space<hbm>>) target_semaphore(%dma_start3A_943 : memref<!tpu.dma_semaphore, #tpu.memory_space<semaphore_mem>>)
    %dma_wait3A_950 = arith.constant 0 : i32
    %dma_wait3A_951 = arith.constant 0 : i32
    %dma_wait3A_952 = arith.constant 0 : i32
    %dma_wait3A_953 = arith.constant 0 : i32
    %dma_wait3A_954 = tpu.memref_slice %arg11[%dma_wait3A_950, %dma_wait3A_952, %dma_wait3A_953] : memref<3x256x64xf32, #tpu.memory_space<vmem>> -> memref<1x256x64xf32, #tpu.memory_space<vmem>>
    %dma_wait3A_955 = tpu.memref_squeeze %dma_wait3A_954 : memref<1x256x64xf32, #tpu.memory_space<vmem>> -> memref<256x64xf32, #tpu.memory_space<vmem>>
    %dma_wait3A_956 = arith.constant 0 : i32
    %dma_wait3A_957 = arith.constant 0 : i32
    %dma_wait3A_958 = tpu.memref_slice %arg6[%dma_wait3A_956, %dma_wait3A_957] : memref<204800x64xf32, #tpu.memory_space<hbm>> -> memref<256x64xf32, #tpu.memory_space<hbm>>
    %dma_wait3A_959 = tpu.memref_slice %arg16[%dma_wait3A_951] : memref<3x!tpu.dma_semaphore, #tpu.memory_space<semaphore_mem>> -> memref<1x!tpu.dma_semaphore, #tpu.memory_space<semaphore_mem>>
    %dma_wait3A_960 = tpu.memref_squeeze %dma_wait3A_959 : memref<1x!tpu.dma_semaphore, #tpu.memory_space<semaphore_mem>> -> memref<!tpu.dma_semaphore, #tpu.memory_space<semaphore_mem>>
    %dma_wait3A_961 = arith.constant 0 : i32
    %dma_wait3A_962 = arith.constant 0 : i32
    %dma_wait3A_963 = tpu.memref_slice %arg6[%dma_wait3A_961, %dma_wait3A_962] : memref<204800x64xf32, #tpu.memory_space<hbm>> -> memref<256x64xf32, #tpu.memory_space<hbm>>
    %dma_wait3A_964 = arith.constant 0 : i32
    %dma_wait3A_965 = arith.constant 0 : i32
    %dma_wait3A_966 = tpu.memref_slice %arg11[%dma_wait3A_950, %dma_wait3A_964, %dma_wait3A_965] : memref<3x256x64xf32, #tpu.memory_space<vmem>> -> memref<1x256x64xf32, #tpu.memory_space<vmem>>
    %dma_wait3A_967 = tpu.memref_squeeze %dma_wait3A_966 : memref<1x256x64xf32, #tpu.memory_space<vmem>> -> memref<256x64xf32, #tpu.memory_space<vmem>>
    tpu.wait_dma2 semaphore(%dma_wait3A_960 : memref<!tpu.dma_semaphore, #tpu.memory_space<semaphore_mem>>) src(%dma_wait3A_967 : memref<256x64xf32, #tpu.memory_space<vmem>>) dst(%dma_wait3A_963 : memref<256x64xf32, #tpu.memory_space<hbm>>)
    %dma_wait3A_968 = arith.constant 1 : i32
    %dma_wait3A_969 = arith.constant 1 : i32
    %dma_wait3A_970 = arith.constant 0 : i32
    %dma_wait3A_971 = arith.constant 0 : i32
    %dma_wait3A_972 = tpu.memref_slice %arg11[%dma_wait3A_968, %dma_wait3A_970, %dma_wait3A_971] : memref<3x256x64xf32, #tpu.memory_space<vmem>> -> memref<1x256x64xf32, #tpu.memory_space<vmem>>
    %dma_wait3A_973 = tpu.memref_squeeze %dma_wait3A_972 : memref<1x256x64xf32, #tpu.memory_space<vmem>> -> memref<256x64xf32, #tpu.memory_space<vmem>>
    %dma_wait3A_974 = arith.constant 0 : i32
    %dma_wait3A_975 = arith.constant 0 : i32
    %dma_wait3A_976 = tpu.memref_slice %arg6[%dma_wait3A_974, %dma_wait3A_975] : memref<204800x64xf32, #tpu.memory_space<hbm>> -> memref<256x64xf32, #tpu.memory_space<hbm>>
    %dma_wait3A_977 = tpu.memref_slice %arg16[%dma_wait3A_969] : memref<3x!tpu.dma_semaphore, #tpu.memory_space<semaphore_mem>> -> memref<1x!tpu.dma_semaphore, #tpu.memory_space<semaphore_mem>>
    %dma_wait3A_978 = tpu.memref_squeeze %dma_wait3A_977 : memref<1x!tpu.dma_semaphore, #tpu.memory_space<semaphore_mem>> -> memref<!tpu.dma_semaphore, #tpu.memory_space<semaphore_mem>>
    %dma_wait3A_979 = arith.constant 0 : i32
    %dma_wait3A_980 = arith.constant 0 : i32
    %dma_wait3A_981 = tpu.memref_slice %arg6[%dma_wait3A_979, %dma_wait3A_980] : memref<204800x64xf32, #tpu.memory_space<hbm>> -> memref<256x64xf32, #tpu.memory_space<hbm>>
    %dma_wait3A_982 = arith.constant 0 : i32
    %dma_wait3A_983 = arith.constant 0 : i32
    %dma_wait3A_984 = tpu.memref_slice %arg11[%dma_wait3A_968, %dma_wait3A_982, %dma_wait3A_983] : memref<3x256x64xf32, #tpu.memory_space<vmem>> -> memref<1x256x64xf32, #tpu.memory_space<vmem>>
    %dma_wait3A_985 = tpu.memref_squeeze %dma_wait3A_984 : memref<1x256x64xf32, #tpu.memory_space<vmem>> -> memref<256x64xf32, #tpu.memory_space<vmem>>
    tpu.wait_dma2 semaphore(%dma_wait3A_978 : memref<!tpu.dma_semaphore, #tpu.memory_space<semaphore_mem>>) src(%dma_wait3A_985 : memref<256x64xf32, #tpu.memory_space<vmem>>) dst(%dma_wait3A_981 : memref<256x64xf32, #tpu.memory_space<hbm>>)
    %dma_wait3A_986 = arith.constant 2 : i32
    %dma_wait3A_987 = arith.constant 2 : i32
    %dma_wait3A_988 = arith.constant 0 : i32
    %dma_wait3A_989 = arith.constant 0 : i32
    %dma_wait3A_990 = tpu.memref_slice %arg11[%dma_wait3A_986, %dma_wait3A_988, %dma_wait3A_989] : memref<3x256x64xf32, #tpu.memory_space<vmem>> -> memref<1x256x64xf32, #tpu.memory_space<vmem>>
    %dma_wait3A_991 = tpu.memref_squeeze %dma_wait3A_990 : memref<1x256x64xf32, #tpu.memory_space<vmem>> -> memref<256x64xf32, #tpu.memory_space<vmem>>
    %dma_wait3A_992 = arith.constant 0 : i32
    %dma_wait3A_993 = arith.constant 0 : i32
    %dma_wait3A_994 = tpu.memref_slice %arg6[%dma_wait3A_992, %dma_wait3A_993] : memref<204800x64xf32, #tpu.memory_space<hbm>> -> memref<256x64xf32, #tpu.memory_space<hbm>>
    %dma_wait3A_995 = tpu.memref_slice %arg16[%dma_wait3A_987] : memref<3x!tpu.dma_semaphore, #tpu.memory_space<semaphore_mem>> -> memref<1x!tpu.dma_semaphore, #tpu.memory_space<semaphore_mem>>
    %dma_wait3A_996 = tpu.memref_squeeze %dma_wait3A_995 : memref<1x!tpu.dma_semaphore, #tpu.memory_space<semaphore_mem>> -> memref<!tpu.dma_semaphore, #tpu.memory_space<semaphore_mem>>
    %dma_wait3A_997 = arith.constant 0 : i32
    %dma_wait3A_998 = arith.constant 0 : i32
    %dma_wait3A_999 = tpu.memref_slice %arg6[%dma_wait3A_997, %dma_wait3A_998] : memref<204800x64xf32, #tpu.memory_space<hbm>> -> memref<256x64xf32, #tpu.memory_space<hbm>>
    %dma_wait3A_1000 = arith.constant 0 : i32
    %dma_wait3A_1001 = arith.constant 0 : i32
    %dma_wait3A_1002 = tpu.memref_slice %arg11[%dma_wait3A_986, %dma_wait3A_1000, %dma_wait3A_1001] : memref<3x256x64xf32, #tpu.memory_space<vmem>> -> memref<1x256x64xf32, #tpu.memory_space<vmem>>
    %dma_wait3A_1003 = tpu.memref_squeeze %dma_wait3A_1002 : memref<1x256x64xf32, #tpu.memory_space<vmem>> -> memref<256x64xf32, #tpu.memory_space<vmem>>
    tpu.wait_dma2 semaphore(%dma_wait3A_996 : memref<!tpu.dma_semaphore, #tpu.memory_space<semaphore_mem>>) src(%dma_wait3A_1003 : memref<256x64xf32, #tpu.memory_space<vmem>>) dst(%dma_wait3A_999 : memref<256x64xf32, #tpu.memory_space<hbm>>)
    return
  }
}

</mosaic_0001>

<sc_bundles>
// kernel: kernel.3.cloned.1.call-start
scs
__scs_entry_jumppad:
0x0: {  	(pc) =	sbr.rel $0x88, $3  }
0x1: {  	(tag) =	ssettag $0x0;
	lr =	simm.s32 $0x1  }
0x2: {  	[smem:$0x3F9C] =	sst lr;
	_ =	strace $0xD0000000  }
0x3: {  	_ = 	snop  }
0x4: {  	_ = 	snop  }
0x5: {  	_ = 	snop  }
0x6: {  	_ = 	snop  }
0x7: {  	_ = 	snop  }
__scs_overlays_trampoline_lowered:
0x8: {  	[smem:$0x3FAB] =	sst s0  }
0x9: {  	[smem:$0x3FAC] =	sst s1  }
0xa: {  	[smem:$0x3FAD] =	sst s2  }
0xb: {  	[smem:$0x3FAE] =	sst s3  }
0xc: {  	[smem:$0x3FAF] =	sst s4  }
0xd: {  	[smem:$0x3FB0] =	sst s5  }
0xe: {  	[smem:$0x3FB1] =	sst s6  }
0xf: {  	[smem:$0x3FB2] =	sst s7  }
0x10: {  	[smem:$0x3FB3] =	sst s8  }
0x11: {  	[smem:$0x3FB4] =	sst s9;
	s0 =	simm.s32 @!p0 $0x0  }
0x12: {  	s1 =	sld [smem:$0x3F9A];
	s0 =	simm.s32 @p0 $0x1  }
0x13: {  	[smem:$0x3FB5] =	sst s0;
	s0 =	simm.s32 @!p1 $0x0  }
0x14: {  	s2 =	sld [smem:$0x3F99];
	s0 =	simm.s32 @p1 $0x1  }
0x15: {  	[smem:$0x3FB6] =	sst s0;
	s0 =	simm.s32 @!p2 $0x0  }
0x16: {  	s3 =	sld [smem:$0x3FDB];
	s0 =	simm.s32 @p2 $0x1  }
0x17: {  	s4 =	simm.s32 $0x1BF5;
	[smem:$0x3FB8] =	sst s0  }
0x18: {  	s0 =	sld [smem:$0x3F9B];
	_ =	swait.ge [sflag:s4], $0x0  }
0x19: {  	s7 =	sld [smem:$0x3F9C]  }
0x1a: {  	s8 =	sadd.s32 $0xFFFFE003, lr  }
0x1b: {  	s9 =	sadd.s32 $0xFFFFFEF7, lr;
	s5 =	simm.s32 $0xFFFFFFFF;
	p2 =	slt.u32 s8, $0xFFFFF086  }
0x1c: {  	p1 =	slt.u32 s9, $0xF7A;
	s5 =	simm.s32 @!p2 $0x0  }
0x1d: {  	s5 =	simm.s32 @p1 $0x1;
	p0 =	seq.s32 s7, s2  }
0x1e: {  	s7 =	smul.u32 @!p0 $0xF7A, s2;
	p2 =	seq.s32 @!p0 s5, $0x0  }
0x1f: {  	s9 =	smul.u32 $0xF7A, s1;
	s8 =	simm.s32 @!p0 $0x1BF5;
	p2 =	por !p2, p0  }
0x20: {  	[sflag:s8] =	ssyncset.s32 @!p0 $0xFFFFF086;
	s6 =	sadd.s32 @!p0 s3, s7;
	s7 =	simm.s32 @!p0 $0x108  }
0x21: {  	s3 =	sadd.s32 s3, s9;
	s6 =	sadd.s32 @!p0 $0x88, s6;
	s7 =	simm.s32 @p2 $0x1082  }
0x22: {  	[simem:s7], [sflag:s8] =	dma.local @!p0 [hbm:s6], $0xF7A  }
0x23: {  	s9 =	sor.u32 $0xD0000000, s2;
	s6 =	simm.s32 $0x108;
	_ =	swait.ge @!p0 [sflag:s8], $0x0  }
0x24: {  	s3 =	sadd.s32 $0x88, s3;
	s6 =	simm.s32 @!p1 $0x1082;
	[sflag:s4] =	ssyncset.s32 $0xFFFFF086  }
0x25: {  	[simem:s6], [sflag:s4] =	dma.local [hbm:s3], $0xF7A  }
0x26: {  	[smem:$0x3F9C] =	sst s1;
	(tag) =	ssettag s2;
	_ =	strace s9  }
0x27: {  	s1 =	sld [smem:$0x3FAC]  }
0x28: {  	s2 =	sld [smem:$0x3FAD]  }
0x29: {  	s4 =	sld [smem:$0x3FAF]  }
0x2a: {  	p0 =	seq.s32 s5, $0x0;
	s5 =	sld [smem:$0x3FB0]  }
0x2b: {  	s6 =	sld [smem:$0x3FB1]  }
0x2c: {  	s7 =	sld [smem:$0x3FB2]  }
0x2d: {  	s3 =	simm.s32 $0x108;
	s8 =	sld [smem:$0x3FB3]  }
0x2e: {  	s3 =	simm.s32 @!p0 $0x1082;
	s9 =	sld [smem:$0x3FB4]  }
0x2f: {  	lr =	sadd.s32 s0, s3;
	s0 =	sld [smem:$0x3FAB]  }
0x30: {  	s3 =	sld [smem:$0x3FAE]  }
0x31: {  	[smem:$0x3FB7] =	sst s10  }
0x32: {  	s10 =	sld [smem:$0x3FB5];
	_ =	sdelay $0x3  }
0x33: {  	p0 =	seq.s32 s10, $0x1;
	s10 =	sld [smem:$0x3FB7];
	_ =	sdelay $0x3  }
0x34: {  	[smem:$0x3FB7] =	sst s10  }
0x35: {  	s10 =	sld [smem:$0x3FB6];
	_ =	sdelay $0x3  }
0x36: {  	p1 =	seq.s32 s10, $0x1;
	s10 =	sld [smem:$0x3FB7];
	_ =	sdelay $0x3  }
0x37: {  	[smem:$0x3FB7] =	sst s10  }
0x38: {  	s10 =	sld [smem:$0x3FB8]  }
0x39: {  	_ = 	snop;
	(pc) =	sbr.ind lr, $3  }
0x3a: {  	_ = 	snop  }
0x3b: {  	_ = 	snop  }
0x3c: {  	p2 =	seq.s32 s10, $0x1;
	s10 =	sld [smem:$0x3FB7]  }
0x3d: {  	_ =	shalt  }
0x3e: {  	_ =	shalt  }
0x3f: {  	_ =	shalt  }
0x40: {  	_ =	shalt  }
0x41: {  	_ =	shalt  }
0x42: {  	_ =	shalt  }
0x43: {  	_ =	shalt  }
0x44: {  	_ =	shalt  }
0x45: {  	_ =	shalt  }
0x46: {  	_ =	shalt  }
0x47: {  	_ =	shalt  }
0x48: {  	_ =	shalt  }
0x49: {  	_ =	shalt  }
0x4a: {  	_ =	shalt  }
0x4b: {  	_ =	shalt  }
0x4c: {  	_ =	shalt  }
0x4d: {  	_ =	shalt  }
0x4e: {  	_ =	shalt  }
0x4f: {  	_ =	shalt  }
0x50: {  	_ =	shalt  }
0x51: {  	_ =	shalt  }
0x52: {  	_ =	shalt  }
0x53: {  	_ =	shalt  }
0x54: {  	_ =	shalt  }
0x55: {  	_ =	shalt  }
0x56: {  	_ =	shalt  }
0x57: {  	_ =	shalt  }
0x58: {  	_ =	shalt  }
0x59: {  	_ =	shalt  }
0x5a: {  	_ =	shalt  }
0x5b: {  	_ =	shalt  }
0x5c: {  	_ =	shalt  }
0x5d: {  	_ =	shalt  }
0x5e: {  	_ =	shalt  }
0x5f: {  	_ =	shalt  }
0x60: {  	_ =	shalt  }
0x61: {  	_ =	shalt  }
0x62: {  	_ =	shalt  }
0x63: {  	_ =	shalt  }
0x64: {  	_ =	shalt  }
0x65: {  	_ =	shalt  }
0x66: {  	_ =	shalt  }
0x67: {  	_ =	shalt  }
0x68: {  	_ =	shalt  }
0x69: {  	_ =	shalt  }
0x6a: {  	_ =	shalt  }
0x6b: {  	_ =	shalt  }
0x6c: {  	_ =	shalt  }
0x6d: {  	_ =	shalt  }
0x6e: {  	_ =	shalt  }
0x6f: {  	_ =	shalt  }
0x70: {  	_ =	shalt  }
0x71: {  	_ =	shalt  }
0x72: {  	_ =	shalt  }
0x73: {  	_ =	shalt  }
0x74: {  	_ =	shalt  }
0x75: {  	_ =	shalt  }
0x76: {  	_ =	shalt  }
0x77: {  	_ =	shalt  }
0x78: {  	_ =	shalt  }
0x79: {  	_ =	shalt  }
0x7a: {  	_ =	shalt  }
0x7b: {  	_ =	shalt  }
0x7c: {  	_ =	shalt  }
0x7d: {  	_ =	shalt  }
0x7e: {  	_ =	shalt  }
0x7f: {  	_ =	shalt  }
0x80: {  	_ =	shalt  }
0x81: {  	_ =	shalt  }
0x82: {  	_ =	shalt  }
0x83: {  	_ =	shalt  }
0x84: {  	_ =	shalt  }
0x85: {  	_ =	shalt  }
0x86: {  	_ =	shalt  }
0x87: {  	_ =	shalt  }
.Lfunc_end0:
.L_simem_size_0:
called_computation.1_lowered:
.L_overlay_start_0:
0x88: {  	s2 =	sld [smem:$0x3FD9]  }
0x89: {  	s3 =	sld [smem:$0x3FFE];
	_ =	sdelay $0x1  }
0x8a: {  	s1 =	srdreg.scid  }
0x8b: {  	s0 =	sand.u32 $0x1, s1  }
0x8c: {  	s17 =	sshll.u32 s0, $0xA;
	s2 =	sadd.s32 s3, s2  }
0x8d: {  	s2 =	sadd.s32 s2, s17  }
0x8e: {  	[smem:$0x3FC3] =	sst s2  }
0x8f: {  	_ = 	snop  }
0x90: {  	s2 =	sld [smem:$0x3FD0];
	(tm) =	ssettm $0x1  }
0x91: {  	s18 =	sld [smem:$0x3FFB];
	_ =	sdelay $0x3  }
0x92: {  	_ =	strace s18  }
0x93: {  	s3 =	sld [smem:$0x3FFC];
	_ =	sdelay $0x3  }
0x94: {  	_ =	strace s3  }
0x95: {  	s3 =	sld [smem:$0x3FFD];
	_ =	sdelay $0x3  }
0x96: {  	_ =	strace s3  }
0x97: {  	_ =	strace $0x8FFFFFFF  }
0x98: {  	s19 =	sld [smem:$0x3FDB];
	_ =	sdelay $0x1  }
0x99: {  	s4 =	simm.s32 $_scs_section_size  }
0x9a: {  	s5 =	simm.s32 $_size__tile_overlayer_lowered;
	s6 =	simm.s32 $_tile_overlayer_lowered  }
0x9b: {  	s22 =	simm.s32 $0x1BFF;
	s21 =	sshll.u32 s6, $0x1;
	s3 =	sadd.s32 s4, s19  }
0x9c: {  	s7 =	simm.s32 $0x0;
	s20 =	sshll.u32 s5, $0x1;
	s5 =	sadd.s32 s21, s3  }
0x9d: {  	[timem:s7], [sflag:s22] =	dma.local [hbm:s5], s20  }
0x9e: {  	_ =	swait.ge [sflag:s22], s20  }
0x9f: {  	s4 =	ssub.s32 $0x0, s20;
	[sflag:s22] =	ssyncset.done $0x0  }
0xa0: {  	[sflag:s22] =	ssyncadd.s32 s4;
	_ =	sdelay $0x1  }
0xa1: {  	s23 =	simm.s32 $0x1B8B  }
0xa2: {  	_ =	swait.ge [sflag:s23], $0x1  }
0xa3: {  	[sflag:s23] =	ssyncset.done $0x0  }
0xa4: {  	s25 =	simm.s32 $0x1B8E;
	s24 =	sld [smem:$0x3FFE];
	[sflag:s23] =	ssyncadd.s32 $0xFFFFFFFF  }
0xa5: {  	s26 =	simm.s32 $execute0_lowered;
	[smem:$0x3FD2] =	sst s25  }
0xa6: {  	s5 =	sshll.u32 s26, $0x1;
	_ =	strace $0x80000046;
	[dreg:$0x1] =	wrdreg $0xFFFFFFFF  }
0xa7: {  	s28 =	simm.s32 $_size_execute0_lowered;
	s3 =	sadd.s32 s3, s5;
	[dreg:$0x0] =	wrdreg $0x0  }
0xa8: {  	s5 =	sshll.u32 s28, $0x1;
	[dreg:$0x2] =	wrdreg s3  }
0xa9: {  	[dreg:$0x3] =	wrdreg s5  }
0xaa: {  	[dreg:$0x4] =	wrdreg $0xC0  }
0xab: {  	_ =	task [dreg:s7], $0x5FFFF  }
0xac: {  	[dreg:$0x1] =	wrdreg $0xFFFFFFFF  }
0xad: {  	[dreg:$0x0] =	wrdreg $0x60  }
0xae: {  	[dreg:$0x2] =	wrdreg s24  }
0xaf: {  	[dreg:$0x3] =	wrdreg s2  }
0xb0: {  	[dreg:$0x4] =	wrdreg $0xC000  }
0xb1: {  	[dreg:$0x5] =	wrdreg $0x9  }
0xb2: {  	_ =	task.clear_ibuf [dreg:s7], $0x6FFFF;
	_ =	strace $0x90000046  }
0xb3: {  	s29 =	simm.s32 $0x9;
	_ =	strace $0x80000048  }
0xb4: {  	_ =	swait.ge [sflag:s29], $0x1  }
0xb5: {  	[sflag:s29] =	ssyncadd.s32 $0xFFFFFFFF  }
0xb6: {  	_ =	strace $0x90000048  }
0xb7: {  	_ =	sfence  }
0xb8: {  	s30 =	sld [smem:$0x0];
	_ =	sdelay $0x2  }
0xb9: {  	s31 =	sshll.u32 s1, $0xD;
	s1 =	sshrl.u32 s1, $0x2  }
0xba: {  	s3 =	sand.u32 $0x4000, s31;
	s1 =	sadd.s32 s1, s30  }
0xbb: {  	s0 =	sor.u32 s3, s0;
	s1 =	sshll.u32 s1, $0x11  }
0xbc: {  	s0 =	sor.u32 s1, s0  }
0xbd: {  	s0 =	sadd.s32 $0x8F2B, s0  }
0xbe: {  	[sflag:s0] =	ssyncadd.remote.s32 $0x1  }
0xbf: {  	_ =	sfence.sel $0xFFFF  }
0xc0: {  	[dreg:$0x0] =	wrdreg $0xFFFFFFFF;
	(pc) =	sbr.abs _section_cstart, $3  }
0xc1: {  	[dreg:$0x1] =	wrdreg $0xFFFFFFFF  }
0xc2: {  	_ =	task.clear_ibuf [dreg:s7], $0x2FFFF;
	_ =	strace $0x9FFFFFFF  }
0xc3: {  	(tm) =	ssettm $0x7FFFFFFF  }
tec
execute0_lowered:
.L_overlay_start_1:
0x0: {  	(tag) =	ssettag $0x1  }
0x1: {  	s0 =	srdreg.scid;
	s2 =	stileid.u32  }
0x2: {  	s7 =	sand.u32 $0x1, s0;
	s11 =	sshll.u32 s2, $0x1  }
0x3: {  	s8 =	sor.u32 s7, s11  }
0x4: {  	s0 =	smul.u32 $0x1900, s8  }
0x5: {  	v0 =	vlaneseq.u32  }
0x6: {  	v1 =	vor.u32 s0, v0;
	s1 =	sor.u32 $0x10, s0  }
0x7: {  	s12 =	sor.u32 $0x20, s0;
	s13 =	sor.u32 $0x30, s0;
	v2 =	vmulhi.u32 $0x51EB851F, v1;
	v3 =	vor.u32 s1, v0  }
0x8: {  	s14 =	sor.u32 $0x70, s0;
	s26 =	sor.u32 $0xE0, s0;
	v5 =	vor.u32 s12, v0;
	v7 =	vor.u32 s13, v0;
	v4 =	vmulhi.u32 $0x51EB851F, v3  }
0x9: {  	v11 =	vor.u32 s14, v0;
	v19 =	vor.u32 s26, v0;
	v6 =	vmulhi.u32 $0x51EB851F, v5  }
0xa: {  	v8 =	vmulhi.u32 $0x51EB851F, v7;
	v2 =	vshrl.u32 v2, $0x6;
	v4 =	vshrl.u32 v4, $0x6  }
0xb: {  	s4 =	sor.u32 $0x50, s0;
	s5 =	sor.u32 $0x60, s0;
	v12 =	vmulhi.u32 $0x51EB851F, v11;
	v2 =	vmul.u32 $0xC8, v2;
	v4 =	vmul.u32 $0xC8, v4  }
0xc: {  	v9 =	vor.u32 s4, v0;
	v10 =	vor.u32 s5, v0;
	v20 =	vmulhi.u32 $0x51EB851F, v19  }
0xd: {  	s3 =	sor.u32 $0x40, s0;
	v1 =	vsub.s32 v1, v2;
	v2 =	vsub.s32 v3, v4;
	v3 =	vshrl.u32 v6, $0x6  }
0xe: {  	s15 =	sor.u32 $0x90, s0;
	v4 =	vshrl.u32 v8, $0x6;
	v6 =	vor.u32 s3, v0;
	v3 =	vmul.u32 $0xC8, v3  }
0xf: {  	s24 =	sor.u32 $0xC0, s0;
	v16 =	vor.u32 s15, v0;
	v4 =	vmul.u32 $0xC8, v4;
	v8 =	vmulhi.u32 $0x51EB851F, v6  }
0x10: {  	s29 =	sor.u32 $0xF0, s0;
	v17 =	vor.u32 s24, v0;
	v3 =	vsub.s32 v5, v3;
	v5 =	vmulhi.u32 $0x51EB851F, v9  }
0x11: {  	s9 =	rddreg [dreg:$0x0];
	s31 =	simm.s32 $0x1;
	v21 =	vor.u32 s29, v0;
	v4 =	vsub.s32 v7, v4;
	v7 =	vmulhi.u32 $0x51EB851F, v10  }
0x12: {  	s6 =	sadd.s32 $0xF45800, s9;
	p0 =	sne.s32 s2, $0x0;
	s2 =	simm.s32 $0x7;
	v22 =	vmulhi.u32 $0x51EB851F, v21;
	v8 =	vshrl.u32 v8, $0x6;
	v5 =	vshrl.u32 v5, $0x6  }
0x13: {  	s11 =	ssub.s32 $0x2, s7;
	s7 =	sadd.s32 $0xE00, s9;
	s10 =	sor.u32 $0x80, s0;
	v8 =	vmul.u32 $0xC8, v8;
	v13 =	vmul.u32 $0xC8, v5;
	v5 =	vshrl.u32 v7, $0x6  }
0x14: {  	s16 =	sshrl.u32 s11, $0x1;
	s18 =	sshrl.u32 s0, $0x3;
	s21 =	sor.u32 $0xA0, s0;
	v7 =	vmul.u32 $0xC8, v5;
	v5 =	vshrl.u32 v12, $0x6;
	v12 =	vor.u32 s10, v0  }
0x15: {  	s22 =	sor.u32 $0xB0, s0;
	s25 =	sor.u32 $0xD0, s0;
	s1 =	rddreg [dreg:$0x1];
	v20 =	vshrl.u32 v20, $0x6;
	v14 =	vmul.u32 $0xC8, v5;
	v15 =	vmulhi.u32 $0x51EB851F, v12  }
0x16: {  	s4 =	simm.s32 $0x0;
	s5 =	sadd.s32 $0x7200, s9;
	s12 =	smul.u32 $0x320, s8;
	v5 =	vsub.s32 v6, v8;
	v6 =	vsub.s32 v9, v13;
	v9 =	vmulhi.u32 $0x51EB851F, v16  }
0x17: {  	s9 =	sadd.s32 $0xF43200, s9;
	s20 =	sadd.s32 $0x20, s18;
	[smem:$0x7FF] =	sst s4;
	v7 =	vsub.s32 v10, v7;
	v8 =	vsub.s32 v11, v14;
	v10 =	vshrl.u32 v15, $0x6  }
0x18: {  	s24 =	simm.s32 $0xC;
	s13 =	sadd.s32 s5, s20;
	s3 =	rddreg [dreg:$0x2];
	v9 =	vshrl.u32 v9, $0x6;
	v11 =	vor.u32 s21, v0;
	v10 =	vmul.u32 $0xC8, v10  }
0x19: {  	s17 =	sadd.s32 s5, s12;
	_ =	strace $0x80000047;
	[dreg:$0x4] =	wrdreg s9;
	v15 =	vor.u32 s22, v0;
	v13 =	vmul.u32 $0xC8, v9;
	v14 =	vmulhi.u32 $0x51EB851F, v11  }
0x1a: {  	s19 =	sadd.s32 s7, s12;
	s12 =	smul.u32 $0x64000, s8;
	v22 =	vshrl.u32 v22, $0x6;
	[dreg:$0x5] =	wrdreg s17;
	v9 =	vsub.s32 v12, v10;
	v12 =	vmulhi.u32 $0x51EB851F, v15  }
0x1b: {  	s23 =	sadd.s32 s7, s20;
	s20 =	simm.s32 $0x1EC0;
	[dreg:$0x6] =	wrdreg s19;
	v10 =	vsub.s32 v16, v13;
	v13 =	vmulhi.u32 $0x51EB851F, v17;
	v16 =	vor.u32 s25, v0  }
0x1c: {  	s28 =	sshrl.u32 s12, $0x3;
	v20 =	vmul.u32 $0xC8, v20;
	s9 =	ssub.s32 s11, s16;
	[dreg:$0x7] =	wrdreg s13;
	v14 =	vshrl.u32 v14, $0x6;
	v18 =	vmulhi.u32 $0x51EB851F, v16  }
0x1d: {  	[dreg:$0x8] =	wrdreg s23;
	s13 =	sadd.s32 s1, s28;
	s10 =	sadd.s32 $0x40, s18;
	v14 =	vmul.u32 $0xC8, v14;
	v12 =	vshrl.u32 v12, $0x6;
	v13 =	vshrl.u32 v13, $0x6  }
0x1e: {  	s19 =	simm.s32 $0x5;
	s23 =	simm.s32 $0xB;
	s14 =	sadd.s32 s5, s10;
	v12 =	vmul.u32 $0xC8, v12;
	v13 =	vmul.u32 $0xC8, v13;
	v18 =	vshrl.u32 v18, $0x6  }
0x1f: {  	v22 =	vmul.u32 $0xC8, v22;
	s16 =	sadd.s32 $0xC000, s13;
	s30 =	sadd.s32 s7, s10;
	[dreg:$0x9] =	wrdreg s14;
	v11 =	vsub.s32 v11, v14;
	v18 =	vmul.u32 $0xC8, v18  }
0x20: {  	s17 =	smax.u32 s9, $0x1;
	s18 =	sshrl.u32 @!p0 s3, $0x3;
	[dreg:$0xa] =	wrdreg s30;
	v12 =	vsub.s32 v15, v12;
	v13 =	vsub.s32 v17, v13;
	v15 =	vsub.s32 v19, v20  }
0x21: {  	s22 =	simm.s32 $0x80;
	s21 =	simm.s32 $0xA;
	s25 =	simm.s32 $0x0;
	v17 =	vimm.s32 $0x0;
	v14 =	vsub.s32 v16, v18;
	v16 =	vsub.s32 v21, v22  }
.LBB2_1:
0x22: {  	s8 =	simm.s32 @!p0 $0x1C0D;
	s9 =	rddreg [dreg:$0x4]  }
0x23: {  	[spmem:s18], [sflag:s8] =	dma.local @!p0 [hbm:s9], $0x2580  }
0x24: {  	s8 =	simm.s32 @!p0 $0xD  }
0x25: {  	_ =	swait.ge @!p0 [sflag:s8], $0x2580  }
0x26: {  	[sflag:s8] =	ssyncset.done @!p0 $0x0  }
0x27: {  	[sflag:s8] =	ssyncadd.s32 @!p0 $0xFFFFDA80  }
0x28: {  	[bflag:$0x0] =	sbarrier.arrive $0xFFFF  }
0x29: {  	s9 =	rddreg [dreg:$0x5]  }
0x2a: {  	[tilespmem:s4], [sflag:$0x1] =	stream.linear.gather [hbm4b:s9+s4], $0x100, $0x38;
	[tilespmem:$0x15EC0] =	vst v63  }
0x2b: {  	s11 =	simm.s32 $0x400;
	s10 =	rddreg [dreg:$0x6]  }
0x2c: {  	[tilespmem:s11], [sflag:$0x1] =	stream.linear.gather [hbm4b:s10+s4], $0x100, $0x38;
	[tilespmem:$0x15EC0] =	vst v63  }
0x2d: {  	s14 =	simm.s32 $0x100;
	s13 =	rddreg [dreg:$0x7]  }
0x2e: {  	[tilespmem:s14], [sflag:$0x2] =	stream.linear.gather [hbm4b:s13+s4], $0x100, $0x38;
	[tilespmem:$0x15EC0] =	vst v63  }
0x2f: {  	s26 =	simm.s32 $0x500;
	s15 =	rddreg [dreg:$0x8]  }
0x30: {  	[tilespmem:s26], [sflag:$0x2] =	stream.linear.gather [hbm4b:s15+s4], $0x100, $0x38;
	[tilespmem:$0x15EC0] =	vst v63  }
0x31: {  	_ =	swait.ge [sflag:s31], $0x100  }
0x32: {  	[sflag:s31] =	ssyncset.done $0x0  }
0x33: {  	[sflag:s31] =	ssyncadd.s32 $0xFFFFFF00  }
0x34: {  	_ =	swait.ge [sflag:s31], $0x100  }
0x35: {  	[sflag:s31] =	ssyncset.done $0x0  }
0x36: {  	[sflag:s31] =	ssyncadd.s32 $0xFFFFFF00  }
0x37: {  	[tilespmem:s20], [sflag:$0x7] =	stream.indirect.gather [hbm4b:s6+s22], $0x40, s4, s22, $0xb8;
	[tilespmem:$0x15EC0] =	vst v63  }
0x38: {  	s30 =	simm.s32 $0x3EC0  }
0x39: {  	[tilespmem:s30], [sflag:$0x7] =	stream.indirect.gather [hbm4b:s6+s22], $0x40, s22, s22, $0xb8;
	[tilespmem:$0x15EC0] =	vst v63  }
0x3a: {  	v18 =	vld [tilespmem:$0x0]  }
0x3b: {  	v19 =	vld [tilespmem:$0x400]  }
0x3c: {  	v20 =	vld [tilespmem:$0x10]  }
0x3d: {  	v21 =	vld [tilespmem:$0x410]  }
0x3e: {  	v22 =	vld [tilespmem:$0x20]  }
0x3f: {  	v23 =	vld [tilespmem:$0x420]  }
0x40: {  	v24 =	vld [tilespmem:$0x30]  }
0x41: {  	v25 =	vld [tilespmem:$0x430]  }
0x42: {  	v26 =	vld [tilespmem:$0x40]  }
0x43: {  	v27 =	vld [tilespmem:$0x440]  }
0x44: {  	v28 =	vld [tilespmem:$0x50]  }
0x45: {  	v30 =	vld [tilespmem:$0x60]  }
0x46: {  	v54 =	vld [tilespmem:$0x460]  }
0x47: {  	v31 =	vld [tilespmem:$0x70]  }
0x48: {  	v57 =	vld [tilespmem:$0x470]  }
0x49: {  	v59 =	vld [tilespmem:$0x80]  }
0x4a: {  	v33 =	vld [tilespmem:$0x480]  }
0x4b: {  	v60 =	vld [tilespmem:$0x90]  }
0x4c: {  	v62 =	vld [tilespmem:$0x490]  }
0x4d: {  	v63 =	vld [tilespmem:$0xA0]  }
0x4e: {  	v37 =	vld [tilespmem:$0x4A0]  }
0x4f: {  	v35 =	vld [tilespmem:$0xB0];
	v19 =	vmul.u32 $0xC8, v19  }
0x50: {  	v38 =	vld [tilespmem:$0x4B0];
	vm0 =	veq.s32 v18, $0x0;
	v21 =	vmul.u32 $0xC8, v21;
	vm13 =	veq.s32 v20, $0x0  }
0x51: {  	v41 =	vld [tilespmem:$0xC0];
	v23 =	vmul.u32 $0xC8, v23;
	vm14 =	veq.s32 v22, $0x0;
	v56 =	vmul.u32 $0xC8, v25  }
0x52: {  	v43 =	vld [tilespmem:$0x4C0];
	vm15 =	veq.s32 v24, $0x0;
	v27 =	vmul.u32 $0xC8, v27;
	vm4 =	veq.s32 v26, $0x0  }
0x53: {  	v52 =	vld [tilespmem:$0x4E0];
	vm5 =	veq.s32 v28, $0x0;
	v20 =	vmul.u32 $0xC8, v54;
	vm6 =	veq.s32 v30, $0x0  }
0x54: {  	v25 =	vmul.u32 $0xC8, v57;
	vm7 =	veq.s32 v31, $0x0;
	v40 =	vmul.u32 $0xC8, v33  }
0x55: {  	vm8 =	veq.s32 v59, $0x0;
	v42 =	vmul.u32 $0xC8, v62;
	vm9 =	veq.s32 v60, $0x0  }
0x56: {  	v30 =	vmul.u32 $0xC8, v37;
	vm10 =	veq.s32 v63, $0x0;
	v51 =	vmul.u32 $0xC8, v38  }
0x57: {  	vm11 =	veq.s32 v35, $0x0;
	v53 =	vmul.u32 $0xC8, v43;
	vm12 =	veq.s32 v41, $0x0  }
0x58: {  	v60 =	vmul.u32 $0xC8, v52;
	v29 =	vsel vm0, $0x258, v17;
	v55 =	vsel vm13, $0x258, v17  }
0x59: {  	v58 =	vsel vm14, $0x258, v17;
	v32 =	vsel vm15, $0x258, v17;
	v61 =	vsel vm4, $0x258, v17  }
0x5a: {  	v36 =	vsel vm5, $0x258, v17;
	v34 =	vsel vm6, $0x258, v17;
	v19 =	vadd.s32 v1, v19  }
0x5b: {  	v46 =	vld [tilespmem:$0xD0];
	v39 =	vsel vm7, $0x258, v17;
	v21 =	vadd.s32 v2, v21;
	v19 =	vadd.s32 v29, v19  }
0x5c: {  	v18 =	vld [tilespmem:$0x450];
	v45 =	vsel vm8, $0x258, v17;
	v23 =	vadd.s32 v3, v23;
	v21 =	vadd.s32 v55, v21;
	[tilespmem:$0x800] =	vst v19  }
0x5d: {  	v49 =	vld [tilespmem:$0xE0];
	v47 =	vsel vm9, $0x258, v17;
	v22 =	vadd.s32 v4, v56;
	v23 =	vadd.s32 v58, v23;
	[tilespmem:$0x810] =	vst v21  }
0x5e: {  	v50 =	vsel vm10, $0x258, v17;
	v27 =	vadd.s32 v5, v27;
	v22 =	vadd.s32 v32, v22;
	[tilespmem:$0x820] =	vst v23  }
0x5f: {  	v57 =	vsel vm12, $0x258, v17;
	v20 =	vadd.s32 v7, v20;
	v27 =	vadd.s32 v61, v27;
	[tilespmem:$0x830] =	vst v22  }
0x60: {  	v48 =	vld [tilespmem:$0x4D0];
	vm13 =	veq.s32 v46, $0x0;
	v44 =	vadd.s32 v9, v40;
	v20 =	vadd.s32 v34, v20;
	[tilespmem:$0x840] =	vst v27  }
0x61: {  	v19 =	vadd.s32 v8, v25;
	v23 =	vadd.s32 v45, v44;
	[tilespmem:$0x860] =	vst v20;
	v18 =	vmul.u32 $0xC8, v18  }
0x62: {  	v54 =	vld [tilespmem:$0x4F0];
	vm14 =	veq.s32 v49, $0x0;
	v21 =	vadd.s32 v10, v42;
	v19 =	vadd.s32 v39, v19;
	[tilespmem:$0x880] =	vst v23  }
0x63: {  	v56 =	vld [tilespmem:$0xF0];
	v59 =	vsel vm13, $0x258, v17;
	v21 =	vadd.s32 v47, v21;
	[tilespmem:$0x870] =	vst v19;
	v18 =	vadd.s32 v6, v18  }
0x64: {  	v55 =	vsel vm11, $0x258, v17;
	v19 =	vadd.s32 v12, v51;
	[tilespmem:$0x890] =	vst v21;
	v18 =	vadd.s32 v36, v18  }
0x65: {  	v58 =	vmul.u32 $0xC8, v48;
	v19 =	vadd.s32 v55, v19;
	[tilespmem:$0x850] =	vst v18;
	v18 =	vadd.s32 v11, v30  }
0x66: {  	v62 =	vadd.s32 v15, v60;
	v20 =	vadd.s32 v13, v53;
	[tilespmem:$0x8B0] =	vst v19;
	v18 =	vadd.s32 v50, v18  }
0x67: {  	v20 =	vadd.s32 v57, v20;
	v19 =	vmul.u32 $0xC8, v54;
	[tilespmem:$0x8A0] =	vst v18;
	v18 =	vadd.s32 v14, v58  }
0x68: {  	v61 =	vsel vm14, $0x258, v17;
	[tilespmem:$0x8C0] =	vst v20;
	vm15 =	veq.s32 v56, $0x0;
	v18 =	vadd.s32 v59, v18  }
0x69: {  	v63 =	vsel vm15, $0x258, v17;
	v19 =	vadd.s32 v16, v19;
	[tilespmem:$0x8D0] =	vst v18;
	v18 =	vadd.s32 v61, v62  }
0x6a: {  	[tilespmem:$0x8E0] =	vst v18;
	v18 =	vadd.s32 v63, v19  }
0x6b: {  	s9 =	simm.s32 $0x800;
	s10 =	simm.s32 $0xDEC0;
	[tilespmem:$0x8F0] =	vst v18  }
0x6c: {  	[tilespmem:s10], [sflag:$0x5] =	stream.indirect.gather [spmem:s3], $0x40, s9, s22, $0xb8;
	[tilespmem:$0x15EC0] =	vst v63  }
0x6d: {  	s11 =	simm.s32 $0x880;
	s13 =	simm.s32 $0xFEC0  }
0x6e: {  	[tilespmem:s13], [sflag:$0x5] =	stream.indirect.gather [spmem:s3], $0x40, s11, s22, $0xb8;
	[tilespmem:$0x15EC0] =	vst v63  }
0x6f: {  	s15 =	simm.s32 $0x200;
	s14 =	rddreg [dreg:$0x9]  }
0x70: {  	[tilespmem:s15], [sflag:$0x3] =	stream.linear.gather [hbm4b:s14+s4], $0x100, $0x38;
	[tilespmem:$0x15EC0] =	vst v63  }
0x71: {  	p1 =	por $0x0, $0x0;
	s26 =	rddreg [dreg:$0xa];
	s30 =	simm.s32 $0x600  }
0x72: {  	[tilespmem:s30], [sflag:$0x3] =	stream.linear.gather [hbm4b:s26+s4], $0x100, $0x38;
	[tilespmem:$0x15EC0] =	vst v63  }
0x73: {  	s28 =	simm.s32 $0x1EC0;
	s29 =	simm.s32 $0x1;
	s26 =	simm.s32 $0x0  }
.LBB2_2:
0x74: {  	s8 =	smul.u32 $0xAB, s29  }
0x75: {  	s9 =	sand.u32 $0x3, s29  }
0x76: {  	s10 =	sadd.s32 $0x1, s9;
	s8 =	sshrl.u32 s8, $0x9  }
0x77: {  	_ =	swait.ge [sflag:s10], $0x100;
	s8 =	sand.u32 $0x7F, s8  }
0x78: {  	[sflag:s10] =	ssyncset.done $0x0;
	s8 =	smul.u32 $0x3, s8  }
0x79: {  	[sflag:s10] =	ssyncadd.s32 $0xFFFFFF00  }
0x7a: {  	_ =	swait.ge [sflag:s10], $0x100;
	s8 =	ssub.s32 s29, s8  }
0x7b: {  	p2 =	slt.u32 s29, $0x3;
	[sflag:s10] =	ssyncset.done $0x0;
	s8 =	sand.u32 $0xFF, s8  }
0x7c: {  	[sflag:s10] =	ssyncadd.s32 $0xFFFFFF00;
	s10 =	sadd.s32 @!p2 $0xA, s8  }
0x7d: {  	s14 =	sshll.u32 s29, $0x8;
	s30 =	sshll.u32 s9, $0x8;
	_ =	swait.ge @!p2 [sflag:s10], $0x4000  }
0x7e: {  	s15 =	sshll.u32 s8, $0xE;
	s13 =	sadd.s32 $0x7, s8;
	[sflag:s10] =	ssyncset.done @!p2 $0x0  }
0x7f: {  	s8 =	sadd.s32 s0, s14;
	s11 =	sor.u32 $0x1EC0, s15;
	[sflag:s10] =	ssyncadd.s32 @!p2 $0xFFFFC000  }
0x80: {  	v18 =	vor.u32 s8, v0;
	[tilespmem:s11], [sflag:s13] =	stream.indirect.gather [hbm4b:s6+s22], $0x40, s30, s22, $0xb8;
	[tilespmem:$0x15EC0] =	vst v63  }
0x81: {  	v19 =	vmulhi.u32 $0x51EB851F, v18;
	s10 =	sor.u32 $0x3EC0, s15;
	s15 =	sor.u32 $0x80, s30  }
0x82: {  	[tilespmem:s10], [sflag:s13] =	stream.indirect.gather [hbm4b:s6+s22], $0x40, s15, s22, $0xb8;
	[tilespmem:$0x15EC0] =	vst v63  }
0x83: {  	v19 =	vshrl.u32 v19, $0x6;
	v20 =	vld [tilespmem:s30+$0x400]  }
0x84: {  	v19 =	vmul.u32 $0xC8, v19;
	v21 =	vld [tilespmem:s30+$0x0]  }
0x85: {  	v23 =	vld [tilespmem:s30+$0x10]  }
0x86: {  	v18 =	vsub.s32 v18, v19;
	v19 =	vld [tilespmem:s30+$0x410]  }
0x87: {  	v25 =	vld [tilespmem:s30+$0x420]  }
0x88: {  	v54 =	vld [tilespmem:s30+$0x40]  }
0x89: {  	s14 =	sor.u32 $0x30, s8;
	s11 =	sor.u32 $0x10, s8;
	v58 =	vld [tilespmem:s30+$0x60]  }
0x8a: {  	v27 =	vor.u32 s14, v0;
	v22 =	vor.u32 s11, v0;
	s11 =	sor.u32 $0x60, s8;
	v59 =	vld [tilespmem:s30+$0x470]  }
0x8b: {  	v28 =	vmulhi.u32 $0x51EB851F, v27;
	v30 =	vor.u32 s11, v0;
	s11 =	sor.u32 $0xB0, s8;
	v61 =	vld [tilespmem:s30+$0x80]  }
0x8c: {  	s14 =	sor.u32 $0x80, s8;
	v24 =	vmulhi.u32 $0x51EB851F, v22;
	v36 =	vld [tilespmem:s30+$0x490];
	v44 =	vor.u32 s11, v0  }
0x8d: {  	v33 =	vor.u32 s14, v0;
	s13 =	sor.u32 $0x20, s8;
	v39 =	vld [tilespmem:s30+$0x90];
	v35 =	vmulhi.u32 $0x51EB851F, v44  }
0x8e: {  	v60 =	vmulhi.u32 $0x51EB851F, v33;
	v26 =	vor.u32 s13, v0;
	s13 =	sor.u32 $0x70, s8;
	v43 =	vld [tilespmem:s30+$0x4B0]  }
0x8f: {  	v45 =	vld [tilespmem:s30+$0xA0];
	v24 =	vshrl.u32 v24, $0x6;
	v31 =	vor.u32 s13, v0;
	v35 =	vshrl.u32 v35, $0x6  }
0x90: {  	v50 =	vld [tilespmem:s30+$0xC0];
	v47 =	vmul.u32 $0xC8, v35;
	v20 =	vmul.u32 $0xC8, v20;
	vm0 =	veq.s32 v21, $0x0  }
0x91: {  	v21 =	vmul.u32 $0xC8, v24;
	v24 =	vmulhi.u32 $0x51EB851F, v26;
	v19 =	vmul.u32 $0xC8, v19  }
0x92: {  	vm13 =	veq.s32 v23, $0x0;
	v23 =	vmul.u32 $0xC8, v25;
	vm4 =	veq.s32 v54, $0x0  }
0x93: {  	vm6 =	veq.s32 v58, $0x0;
	v62 =	vmul.u32 $0xC8, v59;
	vm8 =	veq.s32 v61, $0x0  }
0x94: {  	s14 =	sor.u32 $0xD0, s8;
	v25 =	vld [tilespmem:s30+$0x30];
	v42 =	vmul.u32 $0xC8, v36;
	vm9 =	veq.s32 v39, $0x0;
	v49 =	vmul.u32 $0xC8, v43  }
0x95: {  	v36 =	vld [tilespmem:s30+$0xB0];
	vm10 =	veq.s32 v45, $0x0;
	v54 =	vor.u32 s14, v0;
	vm12 =	veq.s32 v50, $0x0  }
0x96: {  	v46 =	vsel vm9, $0x258, v17;
	v18 =	vadd.s32 v18, v20;
	v20 =	vsel vm0, $0x258, v17  }
0x97: {  	v18 =	vadd.s32 v20, v18;
	v20 =	vsub.s32 v22, v21;
	v21 =	vld [tilespmem:s30+$0x20];
	v22 =	vshrl.u32 v24, $0x6  }
0x98: {  	v24 =	vld [tilespmem:s30+$0x430];
	v22 =	vmul.u32 $0xC8, v22;
	v19 =	vadd.s32 v20, v19;
	v20 =	vsel vm13, $0x258, v17  }
0x99: {  	v58 =	vld [tilespmem:s30+$0xE0];
	[tilespmem:s30+$0x800] =	vst v18;
	v18 =	vsub.s32 v44, v47;
	v19 =	vadd.s32 v20, v19;
	vm15 =	veq.s32 v25, $0x0  }
0x9a: {  	v18 =	vadd.s32 v18, v49;
	vm11 =	veq.s32 v36, $0x0;
	v22 =	vsub.s32 v26, v22  }
0x9b: {  	s15 =	sor.u32 $0x40, s8;
	v57 =	vld [tilespmem:s30+$0x460];
	[tilespmem:s30+$0x810] =	vst v19;
	v19 =	vsel vm10, $0x258, v17;
	v20 =	vadd.s32 v22, v23;
	v22 =	vshrl.u32 v28, $0x6  }
0x9c: {  	v23 =	vor.u32 s15, v0;
	s15 =	sor.u32 $0x90, s8;
	vm14 =	veq.s32 v21, $0x0;
	v21 =	vmul.u32 $0xC8, v22  }
0x9d: {  	v24 =	vmul.u32 $0xC8, v24;
	v29 =	vmulhi.u32 $0x51EB851F, v23;
	v63 =	vor.u32 s15, v0  }
0x9e: {  	v22 =	vld [tilespmem:s30+$0x440];
	v26 =	vsel vm14, $0x258, v17;
	v37 =	vmulhi.u32 $0x51EB851F, v63;
	vm14 =	veq.s32 v58, $0x0  }
0x9f: {  	s10 =	sor.u32 $0x50, s8;
	v20 =	vadd.s32 v26, v20;
	v21 =	vsub.s32 v27, v21;
	v25 =	vshrl.u32 v29, $0x6  }
0xa0: {  	s13 =	sor.u32 $0xC0, s8;
	v26 =	vor.u32 s10, v0;
	v29 =	vmul.u32 $0xC8, v57;
	v57 =	vsel vm12, $0x258, v17  }
0xa1: {  	s15 =	sor.u32 $0xE0, s8;
	s10 =	sor.u32 $0xA0, s8;
	s8 =	sor.u32 $0xF0, s8;
	v21 =	vadd.s32 v21, v24;
	v24 =	vsel vm15, $0x258, v17;
	v55 =	vmulhi.u32 $0x51EB851F, v26  }
0xa2: {  	v27 =	vld [tilespmem:s30+$0x50];
	v34 =	vor.u32 s10, v0;
	v61 =	vor.u32 s8, v0;
	v21 =	vadd.s32 v24, v21  }
0xa3: {  	v24 =	vmul.u32 $0xC8, v25;
	v41 =	vmulhi.u32 $0x51EB851F, v34;
	v22 =	vmul.u32 $0xC8, v22  }
0xa4: {  	v25 =	vld [tilespmem:s30+$0x450];
	v56 =	vshrl.u32 v55, $0x6;
	[tilespmem:s30+$0x830] =	vst v21;
	v21 =	vsel vm11, $0x258, v17;
	v55 =	vmulhi.u32 $0x51EB851F, v54  }
0xa5: {  	v23 =	vsub.s32 v23, v24;
	v24 =	vmulhi.u32 $0x51EB851F, v30;
	v28 =	vshrl.u32 v41, $0x6  }
0xa6: {  	v18 =	vadd.s32 v21, v18;
	v22 =	vadd.s32 v23, v22;
	v23 =	vsel vm4, $0x258, v17  }
0xa7: {  	vm5 =	veq.s32 v27, $0x0;
	v27 =	vmulhi.u32 $0x51EB851F, v31;
	v28 =	vmul.u32 $0xC8, v28  }
0xa8: {  	v21 =	vld [tilespmem:s30+$0xD0];
	v22 =	vadd.s32 v23, v22;
	v23 =	vmul.u32 $0xC8, v56;
	v24 =	vshrl.u32 v24, $0x6  }
0xa9: {  	v56 =	vor.u32 s15, v0;
	v25 =	vmul.u32 $0xC8, v25;
	v24 =	vmul.u32 $0xC8, v24  }
0xaa: {  	v32 =	vld [tilespmem:s30+$0x480];
	v27 =	vshrl.u32 v27, $0x6;
	v28 =	vsub.s32 v34, v28;
	[tilespmem:s30+$0x840] =	vst v22;
	v22 =	vshrl.u32 v55, $0x6  }
0xab: {  	v53 =	vld [tilespmem:s30+$0x4D0];
	v59 =	vmulhi.u32 $0x51EB851F, v56;
	v23 =	vsub.s32 v26, v23;
	v27 =	vmul.u32 $0xC8, v27  }
0xac: {  	v26 =	vld [tilespmem:s30+$0x70];
	v22 =	vmul.u32 $0xC8, v22;
	v23 =	vadd.s32 v23, v25;
	v25 =	vsel vm5, $0x258, v17  }
0xad: {  	v40 =	vld [tilespmem:s30+$0x4A0];
	v24 =	vsub.s32 v30, v24;
	vm13 =	veq.s32 v21, $0x0;
	v23 =	vadd.s32 v25, v23  }
0xae: {  	v24 =	vadd.s32 v24, v29;
	v25 =	vsel vm6, $0x258, v17;
	v29 =	vsel vm8, $0x258, v17  }
0xaf: {  	v24 =	vadd.s32 v25, v24;
	v25 =	vsub.s32 v31, v27;
	v27 =	vshrl.u32 v60, $0x6  }
0xb0: {  	v22 =	vsub.s32 v54, v22;
	v27 =	vmul.u32 $0xC8, v27;
	v25 =	vadd.s32 v25, v62  }
0xb1: {  	[tilespmem:s30+$0x860] =	vst v24;
	v24 =	vmul.u32 $0xC8, v53;
	vm7 =	veq.s32 v26, $0x0;
	v26 =	vmul.u32 $0xC8, v32  }
0xb2: {  	[tilespmem:s30+$0x850] =	vst v23;
	v23 =	vld [tilespmem:s30+$0x4E0];
	v32 =	vmul.u32 $0xC8, v40;
	v38 =	vsel vm7, $0x258, v17;
	v27 =	vsub.s32 v33, v27  }
0xb3: {  	v62 =	vld [tilespmem:s30+$0xF0];
	v22 =	vadd.s32 v22, v24;
	v24 =	vsel vm13, $0x258, v17;
	v26 =	vadd.s32 v27, v26  }
0xb4: {  	v27 =	vshrl.u32 v37, $0x6;
	v25 =	vadd.s32 v38, v25;
	v37 =	vld [tilespmem:s30+$0x4C0];
	v38 =	vor.u32 s13, v0  }
0xb5: {  	v28 =	vadd.s32 v28, v32;
	v27 =	vmul.u32 $0xC8, v27;
	v48 =	vmulhi.u32 $0x51EB851F, v38  }
0xb6: {  	v26 =	vadd.s32 v29, v26;
	v19 =	vadd.s32 v19, v28;
	[tilespmem:s30+$0x870] =	vst v25;
	v25 =	vshrl.u32 v59, $0x6  }
0xb7: {  	v60 =	vld [tilespmem:s30+$0x4F0];
	v23 =	vmul.u32 $0xC8, v23;
	v21 =	vmul.u32 $0xC8, v25;
	v51 =	vshrl.u32 v48, $0x6  }
0xb8: {  	[tilespmem:s30+$0x820] =	vst v20;
	v27 =	vsub.s32 v63, v27;
	v63 =	vmulhi.u32 $0x51EB851F, v61;
	v52 =	vmul.u32 $0xC8, v51  }
0xb9: {  	[tilespmem:s30+$0x8A0] =	vst v19;
	v19 =	vadd.s32 v24, v22;
	vm15 =	veq.s32 v62, $0x0;
	v20 =	vmul.u32 $0xC8, v37  }
0xba: {  	[tilespmem:s30+$0x8B0] =	vst v18;
	v27 =	vadd.s32 v27, v42;
	v25 =	vshrl.u32 v63, $0x6;
	v29 =	vsub.s32 v38, v52  }
0xbb: {  	[tilespmem:s30+$0x880] =	vst v26;
	v21 =	vsub.s32 v56, v21;
	v22 =	vmul.u32 $0xC8, v25;
	v20 =	vadd.s32 v29, v20  }
0xbc: {  	[tilespmem:s30+$0x8D0] =	vst v19;
	v18 =	vadd.s32 v21, v23;
	v21 =	vmul.u32 $0xC8, v60;
	v20 =	vadd.s32 v57, v20  }
0xbd: {  	s8 =	sadd.s32 $0xFFFFFFFF, s29;
	v27 =	vadd.s32 v46, v27;
	v22 =	vsub.s32 v61, v22;
	[tilespmem:s30+$0x8C0] =	vst v20;
	v20 =	vsel vm14, $0x258, v17  }
0xbe: {  	p2 =	sgt.u32 s29, $0x16;
	s10 =	sand.u32 $0x1, s29;
	s11 =	sand.u32 $0xFF, s8;
	[tilespmem:s30+$0x890] =	vst v27;
	v19 =	vadd.s32 v22, v21;
	v18 =	vadd.s32 v20, v18;
	v20 =	vsel vm15, $0x258, v17  }
0xbf: {  	s9 =	sadd.s32 $0x5, s10;
	s15 =	sshll.u32 s10, $0xE;
	s10 =	smul.u32 $0xAB, s11;
	[tilespmem:s30+$0x8E0] =	vst v18;
	v18 =	vadd.s32 v20, v19  }
0xc0: {  	s14 =	sadd.s32 $0xDEC0, s15;
	s11 =	sadd.s32 $0xFEC0, s15;
	s13 =	sor.u32 $0x800, s30;
	[tilespmem:s30+$0x8F0] =	vst v18  }
0xc1: {  	[tilespmem:s14], [sflag:s9] =	stream.indirect.gather [spmem:s3], $0x40, s13, s22, $0xb8;
	[tilespmem:$0x15EC0] =	vst v63  }
0xc2: {  	s15 =	sshrl.u32 s10, $0x9;
	s10 =	sadd.s32 @!p2 $0x2, s29;
	s14 =	sor.u32 $0x880, s30  }
0xc3: {  	[tilespmem:s11], [sflag:s9] =	stream.indirect.gather [spmem:s3], $0x40, s14, s22, $0xb8;
	[tilespmem:$0x15EC0] =	vst v63  }
0xc4: {  	s11 =	sshll.u32 @!p2 s10, $0x8  }
0xc5: {  	s9 =	smul.u32 $0x3, s15;
	s10 =	sand.u32 @!p2 $0x3, s10;
	s11 =	sadd.s32 @!p2 s0, s11  }
0xc6: {  	s15 =	simm.s32 @!p2 $0x0;
	s13 =	sadd.s32 @!p2 $0x1, s10;
	s11 =	sshrl.u32 @!p2 s11, $0x3  }
0xc7: {  	s10 =	sshll.u32 @!p2 s10, $0x8;
	s9 =	ssub.s32 s8, s9;
	s14 =	sadd.s32 @!p2 s5, s11  }
0xc8: {  	[tilespmem:s10], [sflag:s13] =	stream.linear.gather @!p2 [hbm4b:s14+s15], $0x100, $0x38;
	[tilespmem:$0x15EC0] =	vst v63  }
0xc9: {  	s30 =	sand.u32 $0xFF, s9;
	s9 =	sor.u32 @!p2 $0x400, s10;
	s10 =	sadd.s32 @!p2 s7, s11  }
0xca: {  	[tilespmem:s9], [sflag:s13] =	stream.linear.gather @!p2 [hbm4b:s10+s15], $0x100, $0x38;
	[tilespmem:$0x15EC0] =	vst v63  }
0xcb: {  	s10 =	sadd.s32 $0x7, s30  }
0xcc: {  	_ =	swait.ge [sflag:s10], $0x2000  }
0xcd: {  	[sflag:s10] =	ssyncset.done $0x0  }
0xce: {  	[sflag:s10] =	ssyncadd.s32 $0xFFFFE000  }
0xcf: {  	_ =	swait.ge [sflag:s10], $0x2000  }
0xd0: {  	s11 =	sand.u32 $0x1, s8;
	[sflag:s10] =	ssyncset.done $0x0  }
0xd1: {  	s13 =	smulhi.u32 $0xAAAAAAAB, s26;
	[sflag:s10] =	ssyncadd.s32 $0xFFFFE000;
	s10 =	sadd.s32 $0x5, s11  }
0xd2: {  	_ =	swait.ge [sflag:s10], $0x2000  }
0xd3: {  	s14 =	sshrl.u32 s13, $0x1;
	[sflag:s10] =	ssyncset.done $0x0  }
0xd4: {  	s9 =	smul.u32 $0xFFFD0000, s14;
	[sflag:s10] =	ssyncadd.s32 $0xFFFFE000  }
0xd5: {  	s11 =	simm.s32 $0x1;
	_ =	swait.ge [sflag:s10], $0x2000  }
0xd6: {  	s9 =	sshra.s32 s9, $0x2;
	s11 =	simm.s32 @!p1 $0x0;
	[sflag:s10] =	ssyncset.done $0x0  }
0xd7: {  	s9 =	sadd.s32 s9, s28;
	s11 =	sshll.u32 s11, $0xE;
	[sflag:s10] =	ssyncadd.s32 $0xFFFFE000  }
0xd8: {  	s10 =	sadd.s32 $0xDF40, s11;
	v18 =	vld [tilespmem:s9+$0xC0]  }
0xd9: {  	v19 =	vld [tilespmem:s10+$0x40]  }
0xda: {  	v20 =	vld [tilespmem:s9+$0x40]  }
0xdb: {  	v21 =	vld [tilespmem:s10+$0xFFFFFFC0]  }
0xdc: {  	v22 =	vld [tilespmem:s9+$0x80]  }
0xdd: {  	v23 =	vld [tilespmem:s10+$0x0]  }
0xde: {  	v24 =	vld [tilespmem:s9+$0x0];
	v18 =	vadd.f32 v19, v18  }
0xdf: {  	v19 =	vld [tilespmem:s10+$0xFFFFFF80]  }
0xe0: {  	[tilespmem:s9+$0xC0] =	vst v18;
	v18 =	vld [tilespmem:s9+$0xD0]  }
0xe1: {  	v20 =	vadd.f32 v21, v20;
	v21 =	vld [tilespmem:s10+$0x50]  }
0xe2: {  	v25 =	vld [tilespmem:s9+$0x10]  }
0xe3: {  	[tilespmem:s9+$0x40] =	vst v20;
	v20 =	vadd.f32 v23, v22;
	v22 =	vld [tilespmem:s9+$0x50]  }
0xe4: {  	v23 =	vld [tilespmem:s10+$0xFFFFFFD0];
	v19 =	vadd.f32 v19, v24  }
0xe5: {  	[tilespmem:s9+$0x80] =	vst v20;
	v20 =	vld [tilespmem:s9+$0x90]  }
0xe6: {  	v24 =	vld [tilespmem:s10+$0x10];
	[tilespmem:s9+$0x0] =	vst v19;
	v18 =	vadd.f32 v21, v18  }
0xe7: {  	v19 =	vld [tilespmem:s10+$0xFFFFFF90]  }
0xe8: {  	[tilespmem:s9+$0xD0] =	vst v18;
	v18 =	vld [tilespmem:s9+$0xE0]  }
0xe9: {  	v21 =	vadd.f32 v23, v22;
	v22 =	vld [tilespmem:s10+$0x60]  }
0xea: {  	v23 =	vld [tilespmem:s9+$0x20]  }
0xeb: {  	[tilespmem:s9+$0x50] =	vst v21;
	v20 =	vadd.f32 v24, v20;
	v21 =	vld [tilespmem:s9+$0x60]  }
0xec: {  	v24 =	vld [tilespmem:s10+$0xFFFFFFE0];
	v19 =	vadd.f32 v19, v25  }
0xed: {  	[tilespmem:s9+$0x90] =	vst v20;
	v20 =	vld [tilespmem:s9+$0xA0]  }
0xee: {  	v25 =	vld [tilespmem:s10+$0x20];
	[tilespmem:s9+$0x10] =	vst v19;
	v18 =	vadd.f32 v22, v18  }
0xef: {  	v22 =	vld [tilespmem:s10+$0xFFFFFFA0]  }
0xf0: {  	v26 =	vld [tilespmem:s9+$0xF0];
	[tilespmem:s9+$0xE0] =	vst v18  }
0xf1: {  	v19 =	vadd.f32 v24, v21;
	v24 =	vld [tilespmem:s10+$0x70]  }
0xf2: {  	v18 =	vld [tilespmem:s9+$0x30]  }
0xf3: {  	[tilespmem:s9+$0x60] =	vst v19;
	v20 =	vadd.f32 v25, v20;
	v19 =	vld [tilespmem:s9+$0x70]  }
0xf4: {  	v21 =	vld [tilespmem:s10+$0xFFFFFFF0];
	v22 =	vadd.f32 v22, v23  }
0xf5: {  	[tilespmem:s9+$0xA0] =	vst v20;
	v20 =	vld [tilespmem:s9+$0xB0]  }
0xf6: {  	s15 =	sshll.u32 s30, $0xE;
	[tilespmem:s9+$0x20] =	vst v22;
	v22 =	vld [tilespmem:s10+$0x30];
	v24 =	vadd.f32 v24, v26  }
0xf7: {  	s13 =	simm.s32 $0x0;
	s14 =	sadd.s32 $0x100, s9;
	s11 =	sor.u32 $0x1EC0, s15;
	v23 =	vld [tilespmem:s10+$0xFFFFFFB0]  }
.LBB2_3:
0xf8: {  	v25 =	vld [tilespmem:s14+$0xC0];
	[tilespmem:s9+$0xF0] =	vst v24;
	s10 =	sadd.s32 $0x100, s10  }
0xf9: {  	s13 =	sadd.s32 $0x4, s13;
	v24 =	vld [tilespmem:s10+$0x40];
	v19 =	vadd.f32 v21, v19  }
0xfa: {  	p2 =	slt.u32 s13, $0xFC;
	v21 =	vld [tilespmem:s10+$0xFFFFFF80]  }
0xfb: {  	v26 =	vld [tilespmem:s14+$0x40];
	[tilespmem:s9+$0x70] =	vst v19;
	v19 =	vadd.f32 v22, v20  }
0xfc: {  	v20 =	vld [tilespmem:s10+$0xFFFFFFC0];
	v18 =	vadd.f32 v23, v18  }
0xfd: {  	v22 =	vld [tilespmem:s14+$0x80];
	[tilespmem:s9+$0xB0] =	vst v19  }
0xfe: {  	v19 =	vld [tilespmem:s10+$0x0];
	v23 =	vadd.f32 v24, v25;
	[tilespmem:s9+$0x30] =	vst v18;
	s9 =	smov.u32 s14  }
0xff: {  	v18 =	vld [tilespmem:s14+$0x0]  }
0x100: {  	[tilespmem:s14+$0xC0] =	vst v23;
	v23 =	vld [tilespmem:s14+$0xD0]  }
0x101: {  	v20 =	vadd.f32 v20, v26;
	v24 =	vld [tilespmem:s10+$0x50]  }
0x102: {  	v25 =	vld [tilespmem:s14+$0x10]  }
0x103: {  	[tilespmem:s14+$0x40] =	vst v20;
	v20 =	vld [tilespmem:s14+$0x50];
	v19 =	vadd.f32 v19, v22  }
0x104: {  	v18 =	vadd.f32 v21, v18;
	v21 =	vld [tilespmem:s10+$0xFFFFFFD0]  }
0x105: {  	[tilespmem:s14+$0x80] =	vst v19;
	v19 =	vld [tilespmem:s14+$0x90]  }
0x106: {  	[tilespmem:s14+$0x0] =	vst v18;
	v18 =	vld [tilespmem:s10+$0x10];
	v22 =	vadd.f32 v24, v23  }
0x107: {  	v23 =	vld [tilespmem:s10+$0xFFFFFF90]  }
0x108: {  	[tilespmem:s14+$0xD0] =	vst v22;
	v22 =	vld [tilespmem:s14+$0xE0]  }
0x109: {  	v20 =	vadd.f32 v21, v20;
	v21 =	vld [tilespmem:s10+$0x60]  }
0x10a: {  	v24 =	vld [tilespmem:s14+$0x20]  }
0x10b: {  	[tilespmem:s14+$0x50] =	vst v20;
	v20 =	vld [tilespmem:s14+$0x60];
	v18 =	vadd.f32 v18, v19  }
0x10c: {  	v19 =	vadd.f32 v23, v25;
	v23 =	vld [tilespmem:s10+$0xFFFFFFE0]  }
0x10d: {  	[tilespmem:s14+$0x90] =	vst v18;
	v25 =	vld [tilespmem:s14+$0xA0]  }
0x10e: {  	[tilespmem:s14+$0x10] =	vst v19;
	v26 =	vld [tilespmem:s10+$0x20];
	v18 =	vadd.f32 v21, v22  }
0x10f: {  	v21 =	vld [tilespmem:s10+$0xFFFFFFA0]  }
0x110: {  	[tilespmem:s14+$0xE0] =	vst v18;
	v27 =	vld [tilespmem:s14+$0xF0]  }
0x111: {  	v19 =	vadd.f32 v23, v20;
	v23 =	vld [tilespmem:s10+$0x70]  }
0x112: {  	v18 =	vld [tilespmem:s14+$0x30]  }
.Ltmp0:
0x113: {  	[tilespmem:s14+$0x60] =	vst v19;
	v19 =	vld [tilespmem:s14+$0x70];
	v20 =	vadd.f32 v26, v25;
	(pc) =	sbr.rel @p2 .LBB2_3-.Ltmp0, $4  }
0x114: {  	v22 =	vadd.f32 v21, v24;
	v21 =	vld [tilespmem:s10+$0xFFFFFFF0]  }
0x115: {  	[tilespmem:s14+$0xA0] =	vst v20;
	v20 =	vld [tilespmem:s14+$0xB0]  }
0x116: {  	[tilespmem:s14+$0x20] =	vst v22;
	v22 =	vld [tilespmem:s10+$0x30];
	v24 =	vadd.f32 v23, v27  }
0x117: {  	s14 =	sadd.s32 $0x100, s14;
	v23 =	vld [tilespmem:s10+$0xFFFFFFB0]  }
0x118: {  	_ = 	snop  }
0x119: {  	s29 =	sadd.s32 $0x1, s29  }
0x11a: {  	v19 =	vadd.f32 v21, v19;
	p2 =	sne.s32 s29, $0x19  }
.Ltmp1:
0x11b: {  	[tilespmem:s9+$0xF0] =	vst v24;
	s8 =	sshll.u32 s8, $0xE;
	v20 =	vadd.f32 v22, v20;
	(pc) =	sbr.rel @p2 .LBB2_2-.Ltmp1, $4  }
0x11c: {  	s8 =	sadd.s32 s12, s8;
	[tilespmem:s9+$0x70] =	vst v19;
	v18 =	vadd.f32 v23, v18  }
0x11d: {  	s30 =	sadd.s32 $0xA, s30;
	p1 =	por !p1, !p1;
	s8 =	sshrl.u32 s8, $0x3;
	[tilespmem:s9+$0xB0] =	vst v20  }
0x11e: {  	s28 =	sadd.s32 $0x4000, s28;
	s26 =	sadd.s32 $0x1, s26;
	s8 =	sadd.s32 s1, s8;
	[tilespmem:s9+$0x30] =	vst v18  }
0x11f: {  	[hbm4b:s8+s4] =	stream.linear.scatter [tilespmem:s11], [sflag:s30], $0x4000, $0x38;
	[tilespmem:$0x15EC0] =	vst v63  }
0x120: {  	_ =	swait.ge [sflag:s2], $0x2000  }
0x121: {  	[sflag:s2] =	ssyncset.done $0x0  }
0x122: {  	[sflag:s2] =	ssyncadd.s32 $0xFFFFE000  }
0x123: {  	_ =	swait.ge [sflag:s2], $0x2000  }
0x124: {  	[sflag:s2] =	ssyncset.done $0x0  }
0x125: {  	[sflag:s2] =	ssyncadd.s32 $0xFFFFE000  }
0x126: {  	_ =	swait.ge [sflag:s19], $0x2000  }
0x127: {  	[sflag:s19] =	ssyncset.done $0x0  }
0x128: {  	[sflag:s19] =	ssyncadd.s32 $0xFFFFE000  }
0x129: {  	_ =	swait.ge [sflag:s19], $0x2000  }
0x12a: {  	[sflag:s19] =	ssyncset.done $0x0  }
0x12b: {  	s8 =	simm.s32 $0x1F40;
	[sflag:s19] =	ssyncadd.s32 $0xFFFFE000  }
0x12c: {  	s9 =	simm.s32 $0xDF40;
	v18 =	vld [tilespmem:s8+$0x40]  }
0x12d: {  	v19 =	vld [tilespmem:s9+$0x40]  }
0x12e: {  	v20 =	vld [tilespmem:s8+$0xFFFFFFC0]  }
0x12f: {  	v21 =	vld [tilespmem:s9+$0xFFFFFFC0]  }
0x130: {  	v22 =	vld [tilespmem:s8+$0x0]  }
0x131: {  	v23 =	vld [tilespmem:s9+$0x0]  }
0x132: {  	v24 =	vld [tilespmem:s8+$0xFFFFFF80];
	v18 =	vadd.f32 v19, v18  }
0x133: {  	v19 =	vld [tilespmem:s9+$0xFFFFFF80]  }
0x134: {  	[tilespmem:s8+$0x40] =	vst v18;
	v18 =	vld [tilespmem:s8+$0x50]  }
0x135: {  	v20 =	vadd.f32 v21, v20;
	v21 =	vld [tilespmem:s9+$0x50]  }
0x136: {  	v25 =	vld [tilespmem:s8+$0xFFFFFF90]  }
0x137: {  	[tilespmem:s8+$0xFFFFFFC0] =	vst v20;
	v20 =	vadd.f32 v23, v22;
	v22 =	vld [tilespmem:s8+$0xFFFFFFD0]  }
0x138: {  	v23 =	vld [tilespmem:s9+$0xFFFFFFD0];
	v19 =	vadd.f32 v19, v24  }
0x139: {  	[tilespmem:s8+$0x0] =	vst v20;
	v20 =	vld [tilespmem:s8+$0x10]  }
0x13a: {  	v24 =	vld [tilespmem:s9+$0x10];
	[tilespmem:s8+$0xFFFFFF80] =	vst v19;
	v18 =	vadd.f32 v21, v18  }
0x13b: {  	v19 =	vld [tilespmem:s9+$0xFFFFFF90]  }
0x13c: {  	[tilespmem:s8+$0x50] =	vst v18;
	v18 =	vld [tilespmem:s8+$0x60]  }
0x13d: {  	v21 =	vadd.f32 v23, v22;
	v22 =	vld [tilespmem:s9+$0x60]  }
0x13e: {  	v23 =	vld [tilespmem:s8+$0xFFFFFFA0]  }
0x13f: {  	[tilespmem:s8+$0xFFFFFFD0] =	vst v21;
	v20 =	vadd.f32 v24, v20;
	v21 =	vld [tilespmem:s8+$0xFFFFFFE0]  }
0x140: {  	v24 =	vld [tilespmem:s9+$0xFFFFFFE0];
	v19 =	vadd.f32 v19, v25  }
0x141: {  	[tilespmem:s8+$0x10] =	vst v20;
	v20 =	vld [tilespmem:s8+$0x20]  }
0x142: {  	v25 =	vld [tilespmem:s9+$0x20];
	[tilespmem:s8+$0xFFFFFF90] =	vst v19;
	v18 =	vadd.f32 v22, v18  }
0x143: {  	v22 =	vld [tilespmem:s9+$0xFFFFFFA0]  }
0x144: {  	v26 =	vld [tilespmem:s8+$0x70];
	[tilespmem:s8+$0x60] =	vst v18  }
0x145: {  	v19 =	vadd.f32 v24, v21;
	v24 =	vld [tilespmem:s9+$0x70]  }
0x146: {  	v18 =	vld [tilespmem:s8+$0xFFFFFFB0]  }
0x147: {  	[tilespmem:s8+$0xFFFFFFE0] =	vst v19;
	v20 =	vadd.f32 v25, v20;
	v19 =	vld [tilespmem:s8+$0xFFFFFFF0]  }
0x148: {  	v21 =	vld [tilespmem:s9+$0xFFFFFFF0];
	v22 =	vadd.f32 v22, v23  }
0x149: {  	[tilespmem:s8+$0x20] =	vst v20;
	v20 =	vld [tilespmem:s8+$0x30]  }
0x14a: {  	[tilespmem:s8+$0xFFFFFFA0] =	vst v22;
	v22 =	vld [tilespmem:s9+$0x30];
	v24 =	vadd.f32 v24, v26  }
0x14b: {  	s10 =	simm.s32 $0x0;
	s11 =	simm.s32 $0x2040;
	v23 =	vld [tilespmem:s9+$0xFFFFFFB0]  }
.LBB2_6:
0x14c: {  	v25 =	vld [tilespmem:s11+$0x40];
	[tilespmem:s8+$0x70] =	vst v24;
	s9 =	sadd.s32 $0x100, s9  }
0x14d: {  	s10 =	sadd.s32 $0x4, s10;
	v24 =	vld [tilespmem:s9+$0x40];
	v19 =	vadd.f32 v21, v19  }
0x14e: {  	p1 =	slt.u32 s10, $0xFC;
	v21 =	vld [tilespmem:s9+$0xFFFFFF80]  }
0x14f: {  	v26 =	vld [tilespmem:s11+$0xFFFFFFC0];
	[tilespmem:s8+$0xFFFFFFF0] =	vst v19;
	v19 =	vadd.f32 v22, v20  }
0x150: {  	v20 =	vld [tilespmem:s9+$0xFFFFFFC0];
	v18 =	vadd.f32 v23, v18  }
0x151: {  	v22 =	vld [tilespmem:s11+$0x0];
	[tilespmem:s8+$0x30] =	vst v19  }
0x152: {  	v19 =	vld [tilespmem:s9+$0x0];
	v23 =	vadd.f32 v24, v25;
	[tilespmem:s8+$0xFFFFFFB0] =	vst v18;
	s8 =	smov.u32 s11  }
0x153: {  	v18 =	vld [tilespmem:s11+$0xFFFFFF80]  }
0x154: {  	[tilespmem:s11+$0x40] =	vst v23;
	v23 =	vld [tilespmem:s11+$0x50]  }
0x155: {  	v20 =	vadd.f32 v20, v26;
	v24 =	vld [tilespmem:s9+$0x50]  }
0x156: {  	v25 =	vld [tilespmem:s11+$0xFFFFFF90]  }
0x157: {  	[tilespmem:s11+$0xFFFFFFC0] =	vst v20;
	v20 =	vld [tilespmem:s11+$0xFFFFFFD0];
	v19 =	vadd.f32 v19, v22  }
0x158: {  	v18 =	vadd.f32 v21, v18;
	v21 =	vld [tilespmem:s9+$0xFFFFFFD0]  }
0x159: {  	[tilespmem:s11+$0x0] =	vst v19;
	v19 =	vld [tilespmem:s11+$0x10]  }
0x15a: {  	[tilespmem:s11+$0xFFFFFF80] =	vst v18;
	v18 =	vld [tilespmem:s9+$0x10];
	v22 =	vadd.f32 v24, v23  }
0x15b: {  	v23 =	vld [tilespmem:s9+$0xFFFFFF90]  }
0x15c: {  	[tilespmem:s11+$0x50] =	vst v22;
	v22 =	vld [tilespmem:s11+$0x60]  }
0x15d: {  	v20 =	vadd.f32 v21, v20;
	v21 =	vld [tilespmem:s9+$0x60]  }
0x15e: {  	v24 =	vld [tilespmem:s11+$0xFFFFFFA0]  }
0x15f: {  	[tilespmem:s11+$0xFFFFFFD0] =	vst v20;
	v20 =	vld [tilespmem:s11+$0xFFFFFFE0];
	v18 =	vadd.f32 v18, v19  }
0x160: {  	v19 =	vadd.f32 v23, v25;
	v23 =	vld [tilespmem:s9+$0xFFFFFFE0]  }
0x161: {  	[tilespmem:s11+$0x10] =	vst v18;
	v25 =	vld [tilespmem:s11+$0x20]  }
0x162: {  	[tilespmem:s11+$0xFFFFFF90] =	vst v19;
	v26 =	vld [tilespmem:s9+$0x20];
	v18 =	vadd.f32 v21, v22  }
0x163: {  	v21 =	vld [tilespmem:s9+$0xFFFFFFA0]  }
0x164: {  	[tilespmem:s11+$0x60] =	vst v18;
	v27 =	vld [tilespmem:s11+$0x70]  }
0x165: {  	v19 =	vadd.f32 v23, v20;
	v23 =	vld [tilespmem:s9+$0x70]  }
0x166: {  	v18 =	vld [tilespmem:s11+$0xFFFFFFB0]  }
.Ltmp2:
0x167: {  	[tilespmem:s11+$0xFFFFFFE0] =	vst v19;
	v19 =	vld [tilespmem:s11+$0xFFFFFFF0];
	v20 =	vadd.f32 v26, v25;
	(pc) =	sbr.rel @p1 .LBB2_6-.Ltmp2, $4  }
0x168: {  	v22 =	vadd.f32 v21, v24;
	v21 =	vld [tilespmem:s9+$0xFFFFFFF0]  }
0x169: {  	[tilespmem:s11+$0x20] =	vst v20;
	v20 =	vld [tilespmem:s11+$0x30]  }
0x16a: {  	[tilespmem:s11+$0xFFFFFFA0] =	vst v22;
	v22 =	vld [tilespmem:s9+$0x30];
	v24 =	vadd.f32 v23, v27  }
0x16b: {  	s11 =	sadd.s32 $0x100, s11;
	v23 =	vld [tilespmem:s9+$0xFFFFFFB0]  }
0x16c: {  	_ =	sdelay $0x1  }
0x16d: {  	v19 =	vadd.f32 v21, v19  }
0x16e: {  	[tilespmem:s8+$0x70] =	vst v24;
	v20 =	vadd.f32 v22, v20  }
0x16f: {  	[tilespmem:s8+$0xFFFFFFF0] =	vst v19;
	v18 =	vadd.f32 v23, v18  }
0x170: {  	[tilespmem:s8+$0x30] =	vst v20  }
0x171: {  	[tilespmem:s8+$0xFFFFFFB0] =	vst v18  }
0x172: {  	[hbm4b:s16+s4] =	stream.linear.scatter [tilespmem:s20], [sflag:$0xA], $0x4000, $0x38;
	[tilespmem:$0x15EC0] =	vst v63  }
0x173: {  	_ =	swait.ge [sflag:s21], $0x4000  }
0x174: {  	[sflag:s21] =	ssyncset.done $0x0  }
0x175: {  	s25 =	sadd.s32 $0x1, s25;
	[sflag:s21] =	ssyncadd.s32 $0xFFFFC000  }
0x176: {  	p1 =	sne.s32 s25, s17;
	_ =	swait.ge [sflag:s23], $0x4000  }
.Ltmp3:
0x177: {  	[sflag:s23] =	ssyncset.done $0x0;
	(pc) =	sbr.rel @p1 .LBB2_1-.Ltmp3, $4  }
0x178: {  	[sflag:s23] =	ssyncadd.s32 $0xFFFFC000  }
0x179: {  	_ =	swait.ge [sflag:s24], $0x4000  }
0x17a: {  	[sflag:s24] =	ssyncset.done $0x0  }
0x17b: {  	[sflag:s24] =	ssyncadd.s32 $0xFFFFC000  }
0x17c: {  	_ =	sfence.sel $0x180000  }
0x17d: {  	[bflag:$0x0] =	sbarrier.arrive $0xFFFF  }
0x17e: {  	_ =	strace $0x90000047  }
0x17f: {  	[bflag:$0x2] =	sbarrier.arrive $0xFFFF  }
0x180: {  	s0 =	rddreg [dreg:$0x3]  }
0x181: {  	s0 =	sadd.s32 @!p0 $0x100000, s0  }
0x182: {  	[sflag:s0] =	ssyncadd.tile.s32 @!p0 $0x1;
	_ =	shalt  }
.Lfunc_end2:
_tile_overlayer_lowered:
.L_overlay_start_2:
0x183: {  	(tag) =	ssettag $0x2  }
0x184: {  	s0 =	rddreg [dreg:$0x0];
	s2 =	stileid.u32  }
0x185: {  	s1 =	rddreg [dreg:$0x1];
	p0 =	sne.s32 s2, $0x0  }
0x186: {  	s3 =	rddreg [dreg:$0x2];
	[bflag:$0x3] =	sbarrier.arrive $0xFFFF;
	s2 =	simm.s32 @!p0 $0x1C0D  }
0x187: {  	[timem:s3], [sflag:s2] =	dma.local @!p0 [hbm:s0], s1  }
0x188: {  	s0 =	simm.s32 @!p0 $0xD  }
0x189: {  	_ =	swait.ge @!p0 [sflag:s0], s1  }
0x18a: {  	s1 =	ssub.s32 @!p0 $0x0, s1;
	[sflag:s0] =	ssyncset.done @!p0 $0x0  }
0x18b: {  	[sflag:s0] =	ssyncadd.s32 @!p0 s1  }
0x18c: {  	[bflag:$0x3] =	sbarrier.arrive $0xFFFF  }
0x18d: {  	_ =	shalt  }

// kernel: sparse-core-data-format-call.cloned.1.call-start
scs
called_computation_lowered:
.L_overlay_start_0:
0x0: {  	s2 =	sld [smem:$0x3FD9]  }
0x1: {  	s3 =	sld [smem:$0x3FFE];
	_ =	sdelay $0x1  }
0x2: {  	s1 =	srdreg.scid  }
0x3: {  	s0 =	sand.u32 $0x1, s1  }
0x4: {  	s18 =	sshll.u32 s0, $0xA;
	s2 =	sadd.s32 s3, s2  }
0x5: {  	s2 =	sadd.s32 s2, s18  }
0x6: {  	[smem:$0x3FC3] =	sst s2  }
0x7: {  	_ = 	snop  }
0x8: {  	s2 =	sld [smem:$0x3FD0];
	(tm) =	ssettm $0x1  }
0x9: {  	s19 =	sld [smem:$0x3FFB];
	_ =	sdelay $0x3  }
0xa: {  	_ =	strace s19  }
0xb: {  	s3 =	sld [smem:$0x3FFC];
	_ =	sdelay $0x3  }
0xc: {  	_ =	strace s3  }
0xd: {  	s3 =	sld [smem:$0x3FFD];
	_ =	sdelay $0x3  }
0xe: {  	_ =	strace s3  }
0xf: {  	_ =	strace $0x8FFFFFFF  }
0x10: {  	s20 =	sld [smem:$0x3FDB];
	_ =	sdelay $0x1  }
0x11: {  	s4 =	simm.s32 $_scs_section_size  }
0x12: {  	s5 =	simm.s32 $_size__tile_overlayer_lowered;
	s6 =	simm.s32 $_tile_overlayer_lowered  }
0x13: {  	s23 =	simm.s32 $0x1BFF;
	s22 =	sshll.u32 s6, $0x1;
	s3 =	sadd.s32 s4, s20  }
0x14: {  	s7 =	simm.s32 $0x0;
	s21 =	sshll.u32 s5, $0x1;
	s5 =	sadd.s32 s22, s3  }
0x15: {  	[timem:s7], [sflag:s23] =	dma.local [hbm:s5], s21  }
0x16: {  	_ =	swait.ge [sflag:s23], s21  }
0x17: {  	s4 =	ssub.s32 $0x0, s21;
	[sflag:s23] =	ssyncset.done $0x0  }
0x18: {  	[sflag:s23] =	ssyncadd.s32 s4;
	_ =	sdelay $0x1  }
0x19: {  	s24 =	simm.s32 $0x1B8B  }
0x1a: {  	_ =	swait.ge [sflag:s24], $0x1  }
0x1b: {  	[sflag:s24] =	ssyncset.done $0x0  }
0x1c: {  	s26 =	simm.s32 $0x1B8E;
	s25 =	sld [smem:$0x3FFE];
	[sflag:s24] =	ssyncadd.s32 $0xFFFFFFFF  }
0x1d: {  	s27 =	simm.s32 $execute0_lowered;
	[smem:$0x3FD2] =	sst s26  }
0x1e: {  	s5 =	sshll.u32 s27, $0x1;
	_ =	strace $0x80000049;
	[dreg:$0x1] =	wrdreg $0xFFFFFFFF  }
0x1f: {  	s28 =	simm.s32 $_size_execute0_lowered;
	s3 =	sadd.s32 s3, s5;
	[dreg:$0x0] =	wrdreg $0x0  }
0x20: {  	s5 =	sshll.u32 s28, $0x1;
	[dreg:$0x2] =	wrdreg s3  }
0x21: {  	[dreg:$0x3] =	wrdreg s5  }
0x22: {  	[dreg:$0x4] =	wrdreg $0xC0  }
0x23: {  	_ =	task [dreg:s7], $0x5FFFF  }
0x24: {  	[dreg:$0x1] =	wrdreg $0xFFFFFFFF  }
0x25: {  	[dreg:$0x0] =	wrdreg $0x60  }
0x26: {  	[dreg:$0x2] =	wrdreg s25  }
0x27: {  	[dreg:$0x3] =	wrdreg s2  }
0x28: {  	[dreg:$0x4] =	wrdreg $0x9  }
0x29: {  	_ =	task.clear_ibuf [dreg:s7], $0x5FFFF;
	_ =	strace $0x90000049  }
0x2a: {  	s29 =	simm.s32 $0x9;
	_ =	strace $0x8000004B  }
0x2b: {  	_ =	swait.ge [sflag:s29], $0x1  }
0x2c: {  	[sflag:s29] =	ssyncadd.s32 $0xFFFFFFFF  }
0x2d: {  	_ =	strace $0x9000004B  }
0x2e: {  	_ =	sfence  }
0x2f: {  	s30 =	sld [smem:$0x0];
	_ =	sdelay $0x2  }
0x30: {  	s31 =	sshll.u32 s1, $0xD;
	s1 =	sshrl.u32 s1, $0x2  }
0x31: {  	s3 =	sand.u32 $0x4000, s31;
	s1 =	sadd.s32 s1, s30  }
0x32: {  	s0 =	sor.u32 s3, s0;
	s1 =	sshll.u32 s1, $0x11  }
0x33: {  	s0 =	sor.u32 s1, s0  }
0x34: {  	s0 =	sadd.s32 $0x8F2B, s0  }
0x35: {  	[sflag:s0] =	ssyncadd.remote.s32 $0x1  }
0x36: {  	_ =	sfence.sel $0xFFFF  }
0x37: {  	[dreg:$0x0] =	wrdreg $0xFFFFFFFF;
	(pc) =	sbr.abs _section_cstart, $3  }
0x38: {  	[dreg:$0x1] =	wrdreg $0xFFFFFFFF  }
0x39: {  	_ =	task.clear_ibuf [dreg:s7], $0x2FFFF;
	_ =	strace $0x9FFFFFFF  }
0x3a: {  	(tm) =	ssettm $0x7FFFFFFF  }
0x3b: {  	_ =	shalt  }
tec
execute0_lowered:
.L_overlay_start_1:
0x0: {  	(tag) =	ssettag $0x1  }
0x1: {  	s0 =	stileid.u32;
	s6 =	rddreg [dreg:$0x0]  }
0x2: {  	s2 =	rddreg [dreg:$0x1];
	s5 =	srdreg.scid  }
0x3: {  	s31 =	simm.s32 $0x2;
	s13 =	simm.s32 $0x0;
	s1 =	sshll.u32 s0, $0x7  }
0x4: {  	s14 =	simm.s32 $0x0;
	s12 =	simm.s32 $0x0;
	s3 =	sand.u32 $0x380, s1  }
0x5: {  	s5 =	sshll.u32 s5, $0x4;
	s6 =	sadd.s32 $0xE00, s6;
	s4 =	ssub.s32 $0x400, s3  }
0x6: {  	s1 =	rddreg [dreg:$0x2];
	_ =	strace $0x8000004A;
	s7 =	sand.u32 $0x380, s4  }
0x7: {  	s5 =	sand.u32 $0x10, s5;
	p0 =	sne.s32 s7, $0x0;
	s7 =	simm.s32 $0x1  }
.Ltmp0:
0x8: {  	s8 =	sshrl.u32 s4, $0xA;
	s7 =	simm.s32 @!p0 $0x0;
	(pc) =	sbr.rel .LBB1_1-.Ltmp0, $4  }
0x9: {  	s9 =	sor.u32 s0, s5;
	s4 =	simm.s32 $0x1;
	s30 =	sadd.s32 s7, s8  }
0xa: {  	s11 =	smov.u32 s3;
	[sflag:s4] =	ssyncpa.u1 $0x0;
	s5 =	smul.u32 $0x32, s30  }
0xb: {  	[sflag:s31] =	ssyncpa.u1 $0x0;
	p0 =	por $0x0, $0x0;
	s7 =	sshrl.u32 s9, $0x3  }
0xc: {  	s9 =	simm.s32 $0x2000;
	s10 =	smov.u32 s7;
	s8 =	sor.u32 $0x1, s5  }
.LBB1_4:
0xd: {  	s17 =	sand.u32 $0x1F80, s14;
	s13 =	sshll.u32 s13, $0xD  }
0xe: {  	[tilespmem:s16+$0x810 ss:$0x81] =	vst.msk $0xffff, v2;
	s18 =	sshrl.u32 s14, $0x3;
	s31 =	sand.u32 $0x7, s14;
	s17 =	sadd.s32 s2, s17  }
0xf: {  	[tilespmem:s16+$0x1020 ss:$0x81] =	vst.msk $0xffff, v0;
	s18 =	sand.u32 $0xF, s18;
	s14 =	sshll.u32 s31, $0x12;
	s13 =	sadd.s32 s13, s17  }
0x10: {  	[tilespmem:s16+$0x0 ss:$0x81] =	vst.msk $0xffff, v1;
	s14 =	sor.u32 $0x400, s14;
	s13 =	sadd.s32 s18, s13  }
0x11: {  	[hbm4b:s13+s14] =	stream.strided.scatter [tilespmem:s15], [sflag:$0x2], $0x2000, s9, s14, $0x20;
	[tilespmem:$0x8080] =	vst v63  }
.LBB1_5:
0x12: {  	s15 =	sadd.s32 $0x4, s10  }
0x13: {  	s13 =	sadd.s32 $0x400, s11;
	s17 =	smov.u32 s11;
	p2 =	sgt.s32 s15, $0xC7  }
0x14: {  	s17 =	smov.u32 @p2 s13  }
0x15: {  	s15 =	smov.u32 @p2 s7;
	p2 =	sgt.s32 s17, $0x3FF  }
0x16: {  	s17 =	smov.u32 @p2 s3;
	p2 =	sne.s32 s12, s8  }
.Ltmp1:
0x17: {  	p1 =	slt.u32 s12, $0x2;
	(pc) =	sbr.rel @!p2 .LBB1_6-.Ltmp1, $4  }
0x18: {  	s16 =	simm.s32 @!p1 $0x2  }
0x19: {  	s14 =	smov.u32 s11;
	p0 =	por !p0, !p0;
	_ =	swait.ge @!p1 [sflag:s16], $0x2000  }
0x1a: {  	s13 =	smov.u32 s10;
	[sflag:s16] =	ssyncset.done @!p1 $0x0;
	s10 =	smov.u32 s15  }
0x1b: {  	s12 =	sadd.s32 $0x1, s12;
	[sflag:s16] =	ssyncadd.s32 @!p1 $0xFFFFE000;
	s11 =	smov.u32 s17  }
.LBB1_1:
0x1c: {  	p1 =	sge.u32 s12, s5  }
0x1d: {  	s15 =	sand.u32 @!p1 $0x1FFFFFF, s10  }
0x1e: {  	s16 =	smulhi.u32 @!p1 $0x147AE15, s15;
	_ =	sdelay $0x1  }
0x1f: {  	s16 =	smul.u32 @!p1 $0xC8, s16  }
0x20: {  	s17 =	sxor.u32 @!p1 $0xFFFFFFFF, s12;
	s18 =	smul.u32 @!p1 $0xC80, s11  }
0x21: {  	s31 =	sadd.s32 $0xFFFFFFFF, s12;
	s17 =	sshll.u32 @!p1 s17, $0xD;
	s15 =	ssub.s32 @!p1 s15, s16  }
0x22: {  	s16 =	sand.u32 @!p1 $0x2000, s17;
	s17 =	sadd.s32 @!p1 s6, s18;
	s15 =	sshll.u32 @!p1 s15, $0x4  }
0x23: {  	s18 =	simm.s32 @!p1 $0x6400;
	s15 =	sadd.s32 @!p1 s15, s17;
	s17 =	simm.s32 @!p1 $0x40  }
0x24: {  	[tilespmem:s16], [sflag:$0x1] =	stream.strided.gather @!p1 [hbm4b:s15+s17], $0x2000, s18, s17, $0x38;
	[tilespmem:$0x8080] =	vst v63  }
0x25: {  	p1 =	sge.u32 s31, s5  }
.Ltmp2:
0x26: {  	_ = 	snop;
	(pc) =	sbr.rel @p1 .LBB1_5-.Ltmp2, $1  }
0x27: {  	_ =	sdelay $0x3  }
0x28: {  	s15 =	simm.s32 $0x1  }
0x29: {  	_ =	swait.ge [sflag:s4], $0x2000;
	s15 =	simm.s32 @!p0 $0x0  }
0x2a: {  	[sflag:s4] =	ssyncset.done $0x0;
	s16 =	sshll.u32 s15, $0xD  }
0x2b: {  	[sflag:s4] =	ssyncadd.s32 $0xFFFFE000;
	s19 =	sor.u32 $0x20, s16  }
0x2c: {  	s15 =	smul.u32 $0x8100, s15;
	v3 =	vld [tilespmem:s19+$0x10]  }
0x2d: {  	s30 =	sand.u32 $0x1, s12;
	v2 =	vld [tilespmem:s19+$0xFFFFFFF0]  }
0x2e: {  	s16 =	smul.u32 $0x8100, s30;
	s15 =	sshrl.u32 s15, $0x2;
	v0 =	vld [tilespmem:s19+$0x0]  }
0x2f: {  	v1 =	vld [tilespmem:s19+$0xFFFFFFE0];
	s17 =	sor.u32 $0x4000, s15  }
0x30: {  	s31 =	sshrl.u32 s16, $0x2;
	s16 =	sadd.s32 $0x0, s17  }
0x31: {  	s18 =	simm.s32 $0x4;
	s19 =	sadd.s32 $0x40, s19;
	s15 =	sor.u32 $0x4000, s31;
	[tilespmem:s16+$0x1830 ss:$0x81] =	vst.msk $0xffff, v3  }
.LBB1_3:
0x32: {  	v3 =	vld [tilespmem:s19+$0x10];
	p1 =	sne.s32 s18, $0x1FC;
	[tilespmem:s16+$0x810 ss:$0x81] =	vst.msk $0xffff, v2;
	s20 =	smov.u32 s18;
	s18 =	sadd.s32 $0x4, s18  }
.Ltmp3:
0x33: {  	v2 =	vld [tilespmem:s19+$0xFFFFFFF0];
	[tilespmem:s16+$0x1020 ss:$0x81] =	vst.msk $0xffff, v0;
	(pc) =	sbr.rel @p1 .LBB1_3-.Ltmp3, $4  }
0x34: {  	v0 =	vld [tilespmem:s19+$0x0];
	[tilespmem:s16+$0x0 ss:$0x81] =	vst.msk $0xffff, v1  }
0x35: {  	s16 =	sshra.s32 s20, $0x2;
	v1 =	vld [tilespmem:s19+$0xFFFFFFE0]  }
0x36: {  	s16 =	sadd.s32 s16, s17  }
0x37: {  	s19 =	sadd.s32 $0x40, s19;
	[tilespmem:s16+$0x1830 ss:$0x81] =	vst.msk $0xffff, v3  }
.Ltmp4:
0x38: {  	_ = 	snop;
	(pc) =	sbr.rel .LBB1_4-.Ltmp4, $1  }
0x39: {  	_ =	sdelay $0x3  }
.LBB1_6:
0x3a: {  	_ =	sfence.sel $0x180000  }
0x3b: {  	s2 =	simm.s32 $0x1;
	[bflag:$0x0] =	sbarrier.arrive $0xFFFF  }
0x3c: {  	s31 =	simm.s32 $0x2;
	[sflag:s2] =	ssyncpa.u1 $0x1  }
0x3d: {  	[sflag:s31] =	ssyncpa.u1 $0x1  }
0x3e: {  	p0 =	sne.s32 s0, $0x0;
	_ =	strace $0x9000004A  }
0x3f: {  	s0 =	sadd.s32 @!p0 $0x100000, s1;
	[bflag:$0x2] =	sbarrier.arrive $0xFFFF  }
0x40: {  	[sflag:s0] =	ssyncadd.tile.s32 @!p0 $0x1;
	_ =	shalt  }
.Lfunc_end1:
_tile_overlayer_lowered:
.L_overlay_start_2:
0x41: {  	(tag) =	ssettag $0x2  }
0x42: {  	s0 =	rddreg [dreg:$0x0];
	s2 =	stileid.u32  }
0x43: {  	s1 =	rddreg [dreg:$0x1];
	p0 =	sne.s32 s2, $0x0  }
0x44: {  	s3 =	rddreg [dreg:$0x2];
	[bflag:$0x3] =	sbarrier.arrive $0xFFFF;
	s2 =	simm.s32 @!p0 $0x1C01  }
0x45: {  	[timem:s3], [sflag:s2] =	dma.local @!p0 [hbm:s0], s1  }
0x46: {  	s0 =	simm.s32 @!p0 $0x1  }
0x47: {  	_ =	swait.ge @!p0 [sflag:s0], s1  }
0x48: {  	s1 =	ssub.s32 @!p0 $0x0, s1;
	[sflag:s0] =	ssyncset.done @!p0 $0x0  }
0x49: {  	[sflag:s0] =	ssyncadd.s32 @!p0 s1  }
0x4a: {  	[bflag:$0x3] =	sbarrier.arrive $0xFFFF  }
0x4b: {  	_ =	shalt  }

</sc_bundles>
